<compile_context>
chip_gen: v7x
topology: tpu7x:2x2x1
jax: 0.10.2.dev20260603
libtpu: 0.0.44.dev20260713+nightly
codegen_flags: <defaults>
</compile_context>

<pallas_src>
import functools

import jax
import jax.numpy as jnp
from jax import lax
from jax.experimental import pallas as pl
from jax.experimental.pallas import tpu as pltpu
from jax.experimental.pallas import tpu_sc as plsc

N = 10000
E = 320000

_NC = 2
_NS = 16
_NW = _NC * _NS
_EPT = E // _NW
_C = 80
_NFULL = 124
_CT = _EPT - _NFULL * _C
_L = 16
_NPT = 632
_NPAD = 10240
_NB = _NPAD // _NS
_CP = 128
_EPP = 10240
_NCHP = _EPP // _CP


@functools.lru_cache(maxsize=None)
def _make_segsum(with_deg):
    D = 128
    mesh = plsc.VectorSubcoreMesh(core_axis_name="c", subcore_axis_name="s")
    out_type = [jax.ShapeDtypeStruct((_NC * N, D), jnp.float32)]
    scratch = [
        pltpu.VMEM((2, _C), jnp.int32),
        pltpu.VMEM((2, _C), jnp.int32),
        pltpu.VMEM((2, _C, D), jnp.float32),
        pltpu.VMEM((_CT,), jnp.int32),
        pltpu.VMEM((_CT,), jnp.int32),
        pltpu.VMEM_SHARED((N, D), jnp.float32),
        pltpu.SemaphoreType.DMA,
        pltpu.SemaphoreType.DMA,
    ]
    if with_deg:
        out_type.append(jax.ShapeDtypeStruct((_NC * _NPAD,), jnp.float32))
        scratch += [
            pltpu.VMEM((_NPAD,), jnp.float32),
            pltpu.VMEM((_NB,), jnp.float32),
            pltpu.VMEM((_NB,), jnp.float32),
            pltpu.VMEM_SHARED((_NS, _NPAD), jnp.float32),
        ]

    def body(y_hbm, src_hbm, dst_hbm, zD_hbm, *rest):
        if with_deg:
            (acc_out, deg_out, sidx, didx, rows, tsidx, tdidx, accsh,
             isem, gsem, degloc, dtmp, dred, degsh) = rest
        else:
            (acc_out, sidx, didx, rows, tsidx, tdidx, accsh,
             isem, gsem) = rest
        c = lax.axis_index("c")
        s = lax.axis_index("s")
        wid = c * _NS + s
        r0 = pl.multiple_of(jnp.minimum(s * _NPT, N - _NPT), 8)
        pltpu.sync_copy(zD_hbm.at[pl.ds(r0, _NPT)], accsh.at[pl.ds(r0, _NPT)])
        if with_deg:
            zeros = jnp.zeros((_L,), jnp.float32)

            @pl.loop(0, _NPAD // _L)
            def _zero(j):
                degloc[pl.ds(j * _L, _L)] = zeros

        plsc.subcore_barrier()

        e0 = wid * _EPT
        if with_deg:
            ones16 = jnp.ones((_L,), jnp.float32)

        def idx_start(i, b):
            base = pl.multiple_of(jnp.minimum(e0 + i * _C, E - _C), 8)
            pltpu.make_async_copy(src_hbm.at[pl.ds(base, _C)], sidx.at[b], isem).start()
            pltpu.make_async_copy(dst_hbm.at[pl.ds(base, _C)], didx.at[b], isem).start()

        def idx_wait(b):
            pltpu.make_async_copy(src_hbm.at[pl.ds(0, _C)], sidx.at[b], isem).wait()
            pltpu.make_async_copy(dst_hbm.at[pl.ds(0, _C)], didx.at[b], isem).wait()

        def gather_start(b):
            pltpu.make_async_copy(y_hbm.at[sidx.at[b]], rows.at[b], gsem).start()

        def gather_wait(b):
            pltpu.make_async_copy(y_hbm.at[sidx.at[b]], rows.at[b], gsem).wait()

        def finish_chunk(b):
            pltpu.sync_copy(rows.at[b], accsh.at[didx.at[b]], add=True)
            if with_deg:
                for j in range(_C // _L):
                    idxv = didx[b, pl.ds(j * _L, _L)]
                    plsc.addupdate_scatter(degloc, [idxv], ones16)

        idx_start(0, 0)
        idx_wait(0)
        gather_start(0)
        idx_start(1, 1)

        @pl.loop(0, _NFULL // 2)
        def _pair(g):
            for b in (0, 1):
                i = g * 2 + b
                nb = 1 - b
                gather_wait(b)
                idx_wait(nb)
                gather_start(nb)
                finish_chunk(b)
                idx_start(i + 2, b)

        gather_wait(0)
        idx_wait(0)

        tbase = e0 + _NFULL * _C
        pltpu.sync_copy(src_hbm.at[pl.ds(tbase, _CT)], tsidx)
        pltpu.sync_copy(dst_hbm.at[pl.ds(tbase, _CT)], tdidx)
        pltpu.async_copy(y_hbm.at[tsidx], rows.at[0, pl.ds(0, _CT)], gsem).wait()
        pltpu.sync_copy(rows.at[0, pl.ds(0, _CT)], accsh.at[tdidx], add=True)
        if with_deg:
            for j in range(_CT // _L):
                tidxv = tdidx[pl.ds(j * _L, _L)]
                plsc.addupdate_scatter(degloc, [tidxv], ones16)

        if with_deg:
            pltpu.sync_copy(degloc, degsh.at[s])
        plsc.subcore_barrier()

        off = pl.multiple_of(c * N + r0, 8)
        pltpu.sync_copy(accsh.at[pl.ds(r0, _NPT)], acc_out.at[pl.ds(off, _NPT)])
        if with_deg:
            b0 = pl.multiple_of(s * _NB, 128)
            pltpu.sync_copy(degsh.at[0, pl.ds(b0, _NB)], dred)
            for j in range(1, _NS):
                pltpu.sync_copy(degsh.at[j, pl.ds(b0, _NB)], dtmp)

                @pl.loop(0, _NB // _L)
                def _red(k):
                    sl = pl.ds(k * _L, _L)
                    dred[sl] = dred[sl] + dtmp[sl]

            doff = pl.multiple_of(c * _NPAD + b0, 8)
            pltpu.sync_copy(dred, deg_out.at[pl.ds(doff, _NB)])

    return pl.kernel(
        body, out_type=out_type, mesh=mesh, scratch_types=scratch,
        compiler_params=pltpu.CompilerParams(needs_layout_passes=False),
    )


@functools.lru_cache(maxsize=None)
def _make_segsum_fast():
    D = 128
    mesh = plsc.VectorSubcoreMesh(core_axis_name="c", subcore_axis_name="s")
    out_type = [jax.ShapeDtypeStruct((_NC * N, D), jnp.float32)]
    scratch = [
        pltpu.VMEM((2, _CP), jnp.int32),
        pltpu.VMEM((_NCHP, _CP), jnp.int32),
        pltpu.VMEM((2, _CP, D), jnp.float32),
        pltpu.VMEM_SHARED((N + 8, D), jnp.float32),
        pltpu.SemaphoreType.DMA,
        pltpu.SemaphoreType.DMA,
    ]

    def body(y_hbm, srcp_hbm, dst2_hbm, zD_hbm, acc_out, sidx, didx_all, rows,
             accsh, isem, gsem):
        c = lax.axis_index("c")
        s = lax.axis_index("s")
        wid = c * _NS + s
        r0 = pl.multiple_of(jnp.minimum(s * _NPT, N - _NPT), 8)
        pltpu.sync_copy(zD_hbm.at[pl.ds(r0, _NPT)], accsh.at[pl.ds(r0, _NPT)])
        p0 = pl.multiple_of(wid * _NCHP, 8)
        pltpu.sync_copy(dst2_hbm.at[pl.ds(p0, _NCHP)], didx_all)
        plsc.subcore_barrier()

        e0 = wid * _EPP

        def idx_start(i, b):
            base = pl.multiple_of(
                jnp.minimum(e0 + i * _CP, _NW * _EPP - _CP), 8)
            pltpu.make_async_copy(srcp_hbm.at[pl.ds(base, _CP)], sidx.at[b],
                                  isem).start()

        def idx_wait(b):
            pltpu.make_async_copy(srcp_hbm.at[pl.ds(0, _CP)], sidx.at[b],
                                  isem).wait()

        def gather_start(b):
            pltpu.make_async_copy(y_hbm.at[sidx.at[b]], rows.at[b], gsem).start()

        def gather_wait(b):
            pltpu.make_async_copy(y_hbm.at[sidx.at[b]], rows.at[b], gsem).wait()

        idx_start(0, 0)
        idx_wait(0)
        gather_start(0)
        idx_start(1, 1)

        @pl.loop(0, _NCHP // 2)
        def _pair(g):
            for b in (0, 1):
                i = g * 2 + b
                nb = 1 - b
                gather_wait(b)
                idx_wait(nb)
                gather_start(nb)
                pltpu.sync_copy(rows.at[b], accsh.at[didx_all.at[i]], add=True)
                idx_start(i + 2, b)

        gather_wait(0)
        idx_wait(1)

        plsc.subcore_barrier()
        off = pl.multiple_of(c * N + r0, 8)
        pltpu.sync_copy(accsh.at[pl.ds(r0, _NPT)], acc_out.at[pl.ds(off, _NPT)])

    return pl.kernel(
        body, out_type=out_type, mesh=mesh, scratch_types=scratch,
        compiler_params=pltpu.CompilerParams(needs_layout_passes=False),
    )


def _tc_in_body(x_ref, wl_ref, wr_ref, bl_ref, y_ref, r_ref):
    x = x_ref[...]
    y_ref[...] = jnp.dot(x, wl_ref[...], preferred_element_type=jnp.float32)
    r_ref[...] = (
        jnp.dot(x, wr_ref[...], preferred_element_type=jnp.float32) + bl_ref[...]
    )


def _recip_deg(deg_ref):
    deg = deg_ref[0, pl.ds(0, N), :] + deg_ref[1, pl.ds(0, N), :]
    return 1.0 / jnp.maximum(deg, 1.0)


def _tc_mid_body(acc_ref, deg_ref, r_ref, g_ref, b_ref, wl_ref, wr_ref, bl_ref,
                 y_ref, rn_ref):
    recip = _recip_deg(deg_ref)
    agg = (acc_ref[pl.ds(0, N), :] + acc_ref[pl.ds(N, N), :]) * recip
    h = agg + r_ref[...]
    m = jnp.mean(h, axis=0, keepdims=True)
    d = h - m
    v = jnp.mean(d * d, axis=0, keepdims=True)
    h = g_ref[...] * d * jax.lax.rsqrt(v + 1e-5) + b_ref[...]
    h = jnp.maximum(h, 0.0)
    y_ref[...] = jnp.dot(h, wl_ref[...], preferred_element_type=jnp.float32)
    rn_ref[...] = (
        jnp.dot(h, wr_ref[...], preferred_element_type=jnp.float32) + bl_ref[...]
    )


def _tc_out_body(acc_ref, deg_ref, r_ref, o_ref):
    recip = _recip_deg(deg_ref)
    agg = acc_ref[pl.ds(0, N), pl.ds(0, 64)] + acc_ref[pl.ds(N, N), pl.ds(0, 64)]
    o_ref[...] = agg * recip + r_ref[...]


def _f32(*shapes):
    return [jax.ShapeDtypeStruct(s, jnp.float32) for s in shapes]


_tc_in = pl.pallas_call(_tc_in_body, out_shape=_f32((N, 128), (N, 128)))
_tc_mid128 = pl.pallas_call(_tc_mid_body, out_shape=_f32((N, 128), (N, 128)))
_tc_mid64 = pl.pallas_call(_tc_mid_body, out_shape=_f32((N, 128), (N, 64)))
_tc_out = pl.pallas_call(_tc_out_body, out_shape=_f32((N, 64))[0])


def kernel(x, edge_index, Wl0, bl0, Wr0, g0, b0, Wl1, bl1, Wr1, g1, b1,
           Wl2, bl2, Wr2):
    src = edge_index[0]
    dst = edge_index[1]
    z128 = jnp.zeros((N, 128), jnp.float32)
    Wl2p = jnp.pad(Wl2, ((0, 0), (0, 64)))
    pad = _EPP - _EPT
    srcp = jnp.pad(src.reshape(_NW, _EPT), ((0, 0), (0, pad))).reshape(-1)
    dstp = jnp.pad(dst.reshape(_NW, _EPT), ((0, 0), (0, pad)),
                   constant_values=N)
    dst2 = dstp.reshape(_NW * _EPP // _CP, _CP)
    row = lambda a: a.reshape(1, -1)

    y0, r0 = _tc_in(x, Wl0, Wr0, row(bl0))
    acc0, deg_flat = _make_segsum(True)(y0, src, dst, z128)
    degp = deg_flat.reshape(_NC, _NPAD, 1)
    y1, r1 = _tc_mid128(acc0, degp, r0, row(g0), row(b0), Wl1, Wr1, row(bl1))
    (acc1,) = _make_segsum_fast()(y1, srcp, dst2, z128)
    y2, r2 = _tc_mid64(acc1, degp, r1, row(g1), row(b1), Wl2p, Wr2, row(bl2))
    (acc2,) = _make_segsum_fast()(y2, srcp, dst2, z128)
    return _tc_out(acc2, degp, r2)

# --- scband reference (transcript-rebuilt; emitter-appended) ---
"""Pipeline reference for scband-graph-ragembedding-74792560492553 (READ-ONLY COPY).

The authoritative reference and input builder live on the scoring server;
editing this copy changes nothing except your own understanding.
"""

import jax, jax.numpy as jnp
import numpy as np

N = 10000
E = 320000
D_IN = 128
D_H = 128
D_OUT = 64


def setup_inputs(seed: int = 0) -> dict:
    key = jax.random.key(seed)
    ks = jax.random.split(key, 20)
    inp = {}
    inp["x"] = jax.random.normal(ks[0], (N, D_IN), dtype=jnp.float32)
    inp["edge_index"] = jax.random.randint(ks[1], (2, E), 0, N, dtype=jnp.int32)
    # SAGEConv layer 0: D_IN -> D_H
    s0 = 1.0 / np.sqrt(D_IN)
    inp["Wl0"] = jax.random.uniform(ks[2], (D_IN, D_H), jnp.float32, -s0, s0)
    inp["bl0"] = jnp.zeros((D_H,), jnp.float32)
    inp["Wr0"] = jax.random.uniform(ks[3], (D_IN, D_H), jnp.float32, -s0, s0)
    inp["g0"] = jnp.ones((D_H,), jnp.float32)
    inp["b0"] = jnp.zeros((D_H,), jnp.float32)
    # SAGEConv layer 1: D_H -> D_H
    s1 = 1.0 / np.sqrt(D_H)
    inp["Wl1"] = jax.random.uniform(ks[4], (D_H, D_H), jnp.float32, -s1, s1)
    inp["bl1"] = jnp.zeros((D_H,), jnp.float32)
    inp["Wr1"] = jax.random.uniform(ks[5], (D_H, D_H), jnp.float32, -s1, s1)
    inp["g1"] = jnp.ones((D_H,), jnp.float32)
    inp["b1"] = jnp.zeros((D_H,), jnp.float32)
    # SAGEConv layer 2: D_H -> D_OUT
    s2 = 1.0 / np.sqrt(D_H)
    inp["Wl2"] = jax.random.uniform(ks[6], (D_H, D_OUT), jnp.float32, -s2, s2)
    inp["bl2"] = jnp.zeros((D_OUT,), jnp.float32)
    inp["Wr2"] = jax.random.uniform(ks[7], (D_H, D_OUT), jnp.float32, -s2, s2)
    return inp


def _sage_conv(x, edge_index, Wl, bl, Wr):
    # PyG-style SAGEConv: mean aggregation of source-node messages at dst,
    # then out = lin_l(agg) + lin_r(x_root)
    src = edge_index[0]
    dst = edge_index[1]
    n = x.shape[0]
    msgs = jnp.take(x, src, axis=0)
    agg = jax.ops.segment_sum(msgs, dst, num_segments=n)
    cnt = jax.ops.segment_sum(jnp.ones((src.shape[0], 1), x.dtype), dst, num_segments=n)
    agg = agg / jnp.maximum(cnt, 1.0)
    return agg @ Wl + bl + x @ Wr


def _batchnorm(h, g, b, eps=1e-5):
    m = jnp.mean(h, axis=0)
    v = jnp.var(h, axis=0)
    return g * (h - m) / jnp.sqrt(v + eps) + b


def reference(x, edge_index, Wl0, bl0, Wr0, g0, b0, Wl1, bl1, Wr1, g1, b1, Wl2, bl2, Wr2):
    h = _sage_conv(x, edge_index, Wl0, bl0, Wr0)
    h = _batchnorm(h, g0, b0)
    h = jax.nn.relu(h)
    # dropout: identity (eval-mode determinism)
    h = _sage_conv(h, edge_index, Wl1, bl1, Wr1)
    h = _batchnorm(h, g1, b1)
    h = jax.nn.relu(h)
    h = _sage_conv(h, edge_index, Wl2, bl2, Wr2)
    return h

if __name__ == "__main__":
    import jax
    _d = setup_inputs()
    print(jax.jit(kernel)(*tuple(_d.values())))

</pallas_src>

<mosaic_0001>
#map = affine_map<(d0, d1) -> (0, 0)>
#map1 = affine_map<(d0, d1) -> (0)>
module attributes {stable_mosaic.version = 14 : i64} {
  func.func @body(%arg0: i32, %arg1: i32, %arg2: memref<10000x128xf32, #tpu.memory_space<hbm>>, %arg3: memref<320000xi32, #tpu.memory_space<hbm>>, %arg4: memref<320000xi32, #tpu.memory_space<hbm>>, %arg5: memref<10000x128xf32, #tpu.memory_space<hbm>>, %arg6: memref<20000x128xf32, #tpu.memory_space<hbm>>, %arg7: memref<20480xf32, #tpu.memory_space<hbm>>, %arg8: memref<2x80xi32, #tpu.memory_space<vmem>>, %arg9: memref<2x80xi32, #tpu.memory_space<vmem>>, %arg10: memref<2x80x128xf32, #tpu.memory_space<vmem>>, %arg11: memref<80xi32, #tpu.memory_space<vmem>>, %arg12: memref<80xi32, #tpu.memory_space<vmem>>, %arg13: memref<10000x128xf32, #tpu.memory_space<vmem_shared>>, %arg14: memref<!tpu.dma_semaphore, #tpu.memory_space<semaphore_mem>>, %arg15: memref<!tpu.dma_semaphore, #tpu.memory_space<semaphore_mem>>, %arg16: memref<10240xf32, #tpu.memory_space<vmem>>, %arg17: memref<640xf32, #tpu.memory_space<vmem>>, %arg18: memref<640xf32, #tpu.memory_space<vmem>>, %arg19: memref<16x10240xf32, #tpu.memory_space<vmem_shared>>) attributes {dimension_semantics = [#tpu.dimension_semantics<core_parallel>, #tpu.dimension_semantics<subcore_parallel>], iteration_bounds = array<i64: 2, 16>, scalar_prefetch = 0 : i64, scratch_operands = 12 : i64, tpu.core_type = #tpu.core_type<sc_vector_subcore>, window_params = [{transform_indices = #map}, {transform_indices = #map1}, {transform_indices = #map1}, {transform_indices = #map}, {transform_indices = #map}, {transform_indices = #map1}]} {
    %mul3A = arith.constant 16 : i32
    %mul3A_0 = arith.muli %arg0, %mul3A : i32
    %add3A = arith.addi %mul3A_0, %arg1 : i32
    %mul3A_1 = arith.constant 632 : i32
    %mul3A_2 = arith.muli %arg1, %mul3A_1 : i32
    %min3A = arith.constant 9368 : i32
    %min3A_3 = arith.minsi %mul3A_2, %min3A : i32
    %multiple_of3A = tpu.assume_multiple %min3A_3, 8 : i32
    "tpu.region"() ({
      %run_scoped3A_260 = tpu.sem_alloc : memref<!tpu.dma_semaphore, #tpu.memory_space<semaphore_mem>>
      %dma_start3A_261 = arith.constant 0 : i32
      %dma_start3A_262 = tpu.memref_slice %arg13[%multiple_of3A, %dma_start3A_261] : memref<10000x128xf32, #tpu.memory_space<vmem_shared>> -> memref<632x128xf32, #tpu.memory_space<vmem_shared>>
      %dma_start3A_263 = arith.constant 0 : i32
      %dma_start3A_264 = tpu.memref_slice %arg5[%multiple_of3A, %dma_start3A_263] : memref<10000x128xf32, #tpu.memory_space<hbm>> -> memref<632x128xf32, #tpu.memory_space<hbm>>
      tpu.enqueue_dma source(%dma_start3A_264 : memref<632x128xf32, #tpu.memory_space<hbm>>) target(%dma_start3A_262 : memref<632x128xf32, #tpu.memory_space<vmem_shared>>) target_semaphore(%run_scoped3A_260 : memref<!tpu.dma_semaphore, #tpu.memory_space<semaphore_mem>>)
      %dma_wait3A_265 = arith.constant 0 : i32
      %dma_wait3A_266 = tpu.memref_slice %arg13[%multiple_of3A, %dma_wait3A_265] : memref<10000x128xf32, #tpu.memory_space<vmem_shared>> -> memref<632x128xf32, #tpu.memory_space<vmem_shared>>
      %dma_wait3A_267 = arith.constant 0 : i32
      %dma_wait3A_268 = tpu.memref_slice %arg5[%multiple_of3A, %dma_wait3A_267] : memref<10000x128xf32, #tpu.memory_space<hbm>> -> memref<632x128xf32, #tpu.memory_space<hbm>>
      tpu.wait_dma2 semaphore(%run_scoped3A_260 : memref<!tpu.dma_semaphore, #tpu.memory_space<semaphore_mem>>) src(%dma_wait3A_268 : memref<632x128xf32, #tpu.memory_space<hbm>>) dst(%dma_wait3A_266 : memref<632x128xf32, #tpu.memory_space<vmem_shared>>)
      tpu.yield
    }) : () -> ()
    %broadcast_in_dim3A = arith.constant 0.000000e+00 : f32
    %broadcast_in_dim3A_4 = vector.broadcast %broadcast_in_dim3A : f32 to vector<16xf32>
    %scan3A = arith.constant 0 : i32
    %scan3A_5 = arith.constant 640 : i32
    %scan3A_6 = arith.addi %scan3A, %scan3A_5 : i32
    %scan3A_7 = arith.constant 1 : i32
    scf.for %scan3A_260 = %scan3A to %scan3A_6 step %scan3A_7  : i32 {
      %mul3A_261 = arith.constant 1 : i32
      %mul3A_262 = arith.muli %scan3A_260, %mul3A_261 : i32
      %add3A_263 = arith.constant 0 : i32
      %add3A_264 = arith.addi %add3A_263, %mul3A_262 : i32
      %mul3A_265 = arith.constant 16 : i32
      %mul3A_266 = arith.muli %add3A_264, %mul3A_265 : i32
      %swap3A = arith.index_cast %mul3A_266 : i32 to index
      %swap3A_267 = tpu.vector_load %arg16[%swap3A] {strides = array<i32>} : memref<10240xf32, #tpu.memory_space<vmem>>, vector<16xf32>,
      tpu.vector_store %arg16[%swap3A], %broadcast_in_dim3A_4 {strides = array<i32>} : memref<10240xf32, #tpu.memory_space<vmem>>, vector<16xf32>,
    }
    %scan3A_8 = arith.constant 640 : i32
    %barrier3A = arith.constant 0 : index
    tpu.barrier barrier_id(%barrier3A)
    %mul3A_9 = arith.constant 10000 : i32
    %mul3A_10 = arith.muli %add3A, %mul3A_9 : i32
    %broadcast_in_dim3A_11 = arith.constant 1.000000e+00 : f32
    %broadcast_in_dim3A_12 = vector.broadcast %broadcast_in_dim3A_11 : f32 to vector<16xf32>
    %add3A_13 = arith.constant 0 : i32
    %add3A_14 = arith.addi %mul3A_10, %add3A_13 : i32
    %min3A_15 = arith.constant 319920 : i32
    %min3A_16 = arith.minsi %add3A_14, %min3A_15 : i32
    %multiple_of3A_17 = tpu.assume_multiple %min3A_16, 8 : i32
    %dma_start3A = arith.constant 0 : i32
    %dma_start3A_18 = arith.constant 0 : i32
    %dma_start3A_19 = tpu.memref_slice %arg8[%dma_start3A, %dma_start3A_18] : memref<2x80xi32, #tpu.memory_space<vmem>> -> memref<1x80xi32, #tpu.memory_space<vmem>>
    %dma_start3A_20 = tpu.memref_squeeze %dma_start3A_19 : memref<1x80xi32, #tpu.memory_space<vmem>> -> memref<80xi32, #tpu.memory_space<vmem>>
    %dma_start3A_21 = tpu.memref_slice %arg3[%multiple_of3A_17] : memref<320000xi32, #tpu.memory_space<hbm>> -> memref<80xi32, #tpu.memory_space<hbm>>
    %dma_start3A_22 = arith.constant 0 : i32
    %dma_start3A_23 = tpu.memref_slice %arg8[%dma_start3A, %dma_start3A_22] : memref<2x80xi32, #tpu.memory_space<vmem>> -> memref<1x80xi32, #tpu.memory_space<vmem>>
    %dma_start3A_24 = tpu.memref_squeeze %dma_start3A_23 : memref<1x80xi32, #tpu.memory_space<vmem>> -> memref<80xi32, #tpu.memory_space<vmem>>
    %dma_start3A_25 = tpu.memref_slice %arg3[%multiple_of3A_17] : memref<320000xi32, #tpu.memory_space<hbm>> -> memref<80xi32, #tpu.memory_space<hbm>>
    tpu.enqueue_dma source(%dma_start3A_25 : memref<80xi32, #tpu.memory_space<hbm>>) target(%dma_start3A_24 : memref<80xi32, #tpu.memory_space<vmem>>) target_semaphore(%arg14 : memref<!tpu.dma_semaphore, #tpu.memory_space<semaphore_mem>>)
    %dma_start3A_26 = arith.constant 0 : i32
    %dma_start3A_27 = arith.constant 0 : i32
    %dma_start3A_28 = tpu.memref_slice %arg9[%dma_start3A_26, %dma_start3A_27] : memref<2x80xi32, #tpu.memory_space<vmem>> -> memref<1x80xi32, #tpu.memory_space<vmem>>
    %dma_start3A_29 = tpu.memref_squeeze %dma_start3A_28 : memref<1x80xi32, #tpu.memory_space<vmem>> -> memref<80xi32, #tpu.memory_space<vmem>>
    %dma_start3A_30 = tpu.memref_slice %arg4[%multiple_of3A_17] : memref<320000xi32, #tpu.memory_space<hbm>> -> memref<80xi32, #tpu.memory_space<hbm>>
    %dma_start3A_31 = arith.constant 0 : i32
    %dma_start3A_32 = tpu.memref_slice %arg9[%dma_start3A_26, %dma_start3A_31] : memref<2x80xi32, #tpu.memory_space<vmem>> -> memref<1x80xi32, #tpu.memory_space<vmem>>
    %dma_start3A_33 = tpu.memref_squeeze %dma_start3A_32 : memref<1x80xi32, #tpu.memory_space<vmem>> -> memref<80xi32, #tpu.memory_space<vmem>>
    %dma_start3A_34 = tpu.memref_slice %arg4[%multiple_of3A_17] : memref<320000xi32, #tpu.memory_space<hbm>> -> memref<80xi32, #tpu.memory_space<hbm>>
    tpu.enqueue_dma source(%dma_start3A_34 : memref<80xi32, #tpu.memory_space<hbm>>) target(%dma_start3A_33 : memref<80xi32, #tpu.memory_space<vmem>>) target_semaphore(%arg14 : memref<!tpu.dma_semaphore, #tpu.memory_space<semaphore_mem>>)
    %dma_wait3A = arith.constant 0 : i32
    %dma_wait3A_35 = arith.constant 0 : i32
    %dma_wait3A_36 = tpu.memref_slice %arg8[%dma_wait3A, %dma_wait3A_35] : memref<2x80xi32, #tpu.memory_space<vmem>> -> memref<1x80xi32, #tpu.memory_space<vmem>>
    %dma_wait3A_37 = tpu.memref_squeeze %dma_wait3A_36 : memref<1x80xi32, #tpu.memory_space<vmem>> -> memref<80xi32, #tpu.memory_space<vmem>>
    %dma_wait3A_38 = arith.constant 0 : i32
    %dma_wait3A_39 = tpu.memref_slice %arg3[%dma_wait3A_38] : memref<320000xi32, #tpu.memory_space<hbm>> -> memref<80xi32, #tpu.memory_space<hbm>>
    %dma_wait3A_40 = arith.constant 0 : i32
    %dma_wait3A_41 = tpu.memref_slice %arg8[%dma_wait3A, %dma_wait3A_40] : memref<2x80xi32, #tpu.memory_space<vmem>> -> memref<1x80xi32, #tpu.memory_space<vmem>>
    %dma_wait3A_42 = tpu.memref_squeeze %dma_wait3A_41 : memref<1x80xi32, #tpu.memory_space<vmem>> -> memref<80xi32, #tpu.memory_space<vmem>>
    %dma_wait3A_43 = arith.constant 0 : i32
    %dma_wait3A_44 = tpu.memref_slice %arg3[%dma_wait3A_43] : memref<320000xi32, #tpu.memory_space<hbm>> -> memref<80xi32, #tpu.memory_space<hbm>>
    tpu.wait_dma2 semaphore(%arg14 : memref<!tpu.dma_semaphore, #tpu.memory_space<semaphore_mem>>) src(%dma_wait3A_44 : memref<80xi32, #tpu.memory_space<hbm>>) dst(%dma_wait3A_42 : memref<80xi32, #tpu.memory_space<vmem>>)
    %dma_wait3A_45 = arith.constant 0 : i32
    %dma_wait3A_46 = arith.constant 0 : i32
    %dma_wait3A_47 = tpu.memref_slice %arg9[%dma_wait3A_45, %dma_wait3A_46] : memref<2x80xi32, #tpu.memory_space<vmem>> -> memref<1x80xi32, #tpu.memory_space<vmem>>
    %dma_wait3A_48 = tpu.memref_squeeze %dma_wait3A_47 : memref<1x80xi32, #tpu.memory_space<vmem>> -> memref<80xi32, #tpu.memory_space<vmem>>
    %dma_wait3A_49 = arith.constant 0 : i32
    %dma_wait3A_50 = tpu.memref_slice %arg4[%dma_wait3A_49] : memref<320000xi32, #tpu.memory_space<hbm>> -> memref<80xi32, #tpu.memory_space<hbm>>
    %dma_wait3A_51 = arith.constant 0 : i32
    %dma_wait3A_52 = tpu.memref_slice %arg9[%dma_wait3A_45, %dma_wait3A_51] : memref<2x80xi32, #tpu.memory_space<vmem>> -> memref<1x80xi32, #tpu.memory_space<vmem>>
    %dma_wait3A_53 = tpu.memref_squeeze %dma_wait3A_52 : memref<1x80xi32, #tpu.memory_space<vmem>> -> memref<80xi32, #tpu.memory_space<vmem>>
    %dma_wait3A_54 = arith.constant 0 : i32
    %dma_wait3A_55 = tpu.memref_slice %arg4[%dma_wait3A_54] : memref<320000xi32, #tpu.memory_space<hbm>> -> memref<80xi32, #tpu.memory_space<hbm>>
    tpu.wait_dma2 semaphore(%arg14 : memref<!tpu.dma_semaphore, #tpu.memory_space<semaphore_mem>>) src(%dma_wait3A_55 : memref<80xi32, #tpu.memory_space<hbm>>) dst(%dma_wait3A_53 : memref<80xi32, #tpu.memory_space<vmem>>)
    %dma_start3A_56 = arith.constant 0 : i32
    %dma_start3A_57 = arith.constant 0 : i32
    %dma_start3A_58 = arith.constant 0 : i32
    %dma_start3A_59 = arith.constant 0 : i32
    %dma_start3A_60 = tpu.memref_slice %arg10[%dma_start3A_57, %dma_start3A_58, %dma_start3A_59] : memref<2x80x128xf32, #tpu.memory_space<vmem>> -> memref<1x80x128xf32, #tpu.memory_space<vmem>>
    %dma_start3A_61 = tpu.memref_squeeze %dma_start3A_60 : memref<1x80x128xf32, #tpu.memory_space<vmem>> -> memref<80x128xf32, #tpu.memory_space<vmem>>
    %dma_start3A_62 = arith.constant 0 : i32
    %dma_start3A_63 = tpu.memref_slice %arg8[%dma_start3A_56, %dma_start3A_62] : memref<2x80xi32, #tpu.memory_space<vmem>> -> memref<1x80xi32, #tpu.memory_space<vmem>>
    %dma_start3A_64 = tpu.memref_squeeze %dma_start3A_63 : memref<1x80xi32, #tpu.memory_space<vmem>> -> memref<80xi32, #tpu.memory_space<vmem>>
    %dma_start3A_65 = arith.constant 0 : i32
    %dma_start3A_66 = arith.constant 0 : i32
    %dma_start3A_67 = tpu.memref_slice %arg2[%dma_start3A_65, %dma_start3A_66] : memref<10000x128xf32, #tpu.memory_space<hbm>> -> memref<10000x128xf32, #tpu.memory_space<hbm>>
    tpu.enqueue_indirect_dma source(%dma_start3A_67 : memref<10000x128xf32, #tpu.memory_space<hbm>>) target(%dma_start3A_61 : memref<80x128xf32, #tpu.memory_space<vmem>>) offsets(%dma_start3A_64 : memref<80xi32, #tpu.memory_space<vmem>>) semaphore(%arg15 : memref<!tpu.dma_semaphore, #tpu.memory_space<semaphore_mem>>)
    %add3A_68 = arith.constant 80 : i32
    %add3A_69 = arith.addi %mul3A_10, %add3A_68 : i32
    %min3A_70 = arith.constant 319920 : i32
    %min3A_71 = arith.minsi %add3A_69, %min3A_70 : i32
    %multiple_of3A_72 = tpu.assume_multiple %min3A_71, 8 : i32
    %dma_start3A_73 = arith.constant 1 : i32
    %dma_start3A_74 = arith.constant 0 : i32
    %dma_start3A_75 = tpu.memref_slice %arg8[%dma_start3A_73, %dma_start3A_74] : memref<2x80xi32, #tpu.memory_space<vmem>> -> memref<1x80xi32, #tpu.memory_space<vmem>>
    %dma_start3A_76 = tpu.memref_squeeze %dma_start3A_75 : memref<1x80xi32, #tpu.memory_space<vmem>> -> memref<80xi32, #tpu.memory_space<vmem>>
    %dma_start3A_77 = tpu.memref_slice %arg3[%multiple_of3A_72] : memref<320000xi32, #tpu.memory_space<hbm>> -> memref<80xi32, #tpu.memory_space<hbm>>
    %dma_start3A_78 = arith.constant 0 : i32
    %dma_start3A_79 = tpu.memref_slice %arg8[%dma_start3A_73, %dma_start3A_78] : memref<2x80xi32, #tpu.memory_space<vmem>> -> memref<1x80xi32, #tpu.memory_space<vmem>>
    %dma_start3A_80 = tpu.memref_squeeze %dma_start3A_79 : memref<1x80xi32, #tpu.memory_space<vmem>> -> memref<80xi32, #tpu.memory_space<vmem>>
    %dma_start3A_81 = tpu.memref_slice %arg3[%multiple_of3A_72] : memref<320000xi32, #tpu.memory_space<hbm>> -> memref<80xi32, #tpu.memory_space<hbm>>
    tpu.enqueue_dma source(%dma_start3A_81 : memref<80xi32, #tpu.memory_space<hbm>>) target(%dma_start3A_80 : memref<80xi32, #tpu.memory_space<vmem>>) target_semaphore(%arg14 : memref<!tpu.dma_semaphore, #tpu.memory_space<semaphore_mem>>)
    %dma_start3A_82 = arith.constant 1 : i32
    %dma_start3A_83 = arith.constant 0 : i32
    %dma_start3A_84 = tpu.memref_slice %arg9[%dma_start3A_82, %dma_start3A_83] : memref<2x80xi32, #tpu.memory_space<vmem>> -> memref<1x80xi32, #tpu.memory_space<vmem>>
    %dma_start3A_85 = tpu.memref_squeeze %dma_start3A_84 : memref<1x80xi32, #tpu.memory_space<vmem>> -> memref<80xi32, #tpu.memory_space<vmem>>
    %dma_start3A_86 = tpu.memref_slice %arg4[%multiple_of3A_72] : memref<320000xi32, #tpu.memory_space<hbm>> -> memref<80xi32, #tpu.memory_space<hbm>>
    %dma_start3A_87 = arith.constant 0 : i32
    %dma_start3A_88 = tpu.memref_slice %arg9[%dma_start3A_82, %dma_start3A_87] : memref<2x80xi32, #tpu.memory_space<vmem>> -> memref<1x80xi32, #tpu.memory_space<vmem>>
    %dma_start3A_89 = tpu.memref_squeeze %dma_start3A_88 : memref<1x80xi32, #tpu.memory_space<vmem>> -> memref<80xi32, #tpu.memory_space<vmem>>
    %dma_start3A_90 = tpu.memref_slice %arg4[%multiple_of3A_72] : memref<320000xi32, #tpu.memory_space<hbm>> -> memref<80xi32, #tpu.memory_space<hbm>>
    tpu.enqueue_dma source(%dma_start3A_90 : memref<80xi32, #tpu.memory_space<hbm>>) target(%dma_start3A_89 : memref<80xi32, #tpu.memory_space<vmem>>) target_semaphore(%arg14 : memref<!tpu.dma_semaphore, #tpu.memory_space<semaphore_mem>>)
    %scan3A_91 = arith.constant 0 : i32
    %scan3A_92 = arith.constant 62 : i32
    %scan3A_93 = arith.addi %scan3A_91, %scan3A_92 : i32
    %scan3A_94 = arith.constant 1 : i32
    scf.for %scan3A_260 = %scan3A_91 to %scan3A_93 step %scan3A_94  : i32 {
      %mul3A_261 = arith.constant 1 : i32
      %mul3A_262 = arith.muli %scan3A_260, %mul3A_261 : i32
      %add3A_263 = arith.constant 0 : i32
      %add3A_264 = arith.addi %add3A_263, %mul3A_262 : i32
      %mul3A_265 = arith.constant 2 : i32
      %mul3A_266 = arith.muli %add3A_264, %mul3A_265 : i32
      %add3A_267 = arith.constant 0 : i32
      %add3A_268 = arith.addi %mul3A_266, %add3A_267 : i32
      %dma_wait3A_269 = arith.constant 0 : i32
      %dma_wait3A_270 = arith.constant 0 : i32
      %dma_wait3A_271 = arith.constant 0 : i32
      %dma_wait3A_272 = arith.constant 0 : i32
      %dma_wait3A_273 = tpu.memref_slice %arg10[%dma_wait3A_270, %dma_wait3A_271, %dma_wait3A_272] : memref<2x80x128xf32, #tpu.memory_space<vmem>> -> memref<1x80x128xf32, #tpu.memory_space<vmem>>
      %dma_wait3A_274 = tpu.memref_squeeze %dma_wait3A_273 : memref<1x80x128xf32, #tpu.memory_space<vmem>> -> memref<80x128xf32, #tpu.memory_space<vmem>>
      %dma_wait3A_275 = arith.constant 0 : i32
      %dma_wait3A_276 = tpu.memref_slice %arg8[%dma_wait3A_269, %dma_wait3A_275] : memref<2x80xi32, #tpu.memory_space<vmem>> -> memref<1x80xi32, #tpu.memory_space<vmem>>
      %dma_wait3A_277 = tpu.memref_squeeze %dma_wait3A_276 : memref<1x80xi32, #tpu.memory_space<vmem>> -> memref<80xi32, #tpu.memory_space<vmem>>
      %dma_wait3A_278 = arith.constant 0 : i32
      %dma_wait3A_279 = arith.constant 0 : i32
      %dma_wait3A_280 = tpu.memref_slice %arg2[%dma_wait3A_278, %dma_wait3A_279] : memref<10000x128xf32, #tpu.memory_space<hbm>> -> memref<10000x128xf32, #tpu.memory_space<hbm>>
      tpu.wait_indirect_dma semaphore(%arg15 : memref<!tpu.dma_semaphore, #tpu.memory_space<semaphore_mem>>) src(%dma_wait3A_280 : memref<10000x128xf32, #tpu.memory_space<hbm>>) dst(%dma_wait3A_274 : memref<80x128xf32, #tpu.memory_space<vmem>>)
      %dma_wait3A_281 = arith.constant 1 : i32
      %dma_wait3A_282 = arith.constant 0 : i32
      %dma_wait3A_283 = tpu.memref_slice %arg8[%dma_wait3A_281, %dma_wait3A_282] : memref<2x80xi32, #tpu.memory_space<vmem>> -> memref<1x80xi32, #tpu.memory_space<vmem>>
      %dma_wait3A_284 = tpu.memref_squeeze %dma_wait3A_283 : memref<1x80xi32, #tpu.memory_space<vmem>> -> memref<80xi32, #tpu.memory_space<vmem>>
      %dma_wait3A_285 = arith.constant 0 : i32
      %dma_wait3A_286 = tpu.memref_slice %arg3[%dma_wait3A_285] : memref<320000xi32, #tpu.memory_space<hbm>> -> memref<80xi32, #tpu.memory_space<hbm>>
      %dma_wait3A_287 = arith.constant 0 : i32
      %dma_wait3A_288 = tpu.memref_slice %arg8[%dma_wait3A_281, %dma_wait3A_287] : memref<2x80xi32, #tpu.memory_space<vmem>> -> memref<1x80xi32, #tpu.memory_space<vmem>>
      %dma_wait3A_289 = tpu.memref_squeeze %dma_wait3A_288 : memref<1x80xi32, #tpu.memory_space<vmem>> -> memref<80xi32, #tpu.memory_space<vmem>>
      %dma_wait3A_290 = arith.constant 0 : i32
      %dma_wait3A_291 = tpu.memref_slice %arg3[%dma_wait3A_290] : memref<320000xi32, #tpu.memory_space<hbm>> -> memref<80xi32, #tpu.memory_space<hbm>>
      tpu.wait_dma2 semaphore(%arg14 : memref<!tpu.dma_semaphore, #tpu.memory_space<semaphore_mem>>) src(%dma_wait3A_291 : memref<80xi32, #tpu.memory_space<hbm>>) dst(%dma_wait3A_289 : memref<80xi32, #tpu.memory_space<vmem>>)
      %dma_wait3A_292 = arith.constant 1 : i32
      %dma_wait3A_293 = arith.constant 0 : i32
      %dma_wait3A_294 = tpu.memref_slice %arg9[%dma_wait3A_292, %dma_wait3A_293] : memref<2x80xi32, #tpu.memory_space<vmem>> -> memref<1x80xi32, #tpu.memory_space<vmem>>
      %dma_wait3A_295 = tpu.memref_squeeze %dma_wait3A_294 : memref<1x80xi32, #tpu.memory_space<vmem>> -> memref<80xi32, #tpu.memory_space<vmem>>
      %dma_wait3A_296 = arith.constant 0 : i32
      %dma_wait3A_297 = tpu.memref_slice %arg4[%dma_wait3A_296] : memref<320000xi32, #tpu.memory_space<hbm>> -> memref<80xi32, #tpu.memory_space<hbm>>
      %dma_wait3A_298 = arith.constant 0 : i32
      %dma_wait3A_299 = tpu.memref_slice %arg9[%dma_wait3A_292, %dma_wait3A_298] : memref<2x80xi32, #tpu.memory_space<vmem>> -> memref<1x80xi32, #tpu.memory_space<vmem>>
      %dma_wait3A_300 = tpu.memref_squeeze %dma_wait3A_299 : memref<1x80xi32, #tpu.memory_space<vmem>> -> memref<80xi32, #tpu.memory_space<vmem>>
      %dma_wait3A_301 = arith.constant 0 : i32
      %dma_wait3A_302 = tpu.memref_slice %arg4[%dma_wait3A_301] : memref<320000xi32, #tpu.memory_space<hbm>> -> memref<80xi32, #tpu.memory_space<hbm>>
      tpu.wait_dma2 semaphore(%arg14 : memref<!tpu.dma_semaphore, #tpu.memory_space<semaphore_mem>>) src(%dma_wait3A_302 : memref<80xi32, #tpu.memory_space<hbm>>) dst(%dma_wait3A_300 : memref<80xi32, #tpu.memory_space<vmem>>)
      %dma_start3A_303 = arith.constant 1 : i32
      %dma_start3A_304 = arith.constant 1 : i32
      %dma_start3A_305 = arith.constant 0 : i32
      %dma_start3A_306 = arith.constant 0 : i32
      %dma_start3A_307 = tpu.memref_slice %arg10[%dma_start3A_304, %dma_start3A_305, %dma_start3A_306] : memref<2x80x128xf32, #tpu.memory_space<vmem>> -> memref<1x80x128xf32, #tpu.memory_space<vmem>>
      %dma_start3A_308 = tpu.memref_squeeze %dma_start3A_307 : memref<1x80x128xf32, #tpu.memory_space<vmem>> -> memref<80x128xf32, #tpu.memory_space<vmem>>
      %dma_start3A_309 = arith.constant 0 : i32
      %dma_start3A_310 = tpu.memref_slice %arg8[%dma_start3A_303, %dma_start3A_309] : memref<2x80xi32, #tpu.memory_space<vmem>> -> memref<1x80xi32, #tpu.memory_space<vmem>>
      %dma_start3A_311 = tpu.memref_squeeze %dma_start3A_310 : memref<1x80xi32, #tpu.memory_space<vmem>> -> memref<80xi32, #tpu.memory_space<vmem>>
      %dma_start3A_312 = arith.constant 0 : i32
      %dma_start3A_313 = arith.constant 0 : i32
      %dma_start3A_314 = tpu.memref_slice %arg2[%dma_start3A_312, %dma_start3A_313] : memref<10000x128xf32, #tpu.memory_space<hbm>> -> memref<10000x128xf32, #tpu.memory_space<hbm>>
      tpu.enqueue_indirect_dma source(%dma_start3A_314 : memref<10000x128xf32, #tpu.memory_space<hbm>>) target(%dma_start3A_308 : memref<80x128xf32, #tpu.memory_space<vmem>>) offsets(%dma_start3A_311 : memref<80xi32, #tpu.memory_space<vmem>>) semaphore(%arg15 : memref<!tpu.dma_semaphore, #tpu.memory_space<semaphore_mem>>)
      %run_scoped3A_315 = arith.constant 0 : i32
      %run_scoped3A_316 = arith.constant 0 : i32
      "tpu.region"() ({
        %run_scoped3A_461 = tpu.sem_alloc : memref<!tpu.dma_semaphore, #tpu.memory_space<semaphore_mem>>
        %dma_start3A_462 = arith.constant 0 : i32
        %dma_start3A_463 = arith.constant 0 : i32
        %dma_start3A_464 = tpu.memref_slice %arg10[%run_scoped3A_315, %dma_start3A_462, %dma_start3A_463] : memref<2x80x128xf32, #tpu.memory_space<vmem>> -> memref<1x80x128xf32, #tpu.memory_space<vmem>>
        %dma_start3A_465 = tpu.memref_squeeze %dma_start3A_464 : memref<1x80x128xf32, #tpu.memory_space<vmem>> -> memref<80x128xf32, #tpu.memory_space<vmem>>
        %dma_start3A_466 = arith.constant 0 : i32
        %dma_start3A_467 = tpu.memref_slice %arg9[%run_scoped3A_316, %dma_start3A_466] : memref<2x80xi32, #tpu.memory_space<vmem>> -> memref<1x80xi32, #tpu.memory_space<vmem>>
        %dma_start3A_468 = tpu.memref_squeeze %dma_start3A_467 : memref<1x80xi32, #tpu.memory_space<vmem>> -> memref<80xi32, #tpu.memory_space<vmem>>
        %dma_start3A_469 = arith.constant 0 : i32
        %dma_start3A_470 = arith.constant 0 : i32
        %dma_start3A_471 = tpu.memref_slice %arg13[%dma_start3A_469, %dma_start3A_470] : memref<10000x128xf32, #tpu.memory_space<vmem_shared>> -> memref<10000x128xf32, #tpu.memory_space<vmem_shared>>
        tpu.enqueue_indirect_dma source(%dma_start3A_465 : memref<80x128xf32, #tpu.memory_space<vmem>>) target(%dma_start3A_471 : memref<10000x128xf32, #tpu.memory_space<vmem_shared>>) offsets(%dma_start3A_468 : memref<80xi32, #tpu.memory_space<vmem>>) semaphore(%run_scoped3A_461 : memref<!tpu.dma_semaphore, #tpu.memory_space<semaphore_mem>>) {add = true}
        %dma_wait3A_472 = arith.constant 0 : i32
        %dma_wait3A_473 = arith.constant 0 : i32
        %dma_wait3A_474 = tpu.memref_slice %arg10[%run_scoped3A_315, %dma_wait3A_472, %dma_wait3A_473] : memref<2x80x128xf32, #tpu.memory_space<vmem>> -> memref<1x80x128xf32, #tpu.memory_space<vmem>>
        %dma_wait3A_475 = tpu.memref_squeeze %dma_wait3A_474 : memref<1x80x128xf32, #tpu.memory_space<vmem>> -> memref<80x128xf32, #tpu.memory_space<vmem>>
        %dma_wait3A_476 = arith.constant 0 : i32
        %dma_wait3A_477 = tpu.memref_slice %arg9[%run_scoped3A_316, %dma_wait3A_476] : memref<2x80xi32, #tpu.memory_space<vmem>> -> memref<1x80xi32, #tpu.memory_space<vmem>>
        %dma_wait3A_478 = tpu.memref_squeeze %dma_wait3A_477 : memref<1x80xi32, #tpu.memory_space<vmem>> -> memref<80xi32, #tpu.memory_space<vmem>>
        %dma_wait3A_479 = arith.constant 0 : i32
        %dma_wait3A_480 = arith.constant 0 : i32
        %dma_wait3A_481 = tpu.memref_slice %arg13[%dma_wait3A_479, %dma_wait3A_480] : memref<10000x128xf32, #tpu.memory_space<vmem_shared>> -> memref<10000x128xf32, #tpu.memory_space<vmem_shared>>
        tpu.wait_indirect_dma semaphore(%run_scoped3A_461 : memref<!tpu.dma_semaphore, #tpu.memory_space<semaphore_mem>>) src(%dma_wait3A_475 : memref<80x128xf32, #tpu.memory_space<vmem>>) dst(%dma_wait3A_481 : memref<10000x128xf32, #tpu.memory_space<vmem_shared>>)
        tpu.yield
      }) : () -> ()
      %get3A_317 = arith.constant 0 : i32
      %get3A_318 = arith.index_cast %get3A_317 : i32 to index
      %get3A_319 = arith.constant 0 : index
      %get3A_320 = tpu.vector_load %arg9[%get3A_318, %get3A_319] {strides = array<i32>} : memref<2x80xi32, #tpu.memory_space<vmem>>, vector<16xi32>,
      tpu.vector_store_idx %arg16[%get3A_320], %broadcast_in_dim3A_12 {add = true} : memref<10240xf32, #tpu.memory_space<vmem>>[vector<16xi32>], vector<16xf32>,
      %get3A_321 = arith.constant 0 : i32
      %get3A_322 = arith.index_cast %get3A_321 : i32 to index
      %get3A_323 = arith.constant 16 : index
      %get3A_324 = tpu.vector_load %arg9[%get3A_322, %get3A_323] {strides = array<i32>} : memref<2x80xi32, #tpu.memory_space<vmem>>, vector<16xi32>,
      tpu.vector_store_idx %arg16[%get3A_324], %broadcast_in_dim3A_12 {add = true} : memref<10240xf32, #tpu.memory_space<vmem>>[vector<16xi32>], vector<16xf32>,
      %get3A_325 = arith.constant 0 : i32
      %get3A_326 = arith.index_cast %get3A_325 : i32 to index
      %get3A_327 = arith.constant 32 : index
      %get3A_328 = tpu.vector_load %arg9[%get3A_326, %get3A_327] {strides = array<i32>} : memref<2x80xi32, #tpu.memory_space<vmem>>, vector<16xi32>,
      tpu.vector_store_idx %arg16[%get3A_328], %broadcast_in_dim3A_12 {add = true} : memref<10240xf32, #tpu.memory_space<vmem>>[vector<16xi32>], vector<16xf32>,
      %get3A_329 = arith.constant 0 : i32
      %get3A_330 = arith.index_cast %get3A_329 : i32 to index
      %get3A_331 = arith.constant 48 : index
      %get3A_332 = tpu.vector_load %arg9[%get3A_330, %get3A_331] {strides = array<i32>} : memref<2x80xi32, #tpu.memory_space<vmem>>, vector<16xi32>,
      tpu.vector_store_idx %arg16[%get3A_332], %broadcast_in_dim3A_12 {add = true} : memref<10240xf32, #tpu.memory_space<vmem>>[vector<16xi32>], vector<16xf32>,
      %get3A_333 = arith.constant 0 : i32
      %get3A_334 = arith.index_cast %get3A_333 : i32 to index
      %get3A_335 = arith.constant 64 : index
      %get3A_336 = tpu.vector_load %arg9[%get3A_334, %get3A_335] {strides = array<i32>} : memref<2x80xi32, #tpu.memory_space<vmem>>, vector<16xi32>,
      tpu.vector_store_idx %arg16[%get3A_336], %broadcast_in_dim3A_12 {add = true} : memref<10240xf32, #tpu.memory_space<vmem>>[vector<16xi32>], vector<16xf32>,
      %add3A_337 = arith.constant 2 : i32
      %add3A_338 = arith.addi %add3A_268, %add3A_337 : i32
      %mul3A_339 = arith.constant 80 : i32
      %mul3A_340 = arith.muli %add3A_338, %mul3A_339 : i32
      %add3A_341 = arith.addi %mul3A_10, %mul3A_340 : i32
      %min3A_342 = arith.constant 319920 : i32
      %min3A_343 = arith.minsi %add3A_341, %min3A_342 : i32
      %multiple_of3A_344 = tpu.assume_multiple %min3A_343, 8 : i32
      %dma_start3A_345 = arith.constant 0 : i32
      %dma_start3A_346 = arith.constant 0 : i32
      %dma_start3A_347 = tpu.memref_slice %arg8[%dma_start3A_345, %dma_start3A_346] : memref<2x80xi32, #tpu.memory_space<vmem>> -> memref<1x80xi32, #tpu.memory_space<vmem>>
      %dma_start3A_348 = tpu.memref_squeeze %dma_start3A_347 : memref<1x80xi32, #tpu.memory_space<vmem>> -> memref<80xi32, #tpu.memory_space<vmem>>
      %dma_start3A_349 = tpu.memref_slice %arg3[%multiple_of3A_344] : memref<320000xi32, #tpu.memory_space<hbm>> -> memref<80xi32, #tpu.memory_space<hbm>>
      %dma_start3A_350 = arith.constant 0 : i32
      %dma_start3A_351 = tpu.memref_slice %arg8[%dma_start3A_345, %dma_start3A_350] : memref<2x80xi32, #tpu.memory_space<vmem>> -> memref<1x80xi32, #tpu.memory_space<vmem>>
      %dma_start3A_352 = tpu.memref_squeeze %dma_start3A_351 : memref<1x80xi32, #tpu.memory_space<vmem>> -> memref<80xi32, #tpu.memory_space<vmem>>
      %dma_start3A_353 = tpu.memref_slice %arg3[%multiple_of3A_344] : memref<320000xi32, #tpu.memory_space<hbm>> -> memref<80xi32, #tpu.memory_space<hbm>>
      tpu.enqueue_dma source(%dma_start3A_353 : memref<80xi32, #tpu.memory_space<hbm>>) target(%dma_start3A_352 : memref<80xi32, #tpu.memory_space<vmem>>) target_semaphore(%arg14 : memref<!tpu.dma_semaphore, #tpu.memory_space<semaphore_mem>>)
      %dma_start3A_354 = arith.constant 0 : i32
      %dma_start3A_355 = arith.constant 0 : i32
      %dma_start3A_356 = tpu.memref_slice %arg9[%dma_start3A_354, %dma_start3A_355] : memref<2x80xi32, #tpu.memory_space<vmem>> -> memref<1x80xi32, #tpu.memory_space<vmem>>
      %dma_start3A_357 = tpu.memref_squeeze %dma_start3A_356 : memref<1x80xi32, #tpu.memory_space<vmem>> -> memref<80xi32, #tpu.memory_space<vmem>>
      %dma_start3A_358 = tpu.memref_slice %arg4[%multiple_of3A_344] : memref<320000xi32, #tpu.memory_space<hbm>> -> memref<80xi32, #tpu.memory_space<hbm>>
      %dma_start3A_359 = arith.constant 0 : i32
      %dma_start3A_360 = tpu.memref_slice %arg9[%dma_start3A_354, %dma_start3A_359] : memref<2x80xi32, #tpu.memory_space<vmem>> -> memref<1x80xi32, #tpu.memory_space<vmem>>
      %dma_start3A_361 = tpu.memref_squeeze %dma_start3A_360 : memref<1x80xi32, #tpu.memory_space<vmem>> -> memref<80xi32, #tpu.memory_space<vmem>>
      %dma_start3A_362 = tpu.memref_slice %arg4[%multiple_of3A_344] : memref<320000xi32, #tpu.memory_space<hbm>> -> memref<80xi32, #tpu.memory_space<hbm>>
      tpu.enqueue_dma source(%dma_start3A_362 : memref<80xi32, #tpu.memory_space<hbm>>) target(%dma_start3A_361 : memref<80xi32, #tpu.memory_space<vmem>>) target_semaphore(%arg14 : memref<!tpu.dma_semaphore, #tpu.memory_space<semaphore_mem>>)
      %mul3A_363 = arith.constant 2 : i32
      %mul3A_364 = arith.muli %add3A_264, %mul3A_363 : i32
      %add3A_365 = arith.constant 1 : i32
      %add3A_366 = arith.addi %mul3A_364, %add3A_365 : i32
      %dma_wait3A_367 = arith.constant 1 : i32
      %dma_wait3A_368 = arith.constant 1 : i32
      %dma_wait3A_369 = arith.constant 0 : i32
      %dma_wait3A_370 = arith.constant 0 : i32
      %dma_wait3A_371 = tpu.memref_slice %arg10[%dma_wait3A_368, %dma_wait3A_369, %dma_wait3A_370] : memref<2x80x128xf32, #tpu.memory_space<vmem>> -> memref<1x80x128xf32, #tpu.memory_space<vmem>>
      %dma_wait3A_372 = tpu.memref_squeeze %dma_wait3A_371 : memref<1x80x128xf32, #tpu.memory_space<vmem>> -> memref<80x128xf32, #tpu.memory_space<vmem>>
      %dma_wait3A_373 = arith.constant 0 : i32
      %dma_wait3A_374 = tpu.memref_slice %arg8[%dma_wait3A_367, %dma_wait3A_373] : memref<2x80xi32, #tpu.memory_space<vmem>> -> memref<1x80xi32, #tpu.memory_space<vmem>>
      %dma_wait3A_375 = tpu.memref_squeeze %dma_wait3A_374 : memref<1x80xi32, #tpu.memory_space<vmem>> -> memref<80xi32, #tpu.memory_space<vmem>>
      %dma_wait3A_376 = arith.constant 0 : i32
      %dma_wait3A_377 = arith.constant 0 : i32
      %dma_wait3A_378 = tpu.memref_slice %arg2[%dma_wait3A_376, %dma_wait3A_377] : memref<10000x128xf32, #tpu.memory_space<hbm>> -> memref<10000x128xf32, #tpu.memory_space<hbm>>
      tpu.wait_indirect_dma semaphore(%arg15 : memref<!tpu.dma_semaphore, #tpu.memory_space<semaphore_mem>>) src(%dma_wait3A_378 : memref<10000x128xf32, #tpu.memory_space<hbm>>) dst(%dma_wait3A_372 : memref<80x128xf32, #tpu.memory_space<vmem>>)
      %dma_wait3A_379 = arith.constant 0 : i32
      %dma_wait3A_380 = arith.constant 0 : i32
      %dma_wait3A_381 = tpu.memref_slice %arg8[%dma_wait3A_379, %dma_wait3A_380] : memref<2x80xi32, #tpu.memory_space<vmem>> -> memref<1x80xi32, #tpu.memory_space<vmem>>
      %dma_wait3A_382 = tpu.memref_squeeze %dma_wait3A_381 : memref<1x80xi32, #tpu.memory_space<vmem>> -> memref<80xi32, #tpu.memory_space<vmem>>
      %dma_wait3A_383 = arith.constant 0 : i32
      %dma_wait3A_384 = tpu.memref_slice %arg3[%dma_wait3A_383] : memref<320000xi32, #tpu.memory_space<hbm>> -> memref<80xi32, #tpu.memory_space<hbm>>
      %dma_wait3A_385 = arith.constant 0 : i32
      %dma_wait3A_386 = tpu.memref_slice %arg8[%dma_wait3A_379, %dma_wait3A_385] : memref<2x80xi32, #tpu.memory_space<vmem>> -> memref<1x80xi32, #tpu.memory_space<vmem>>
      %dma_wait3A_387 = tpu.memref_squeeze %dma_wait3A_386 : memref<1x80xi32, #tpu.memory_space<vmem>> -> memref<80xi32, #tpu.memory_space<vmem>>
      %dma_wait3A_388 = arith.constant 0 : i32
      %dma_wait3A_389 = tpu.memref_slice %arg3[%dma_wait3A_388] : memref<320000xi32, #tpu.memory_space<hbm>> -> memref<80xi32, #tpu.memory_space<hbm>>
      tpu.wait_dma2 semaphore(%arg14 : memref<!tpu.dma_semaphore, #tpu.memory_space<semaphore_mem>>) src(%dma_wait3A_389 : memref<80xi32, #tpu.memory_space<hbm>>) dst(%dma_wait3A_387 : memref<80xi32, #tpu.memory_space<vmem>>)
      %dma_wait3A_390 = arith.constant 0 : i32
      %dma_wait3A_391 = arith.constant 0 : i32
      %dma_wait3A_392 = tpu.memref_slice %arg9[%dma_wait3A_390, %dma_wait3A_391] : memref<2x80xi32, #tpu.memory_space<vmem>> -> memref<1x80xi32, #tpu.memory_space<vmem>>
      %dma_wait3A_393 = tpu.memref_squeeze %dma_wait3A_392 : memref<1x80xi32, #tpu.memory_space<vmem>> -> memref<80xi32, #tpu.memory_space<vmem>>
      %dma_wait3A_394 = arith.constant 0 : i32
      %dma_wait3A_395 = tpu.memref_slice %arg4[%dma_wait3A_394] : memref<320000xi32, #tpu.memory_space<hbm>> -> memref<80xi32, #tpu.memory_space<hbm>>
      %dma_wait3A_396 = arith.constant 0 : i32
      %dma_wait3A_397 = tpu.memref_slice %arg9[%dma_wait3A_390, %dma_wait3A_396] : memref<2x80xi32, #tpu.memory_space<vmem>> -> memref<1x80xi32, #tpu.memory_space<vmem>>
      %dma_wait3A_398 = tpu.memref_squeeze %dma_wait3A_397 : memref<1x80xi32, #tpu.memory_space<vmem>> -> memref<80xi32, #tpu.memory_space<vmem>>
      %dma_wait3A_399 = arith.constant 0 : i32
      %dma_wait3A_400 = tpu.memref_slice %arg4[%dma_wait3A_399] : memref<320000xi32, #tpu.memory_space<hbm>> -> memref<80xi32, #tpu.memory_space<hbm>>
      tpu.wait_dma2 semaphore(%arg14 : memref<!tpu.dma_semaphore, #tpu.memory_space<semaphore_mem>>) src(%dma_wait3A_400 : memref<80xi32, #tpu.memory_space<hbm>>) dst(%dma_wait3A_398 : memref<80xi32, #tpu.memory_space<vmem>>)
      %dma_start3A_401 = arith.constant 0 : i32
      %dma_start3A_402 = arith.constant 0 : i32
      %dma_start3A_403 = arith.constant 0 : i32
      %dma_start3A_404 = arith.constant 0 : i32
      %dma_start3A_405 = tpu.memref_slice %arg10[%dma_start3A_402, %dma_start3A_403, %dma_start3A_404] : memref<2x80x128xf32, #tpu.memory_space<vmem>> -> memref<1x80x128xf32, #tpu.memory_space<vmem>>
      %dma_start3A_406 = tpu.memref_squeeze %dma_start3A_405 : memref<1x80x128xf32, #tpu.memory_space<vmem>> -> memref<80x128xf32, #tpu.memory_space<vmem>>
      %dma_start3A_407 = arith.constant 0 : i32
      %dma_start3A_408 = tpu.memref_slice %arg8[%dma_start3A_401, %dma_start3A_407] : memref<2x80xi32, #tpu.memory_space<vmem>> -> memref<1x80xi32, #tpu.memory_space<vmem>>
      %dma_start3A_409 = tpu.memref_squeeze %dma_start3A_408 : memref<1x80xi32, #tpu.memory_space<vmem>> -> memref<80xi32, #tpu.memory_space<vmem>>
      %dma_start3A_410 = arith.constant 0 : i32
      %dma_start3A_411 = arith.constant 0 : i32
      %dma_start3A_412 = tpu.memref_slice %arg2[%dma_start3A_410, %dma_start3A_411] : memref<10000x128xf32, #tpu.memory_space<hbm>> -> memref<10000x128xf32, #tpu.memory_space<hbm>>
      tpu.enqueue_indirect_dma source(%dma_start3A_412 : memref<10000x128xf32, #tpu.memory_space<hbm>>) target(%dma_start3A_406 : memref<80x128xf32, #tpu.memory_space<vmem>>) offsets(%dma_start3A_409 : memref<80xi32, #tpu.memory_space<vmem>>) semaphore(%arg15 : memref<!tpu.dma_semaphore, #tpu.memory_space<semaphore_mem>>)
      %run_scoped3A_413 = arith.constant 1 : i32
      %run_scoped3A_414 = arith.constant 1 : i32
      "tpu.region"() ({
        %run_scoped3A_461 = tpu.sem_alloc : memref<!tpu.dma_semaphore, #tpu.memory_space<semaphore_mem>>
        %dma_start3A_462 = arith.constant 0 : i32
        %dma_start3A_463 = arith.constant 0 : i32
        %dma_start3A_464 = tpu.memref_slice %arg10[%run_scoped3A_413, %dma_start3A_462, %dma_start3A_463] : memref<2x80x128xf32, #tpu.memory_space<vmem>> -> memref<1x80x128xf32, #tpu.memory_space<vmem>>
        %dma_start3A_465 = tpu.memref_squeeze %dma_start3A_464 : memref<1x80x128xf32, #tpu.memory_space<vmem>> -> memref<80x128xf32, #tpu.memory_space<vmem>>
        %dma_start3A_466 = arith.constant 0 : i32
        %dma_start3A_467 = tpu.memref_slice %arg9[%run_scoped3A_414, %dma_start3A_466] : memref<2x80xi32, #tpu.memory_space<vmem>> -> memref<1x80xi32, #tpu.memory_space<vmem>>
        %dma_start3A_468 = tpu.memref_squeeze %dma_start3A_467 : memref<1x80xi32, #tpu.memory_space<vmem>> -> memref<80xi32, #tpu.memory_space<vmem>>
        %dma_start3A_469 = arith.constant 0 : i32
        %dma_start3A_470 = arith.constant 0 : i32
        %dma_start3A_471 = tpu.memref_slice %arg13[%dma_start3A_469, %dma_start3A_470] : memref<10000x128xf32, #tpu.memory_space<vmem_shared>> -> memref<10000x128xf32, #tpu.memory_space<vmem_shared>>
        tpu.enqueue_indirect_dma source(%dma_start3A_465 : memref<80x128xf32, #tpu.memory_space<vmem>>) target(%dma_start3A_471 : memref<10000x128xf32, #tpu.memory_space<vmem_shared>>) offsets(%dma_start3A_468 : memref<80xi32, #tpu.memory_space<vmem>>) semaphore(%run_scoped3A_461 : memref<!tpu.dma_semaphore, #tpu.memory_space<semaphore_mem>>) {add = true}
        %dma_wait3A_472 = arith.constant 0 : i32
        %dma_wait3A_473 = arith.constant 0 : i32
        %dma_wait3A_474 = tpu.memref_slice %arg10[%run_scoped3A_413, %dma_wait3A_472, %dma_wait3A_473] : memref<2x80x128xf32, #tpu.memory_space<vmem>> -> memref<1x80x128xf32, #tpu.memory_space<vmem>>
        %dma_wait3A_475 = tpu.memref_squeeze %dma_wait3A_474 : memref<1x80x128xf32, #tpu.memory_space<vmem>> -> memref<80x128xf32, #tpu.memory_space<vmem>>
        %dma_wait3A_476 = arith.constant 0 : i32
        %dma_wait3A_477 = tpu.memref_slice %arg9[%run_scoped3A_414, %dma_wait3A_476] : memref<2x80xi32, #tpu.memory_space<vmem>> -> memref<1x80xi32, #tpu.memory_space<vmem>>
        %dma_wait3A_478 = tpu.memref_squeeze %dma_wait3A_477 : memref<1x80xi32, #tpu.memory_space<vmem>> -> memref<80xi32, #tpu.memory_space<vmem>>
        %dma_wait3A_479 = arith.constant 0 : i32
        %dma_wait3A_480 = arith.constant 0 : i32
        %dma_wait3A_481 = tpu.memref_slice %arg13[%dma_wait3A_479, %dma_wait3A_480] : memref<10000x128xf32, #tpu.memory_space<vmem_shared>> -> memref<10000x128xf32, #tpu.memory_space<vmem_shared>>
        tpu.wait_indirect_dma semaphore(%run_scoped3A_461 : memref<!tpu.dma_semaphore, #tpu.memory_space<semaphore_mem>>) src(%dma_wait3A_475 : memref<80x128xf32, #tpu.memory_space<vmem>>) dst(%dma_wait3A_481 : memref<10000x128xf32, #tpu.memory_space<vmem_shared>>)
        tpu.yield
      }) : () -> ()
      %get3A_415 = arith.constant 1 : i32
      %get3A_416 = arith.index_cast %get3A_415 : i32 to index
      %get3A_417 = arith.constant 0 : index
      %get3A_418 = tpu.vector_load %arg9[%get3A_416, %get3A_417] {strides = array<i32>} : memref<2x80xi32, #tpu.memory_space<vmem>>, vector<16xi32>,
      tpu.vector_store_idx %arg16[%get3A_418], %broadcast_in_dim3A_12 {add = true} : memref<10240xf32, #tpu.memory_space<vmem>>[vector<16xi32>], vector<16xf32>,
      %get3A_419 = arith.constant 1 : i32
      %get3A_420 = arith.index_cast %get3A_419 : i32 to index
      %get3A_421 = arith.constant 16 : index
      %get3A_422 = tpu.vector_load %arg9[%get3A_420, %get3A_421] {strides = array<i32>} : memref<2x80xi32, #tpu.memory_space<vmem>>, vector<16xi32>,
      tpu.vector_store_idx %arg16[%get3A_422], %broadcast_in_dim3A_12 {add = true} : memref<10240xf32, #tpu.memory_space<vmem>>[vector<16xi32>], vector<16xf32>,
      %get3A_423 = arith.constant 1 : i32
      %get3A_424 = arith.index_cast %get3A_423 : i32 to index
      %get3A_425 = arith.constant 32 : index
      %get3A_426 = tpu.vector_load %arg9[%get3A_424, %get3A_425] {strides = array<i32>} : memref<2x80xi32, #tpu.memory_space<vmem>>, vector<16xi32>,
      tpu.vector_store_idx %arg16[%get3A_426], %broadcast_in_dim3A_12 {add = true} : memref<10240xf32, #tpu.memory_space<vmem>>[vector<16xi32>], vector<16xf32>,
      %get3A_427 = arith.constant 1 : i32
      %get3A_428 = arith.index_cast %get3A_427 : i32 to index
      %get3A_429 = arith.constant 48 : index
      %get3A_430 = tpu.vector_load %arg9[%get3A_428, %get3A_429] {strides = array<i32>} : memref<2x80xi32, #tpu.memory_space<vmem>>, vector<16xi32>,
      tpu.vector_store_idx %arg16[%get3A_430], %broadcast_in_dim3A_12 {add = true} : memref<10240xf32, #tpu.memory_space<vmem>>[vector<16xi32>], vector<16xf32>,
      %get3A_431 = arith.constant 1 : i32
      %get3A_432 = arith.index_cast %get3A_431 : i32 to index
      %get3A_433 = arith.constant 64 : index
      %get3A_434 = tpu.vector_load %arg9[%get3A_432, %get3A_433] {strides = array<i32>} : memref<2x80xi32, #tpu.memory_space<vmem>>, vector<16xi32>,
      tpu.vector_store_idx %arg16[%get3A_434], %broadcast_in_dim3A_12 {add = true} : memref<10240xf32, #tpu.memory_space<vmem>>[vector<16xi32>], vector<16xf32>,
      %add3A_435 = arith.constant 2 : i32
      %add3A_436 = arith.addi %add3A_366, %add3A_435 : i32
      %mul3A_437 = arith.constant 80 : i32
      %mul3A_438 = arith.muli %add3A_436, %mul3A_437 : i32
      %add3A_439 = arith.addi %mul3A_10, %mul3A_438 : i32
      %min3A_440 = arith.constant 319920 : i32
      %min3A_441 = arith.minsi %add3A_439, %min3A_440 : i32
      %multiple_of3A_442 = tpu.assume_multiple %min3A_441, 8 : i32
      %dma_start3A_443 = arith.constant 1 : i32
      %dma_start3A_444 = arith.constant 0 : i32
      %dma_start3A_445 = tpu.memref_slice %arg8[%dma_start3A_443, %dma_start3A_444] : memref<2x80xi32, #tpu.memory_space<vmem>> -> memref<1x80xi32, #tpu.memory_space<vmem>>
      %dma_start3A_446 = tpu.memref_squeeze %dma_start3A_445 : memref<1x80xi32, #tpu.memory_space<vmem>> -> memref<80xi32, #tpu.memory_space<vmem>>
      %dma_start3A_447 = tpu.memref_slice %arg3[%multiple_of3A_442] : memref<320000xi32, #tpu.memory_space<hbm>> -> memref<80xi32, #tpu.memory_space<hbm>>
      %dma_start3A_448 = arith.constant 0 : i32
      %dma_start3A_449 = tpu.memref_slice %arg8[%dma_start3A_443, %dma_start3A_448] : memref<2x80xi32, #tpu.memory_space<vmem>> -> memref<1x80xi32, #tpu.memory_space<vmem>>
      %dma_start3A_450 = tpu.memref_squeeze %dma_start3A_449 : memref<1x80xi32, #tpu.memory_space<vmem>> -> memref<80xi32, #tpu.memory_space<vmem>>
      %dma_start3A_451 = tpu.memref_slice %arg3[%multiple_of3A_442] : memref<320000xi32, #tpu.memory_space<hbm>> -> memref<80xi32, #tpu.memory_space<hbm>>
      tpu.enqueue_dma source(%dma_start3A_451 : memref<80xi32, #tpu.memory_space<hbm>>) target(%dma_start3A_450 : memref<80xi32, #tpu.memory_space<vmem>>) target_semaphore(%arg14 : memref<!tpu.dma_semaphore, #tpu.memory_space<semaphore_mem>>)
      %dma_start3A_452 = arith.constant 1 : i32
      %dma_start3A_453 = arith.constant 0 : i32
      %dma_start3A_454 = tpu.memref_slice %arg9[%dma_start3A_452, %dma_start3A_453] : memref<2x80xi32, #tpu.memory_space<vmem>> -> memref<1x80xi32, #tpu.memory_space<vmem>>
      %dma_start3A_455 = tpu.memref_squeeze %dma_start3A_454 : memref<1x80xi32, #tpu.memory_space<vmem>> -> memref<80xi32, #tpu.memory_space<vmem>>
      %dma_start3A_456 = tpu.memref_slice %arg4[%multiple_of3A_442] : memref<320000xi32, #tpu.memory_space<hbm>> -> memref<80xi32, #tpu.memory_space<hbm>>
      %dma_start3A_457 = arith.constant 0 : i32
      %dma_start3A_458 = tpu.memref_slice %arg9[%dma_start3A_452, %dma_start3A_457] : memref<2x80xi32, #tpu.memory_space<vmem>> -> memref<1x80xi32, #tpu.memory_space<vmem>>
      %dma_start3A_459 = tpu.memref_squeeze %dma_start3A_458 : memref<1x80xi32, #tpu.memory_space<vmem>> -> memref<80xi32, #tpu.memory_space<vmem>>
      %dma_start3A_460 = tpu.memref_slice %arg4[%multiple_of3A_442] : memref<320000xi32, #tpu.memory_space<hbm>> -> memref<80xi32, #tpu.memory_space<hbm>>
      tpu.enqueue_dma source(%dma_start3A_460 : memref<80xi32, #tpu.memory_space<hbm>>) target(%dma_start3A_459 : memref<80xi32, #tpu.memory_space<vmem>>) target_semaphore(%arg14 : memref<!tpu.dma_semaphore, #tpu.memory_space<semaphore_mem>>)
    }
    %scan3A_95 = arith.constant 62 : i32
    %dma_wait3A_96 = arith.constant 0 : i32
    %dma_wait3A_97 = arith.constant 0 : i32
    %dma_wait3A_98 = arith.constant 0 : i32
    %dma_wait3A_99 = arith.constant 0 : i32
    %dma_wait3A_100 = tpu.memref_slice %arg10[%dma_wait3A_97, %dma_wait3A_98, %dma_wait3A_99] : memref<2x80x128xf32, #tpu.memory_space<vmem>> -> memref<1x80x128xf32, #tpu.memory_space<vmem>>
    %dma_wait3A_101 = tpu.memref_squeeze %dma_wait3A_100 : memref<1x80x128xf32, #tpu.memory_space<vmem>> -> memref<80x128xf32, #tpu.memory_space<vmem>>
    %dma_wait3A_102 = arith.constant 0 : i32
    %dma_wait3A_103 = tpu.memref_slice %arg8[%dma_wait3A_96, %dma_wait3A_102] : memref<2x80xi32, #tpu.memory_space<vmem>> -> memref<1x80xi32, #tpu.memory_space<vmem>>
    %dma_wait3A_104 = tpu.memref_squeeze %dma_wait3A_103 : memref<1x80xi32, #tpu.memory_space<vmem>> -> memref<80xi32, #tpu.memory_space<vmem>>
    %dma_wait3A_105 = arith.constant 0 : i32
    %dma_wait3A_106 = arith.constant 0 : i32
    %dma_wait3A_107 = tpu.memref_slice %arg2[%dma_wait3A_105, %dma_wait3A_106] : memref<10000x128xf32, #tpu.memory_space<hbm>> -> memref<10000x128xf32, #tpu.memory_space<hbm>>
    tpu.wait_indirect_dma semaphore(%arg15 : memref<!tpu.dma_semaphore, #tpu.memory_space<semaphore_mem>>) src(%dma_wait3A_107 : memref<10000x128xf32, #tpu.memory_space<hbm>>) dst(%dma_wait3A_101 : memref<80x128xf32, #tpu.memory_space<vmem>>)
    %dma_wait3A_108 = arith.constant 0 : i32
    %dma_wait3A_109 = arith.constant 0 : i32
    %dma_wait3A_110 = tpu.memref_slice %arg8[%dma_wait3A_108, %dma_wait3A_109] : memref<2x80xi32, #tpu.memory_space<vmem>> -> memref<1x80xi32, #tpu.memory_space<vmem>>
    %dma_wait3A_111 = tpu.memref_squeeze %dma_wait3A_110 : memref<1x80xi32, #tpu.memory_space<vmem>> -> memref<80xi32, #tpu.memory_space<vmem>>
    %dma_wait3A_112 = arith.constant 0 : i32
    %dma_wait3A_113 = tpu.memref_slice %arg3[%dma_wait3A_112] : memref<320000xi32, #tpu.memory_space<hbm>> -> memref<80xi32, #tpu.memory_space<hbm>>
    %dma_wait3A_114 = arith.constant 0 : i32
    %dma_wait3A_115 = tpu.memref_slice %arg8[%dma_wait3A_108, %dma_wait3A_114] : memref<2x80xi32, #tpu.memory_space<vmem>> -> memref<1x80xi32, #tpu.memory_space<vmem>>
    %dma_wait3A_116 = tpu.memref_squeeze %dma_wait3A_115 : memref<1x80xi32, #tpu.memory_space<vmem>> -> memref<80xi32, #tpu.memory_space<vmem>>
    %dma_wait3A_117 = arith.constant 0 : i32
    %dma_wait3A_118 = tpu.memref_slice %arg3[%dma_wait3A_117] : memref<320000xi32, #tpu.memory_space<hbm>> -> memref<80xi32, #tpu.memory_space<hbm>>
    tpu.wait_dma2 semaphore(%arg14 : memref<!tpu.dma_semaphore, #tpu.memory_space<semaphore_mem>>) src(%dma_wait3A_118 : memref<80xi32, #tpu.memory_space<hbm>>) dst(%dma_wait3A_116 : memref<80xi32, #tpu.memory_space<vmem>>)
    %dma_wait3A_119 = arith.constant 0 : i32
    %dma_wait3A_120 = arith.constant 0 : i32
    %dma_wait3A_121 = tpu.memref_slice %arg9[%dma_wait3A_119, %dma_wait3A_120] : memref<2x80xi32, #tpu.memory_space<vmem>> -> memref<1x80xi32, #tpu.memory_space<vmem>>
    %dma_wait3A_122 = tpu.memref_squeeze %dma_wait3A_121 : memref<1x80xi32, #tpu.memory_space<vmem>> -> memref<80xi32, #tpu.memory_space<vmem>>
    %dma_wait3A_123 = arith.constant 0 : i32
    %dma_wait3A_124 = tpu.memref_slice %arg4[%dma_wait3A_123] : memref<320000xi32, #tpu.memory_space<hbm>> -> memref<80xi32, #tpu.memory_space<hbm>>
    %dma_wait3A_125 = arith.constant 0 : i32
    %dma_wait3A_126 = tpu.memref_slice %arg9[%dma_wait3A_119, %dma_wait3A_125] : memref<2x80xi32, #tpu.memory_space<vmem>> -> memref<1x80xi32, #tpu.memory_space<vmem>>
    %dma_wait3A_127 = tpu.memref_squeeze %dma_wait3A_126 : memref<1x80xi32, #tpu.memory_space<vmem>> -> memref<80xi32, #tpu.memory_space<vmem>>
    %dma_wait3A_128 = arith.constant 0 : i32
    %dma_wait3A_129 = tpu.memref_slice %arg4[%dma_wait3A_128] : memref<320000xi32, #tpu.memory_space<hbm>> -> memref<80xi32, #tpu.memory_space<hbm>>
    tpu.wait_dma2 semaphore(%arg14 : memref<!tpu.dma_semaphore, #tpu.memory_space<semaphore_mem>>) src(%dma_wait3A_129 : memref<80xi32, #tpu.memory_space<hbm>>) dst(%dma_wait3A_127 : memref<80xi32, #tpu.memory_space<vmem>>)
    %add3A_130 = arith.constant 9920 : i32
    %add3A_131 = arith.addi %mul3A_10, %add3A_130 : i32
    "tpu.region"() ({
      %run_scoped3A_260 = tpu.sem_alloc : memref<!tpu.dma_semaphore, #tpu.memory_space<semaphore_mem>>
      %dma_start3A_261 = tpu.memref_slice %arg3[%add3A_131] : memref<320000xi32, #tpu.memory_space<hbm>> -> memref<80xi32, #tpu.memory_space<hbm>>
      %dma_start3A_262 = tpu.memref_slice %arg3[%add3A_131] : memref<320000xi32, #tpu.memory_space<hbm>> -> memref<80xi32, #tpu.memory_space<hbm>>
      tpu.enqueue_dma source(%dma_start3A_262 : memref<80xi32, #tpu.memory_space<hbm>>) target(%arg11 : memref<80xi32, #tpu.memory_space<vmem>>) target_semaphore(%run_scoped3A_260 : memref<!tpu.dma_semaphore, #tpu.memory_space<semaphore_mem>>)
      %dma_wait3A_263 = tpu.memref_slice %arg3[%add3A_131] : memref<320000xi32, #tpu.memory_space<hbm>> -> memref<80xi32, #tpu.memory_space<hbm>>
      %dma_wait3A_264 = tpu.memref_slice %arg3[%add3A_131] : memref<320000xi32, #tpu.memory_space<hbm>> -> memref<80xi32, #tpu.memory_space<hbm>>
      tpu.wait_dma2 semaphore(%run_scoped3A_260 : memref<!tpu.dma_semaphore, #tpu.memory_space<semaphore_mem>>) src(%dma_wait3A_264 : memref<80xi32, #tpu.memory_space<hbm>>) dst(%arg11 : memref<80xi32, #tpu.memory_space<vmem>>)
      tpu.yield
    }) : () -> ()
    "tpu.region"() ({
      %run_scoped3A_260 = tpu.sem_alloc : memref<!tpu.dma_semaphore, #tpu.memory_space<semaphore_mem>>
      %dma_start3A_261 = tpu.memref_slice %arg4[%add3A_131] : memref<320000xi32, #tpu.memory_space<hbm>> -> memref<80xi32, #tpu.memory_space<hbm>>
      %dma_start3A_262 = tpu.memref_slice %arg4[%add3A_131] : memref<320000xi32, #tpu.memory_space<hbm>> -> memref<80xi32, #tpu.memory_space<hbm>>
      tpu.enqueue_dma source(%dma_start3A_262 : memref<80xi32, #tpu.memory_space<hbm>>) target(%arg12 : memref<80xi32, #tpu.memory_space<vmem>>) target_semaphore(%run_scoped3A_260 : memref<!tpu.dma_semaphore, #tpu.memory_space<semaphore_mem>>)
      %dma_wait3A_263 = tpu.memref_slice %arg4[%add3A_131] : memref<320000xi32, #tpu.memory_space<hbm>> -> memref<80xi32, #tpu.memory_space<hbm>>
      %dma_wait3A_264 = tpu.memref_slice %arg4[%add3A_131] : memref<320000xi32, #tpu.memory_space<hbm>> -> memref<80xi32, #tpu.memory_space<hbm>>
      tpu.wait_dma2 semaphore(%run_scoped3A_260 : memref<!tpu.dma_semaphore, #tpu.memory_space<semaphore_mem>>) src(%dma_wait3A_264 : memref<80xi32, #tpu.memory_space<hbm>>) dst(%arg12 : memref<80xi32, #tpu.memory_space<vmem>>)
      tpu.yield
    }) : () -> ()
    %dma_start3A_132 = arith.constant 0 : i32
    %dma_start3A_133 = arith.constant 0 : i32
    %dma_start3A_134 = arith.constant 0 : i32
    %dma_start3A_135 = tpu.memref_slice %arg10[%dma_start3A_132, %dma_start3A_133, %dma_start3A_134] : memref<2x80x128xf32, #tpu.memory_space<vmem>> -> memref<1x80x128xf32, #tpu.memory_space<vmem>>
    %dma_start3A_136 = tpu.memref_squeeze %dma_start3A_135 : memref<1x80x128xf32, #tpu.memory_space<vmem>> -> memref<80x128xf32, #tpu.memory_space<vmem>>
    %dma_start3A_137 = arith.constant 0 : i32
    %dma_start3A_138 = arith.constant 0 : i32
    %dma_start3A_139 = tpu.memref_slice %arg2[%dma_start3A_137, %dma_start3A_138] : memref<10000x128xf32, #tpu.memory_space<hbm>> -> memref<10000x128xf32, #tpu.memory_space<hbm>>
    tpu.enqueue_indirect_dma source(%dma_start3A_139 : memref<10000x128xf32, #tpu.memory_space<hbm>>) target(%dma_start3A_136 : memref<80x128xf32, #tpu.memory_space<vmem>>) offsets(%arg11 : memref<80xi32, #tpu.memory_space<vmem>>) semaphore(%arg15 : memref<!tpu.dma_semaphore, #tpu.memory_space<semaphore_mem>>)
    %dma_wait3A_140 = arith.constant 0 : i32
    %dma_wait3A_141 = arith.constant 0 : i32
    %dma_wait3A_142 = arith.constant 0 : i32
    %dma_wait3A_143 = tpu.memref_slice %arg10[%dma_wait3A_140, %dma_wait3A_141, %dma_wait3A_142] : memref<2x80x128xf32, #tpu.memory_space<vmem>> -> memref<1x80x128xf32, #tpu.memory_space<vmem>>
    %dma_wait3A_144 = tpu.memref_squeeze %dma_wait3A_143 : memref<1x80x128xf32, #tpu.memory_space<vmem>> -> memref<80x128xf32, #tpu.memory_space<vmem>>
    %dma_wait3A_145 = arith.constant 0 : i32
    %dma_wait3A_146 = arith.constant 0 : i32
    %dma_wait3A_147 = tpu.memref_slice %arg2[%dma_wait3A_145, %dma_wait3A_146] : memref<10000x128xf32, #tpu.memory_space<hbm>> -> memref<10000x128xf32, #tpu.memory_space<hbm>>
    tpu.wait_indirect_dma semaphore(%arg15 : memref<!tpu.dma_semaphore, #tpu.memory_space<semaphore_mem>>) src(%dma_wait3A_147 : memref<10000x128xf32, #tpu.memory_space<hbm>>) dst(%dma_wait3A_144 : memref<80x128xf32, #tpu.memory_space<vmem>>)
    %run_scoped3A = arith.constant 0 : i32
    "tpu.region"() ({
      %run_scoped3A_260 = tpu.sem_alloc : memref<!tpu.dma_semaphore, #tpu.memory_space<semaphore_mem>>
      %dma_start3A_261 = arith.constant 0 : i32
      %dma_start3A_262 = arith.constant 0 : i32
      %dma_start3A_263 = tpu.memref_slice %arg10[%run_scoped3A, %dma_start3A_261, %dma_start3A_262] : memref<2x80x128xf32, #tpu.memory_space<vmem>> -> memref<1x80x128xf32, #tpu.memory_space<vmem>>
      %dma_start3A_264 = tpu.memref_squeeze %dma_start3A_263 : memref<1x80x128xf32, #tpu.memory_space<vmem>> -> memref<80x128xf32, #tpu.memory_space<vmem>>
      %dma_start3A_265 = arith.constant 0 : i32
      %dma_start3A_266 = arith.constant 0 : i32
      %dma_start3A_267 = tpu.memref_slice %arg13[%dma_start3A_265, %dma_start3A_266] : memref<10000x128xf32, #tpu.memory_space<vmem_shared>> -> memref<10000x128xf32, #tpu.memory_space<vmem_shared>>
      tpu.enqueue_indirect_dma source(%dma_start3A_264 : memref<80x128xf32, #tpu.memory_space<vmem>>) target(%dma_start3A_267 : memref<10000x128xf32, #tpu.memory_space<vmem_shared>>) offsets(%arg12 : memref<80xi32, #tpu.memory_space<vmem>>) semaphore(%run_scoped3A_260 : memref<!tpu.dma_semaphore, #tpu.memory_space<semaphore_mem>>) {add = true}
      %dma_wait3A_268 = arith.constant 0 : i32
      %dma_wait3A_269 = arith.constant 0 : i32
      %dma_wait3A_270 = tpu.memref_slice %arg10[%run_scoped3A, %dma_wait3A_268, %dma_wait3A_269] : memref<2x80x128xf32, #tpu.memory_space<vmem>> -> memref<1x80x128xf32, #tpu.memory_space<vmem>>
      %dma_wait3A_271 = tpu.memref_squeeze %dma_wait3A_270 : memref<1x80x128xf32, #tpu.memory_space<vmem>> -> memref<80x128xf32, #tpu.memory_space<vmem>>
      %dma_wait3A_272 = arith.constant 0 : i32
      %dma_wait3A_273 = arith.constant 0 : i32
      %dma_wait3A_274 = tpu.memref_slice %arg13[%dma_wait3A_272, %dma_wait3A_273] : memref<10000x128xf32, #tpu.memory_space<vmem_shared>> -> memref<10000x128xf32, #tpu.memory_space<vmem_shared>>
      tpu.wait_indirect_dma semaphore(%run_scoped3A_260 : memref<!tpu.dma_semaphore, #tpu.memory_space<semaphore_mem>>) src(%dma_wait3A_271 : memref<80x128xf32, #tpu.memory_space<vmem>>) dst(%dma_wait3A_274 : memref<10000x128xf32, #tpu.memory_space<vmem_shared>>)
      tpu.yield
    }) : () -> ()
    %get3A = arith.constant 0 : index
    %get3A_148 = tpu.vector_load %arg12[%get3A] {strides = array<i32>} : memref<80xi32, #tpu.memory_space<vmem>>, vector<16xi32>,
    tpu.vector_store_idx %arg16[%get3A_148], %broadcast_in_dim3A_12 {add = true} : memref<10240xf32, #tpu.memory_space<vmem>>[vector<16xi32>], vector<16xf32>,
    %get3A_149 = arith.constant 16 : index
    %get3A_150 = tpu.vector_load %arg12[%get3A_149] {strides = array<i32>} : memref<80xi32, #tpu.memory_space<vmem>>, vector<16xi32>,
    tpu.vector_store_idx %arg16[%get3A_150], %broadcast_in_dim3A_12 {add = true} : memref<10240xf32, #tpu.memory_space<vmem>>[vector<16xi32>], vector<16xf32>,
    %get3A_151 = arith.constant 32 : index
    %get3A_152 = tpu.vector_load %arg12[%get3A_151] {strides = array<i32>} : memref<80xi32, #tpu.memory_space<vmem>>, vector<16xi32>,
    tpu.vector_store_idx %arg16[%get3A_152], %broadcast_in_dim3A_12 {add = true} : memref<10240xf32, #tpu.memory_space<vmem>>[vector<16xi32>], vector<16xf32>,
    %get3A_153 = arith.constant 48 : index
    %get3A_154 = tpu.vector_load %arg12[%get3A_153] {strides = array<i32>} : memref<80xi32, #tpu.memory_space<vmem>>, vector<16xi32>,
    tpu.vector_store_idx %arg16[%get3A_154], %broadcast_in_dim3A_12 {add = true} : memref<10240xf32, #tpu.memory_space<vmem>>[vector<16xi32>], vector<16xf32>,
    %get3A_155 = arith.constant 64 : index
    %get3A_156 = tpu.vector_load %arg12[%get3A_155] {strides = array<i32>} : memref<80xi32, #tpu.memory_space<vmem>>, vector<16xi32>,
    tpu.vector_store_idx %arg16[%get3A_156], %broadcast_in_dim3A_12 {add = true} : memref<10240xf32, #tpu.memory_space<vmem>>[vector<16xi32>], vector<16xf32>,
    "tpu.region"() ({
      %run_scoped3A_260 = tpu.sem_alloc : memref<!tpu.dma_semaphore, #tpu.memory_space<semaphore_mem>>
      %dma_start3A_261 = arith.constant 0 : i32
      %dma_start3A_262 = tpu.memref_slice %arg19[%arg1, %dma_start3A_261] : memref<16x10240xf32, #tpu.memory_space<vmem_shared>> -> memref<1x10240xf32, #tpu.memory_space<vmem_shared>>
      %dma_start3A_263 = tpu.memref_squeeze %dma_start3A_262 : memref<1x10240xf32, #tpu.memory_space<vmem_shared>> -> memref<10240xf32, #tpu.memory_space<vmem_shared>>
      %dma_start3A_264 = arith.constant 0 : i32
      %dma_start3A_265 = tpu.memref_slice %arg19[%arg1, %dma_start3A_264] : memref<16x10240xf32, #tpu.memory_space<vmem_shared>> -> memref<1x10240xf32, #tpu.memory_space<vmem_shared>>
      %dma_start3A_266 = tpu.memref_squeeze %dma_start3A_265 : memref<1x10240xf32, #tpu.memory_space<vmem_shared>> -> memref<10240xf32, #tpu.memory_space<vmem_shared>>
      tpu.enqueue_dma source(%arg16 : memref<10240xf32, #tpu.memory_space<vmem>>) target(%dma_start3A_266 : memref<10240xf32, #tpu.memory_space<vmem_shared>>) target_semaphore(%run_scoped3A_260 : memref<!tpu.dma_semaphore, #tpu.memory_space<semaphore_mem>>)
      %dma_wait3A_267 = arith.constant 0 : i32
      %dma_wait3A_268 = tpu.memref_slice %arg19[%arg1, %dma_wait3A_267] : memref<16x10240xf32, #tpu.memory_space<vmem_shared>> -> memref<1x10240xf32, #tpu.memory_space<vmem_shared>>
      %dma_wait3A_269 = tpu.memref_squeeze %dma_wait3A_268 : memref<1x10240xf32, #tpu.memory_space<vmem_shared>> -> memref<10240xf32, #tpu.memory_space<vmem_shared>>
      %dma_wait3A_270 = arith.constant 0 : i32
      %dma_wait3A_271 = tpu.memref_slice %arg19[%arg1, %dma_wait3A_270] : memref<16x10240xf32, #tpu.memory_space<vmem_shared>> -> memref<1x10240xf32, #tpu.memory_space<vmem_shared>>
      %dma_wait3A_272 = tpu.memref_squeeze %dma_wait3A_271 : memref<1x10240xf32, #tpu.memory_space<vmem_shared>> -> memref<10240xf32, #tpu.memory_space<vmem_shared>>
      tpu.wait_dma2 semaphore(%run_scoped3A_260 : memref<!tpu.dma_semaphore, #tpu.memory_space<semaphore_mem>>) src(%arg16 : memref<10240xf32, #tpu.memory_space<vmem>>) dst(%dma_wait3A_272 : memref<10240xf32, #tpu.memory_space<vmem_shared>>)
      tpu.yield
    }) : () -> ()
    %barrier3A_157 = arith.constant 0 : index
    tpu.barrier barrier_id(%barrier3A_157)
    %mul3A_158 = arith.constant 10000 : i32
    %mul3A_159 = arith.muli %arg0, %mul3A_158 : i32
    %add3A_160 = arith.addi %mul3A_159, %multiple_of3A : i32
    %multiple_of3A_161 = tpu.assume_multiple %add3A_160, 8 : i32
    "tpu.region"() ({
      %run_scoped3A_260 = tpu.sem_alloc : memref<!tpu.dma_semaphore, #tpu.memory_space<semaphore_mem>>
      %dma_start3A_261 = arith.constant 0 : i32
      %dma_start3A_262 = tpu.memref_slice %arg6[%multiple_of3A_161, %dma_start3A_261] : memref<20000x128xf32, #tpu.memory_space<hbm>> -> memref<632x128xf32, #tpu.memory_space<hbm>>
      %dma_start3A_263 = arith.constant 0 : i32
      %dma_start3A_264 = tpu.memref_slice %arg13[%multiple_of3A, %dma_start3A_263] : memref<10000x128xf32, #tpu.memory_space<vmem_shared>> -> memref<632x128xf32, #tpu.memory_space<vmem_shared>>
      tpu.enqueue_dma source(%dma_start3A_264 : memref<632x128xf32, #tpu.memory_space<vmem_shared>>) target(%dma_start3A_262 : memref<632x128xf32, #tpu.memory_space<hbm>>) target_semaphore(%run_scoped3A_260 : memref<!tpu.dma_semaphore, #tpu.memory_space<semaphore_mem>>)
      %dma_wait3A_265 = arith.constant 0 : i32
      %dma_wait3A_266 = tpu.memref_slice %arg6[%multiple_of3A_161, %dma_wait3A_265] : memref<20000x128xf32, #tpu.memory_space<hbm>> -> memref<632x128xf32, #tpu.memory_space<hbm>>
      %dma_wait3A_267 = arith.constant 0 : i32
      %dma_wait3A_268 = tpu.memref_slice %arg13[%multiple_of3A, %dma_wait3A_267] : memref<10000x128xf32, #tpu.memory_space<vmem_shared>> -> memref<632x128xf32, #tpu.memory_space<vmem_shared>>
      tpu.wait_dma2 semaphore(%run_scoped3A_260 : memref<!tpu.dma_semaphore, #tpu.memory_space<semaphore_mem>>) src(%dma_wait3A_268 : memref<632x128xf32, #tpu.memory_space<vmem_shared>>) dst(%dma_wait3A_266 : memref<632x128xf32, #tpu.memory_space<hbm>>)
      tpu.yield
    }) : () -> ()
    %mul3A_162 = arith.constant 640 : i32
    %mul3A_163 = arith.muli %arg1, %mul3A_162 : i32
    %multiple_of3A_164 = tpu.assume_multiple %mul3A_163, 128 : i32
    %run_scoped3A_165 = arith.constant 0 : i32
    "tpu.region"() ({
      %run_scoped3A_260 = tpu.sem_alloc : memref<!tpu.dma_semaphore, #tpu.memory_space<semaphore_mem>>
      %dma_start3A_261 = tpu.memref_slice %arg19[%run_scoped3A_165, %multiple_of3A_164] : memref<16x10240xf32, #tpu.memory_space<vmem_shared>> -> memref<1x640xf32, #tpu.memory_space<vmem_shared>>
      %dma_start3A_262 = tpu.memref_squeeze %dma_start3A_261 : memref<1x640xf32, #tpu.memory_space<vmem_shared>> -> memref<640xf32, #tpu.memory_space<vmem_shared>>
      %dma_start3A_263 = tpu.memref_slice %arg19[%run_scoped3A_165, %multiple_of3A_164] : memref<16x10240xf32, #tpu.memory_space<vmem_shared>> -> memref<1x640xf32, #tpu.memory_space<vmem_shared>>
      %dma_start3A_264 = tpu.memref_squeeze %dma_start3A_263 : memref<1x640xf32, #tpu.memory_space<vmem_shared>> -> memref<640xf32, #tpu.memory_space<vmem_shared>>
      tpu.enqueue_dma source(%dma_start3A_264 : memref<640xf32, #tpu.memory_space<vmem_shared>>) target(%arg18 : memref<640xf32, #tpu.memory_space<vmem>>) target_semaphore(%run_scoped3A_260 : memref<!tpu.dma_semaphore, #tpu.memory_space<semaphore_mem>>)
      %dma_wait3A_265 = tpu.memref_slice %arg19[%run_scoped3A_165, %multiple_of3A_164] : memref<16x10240xf32, #tpu.memory_space<vmem_shared>> -> memref<1x640xf32, #tpu.memory_space<vmem_shared>>
      %dma_wait3A_266 = tpu.memref_squeeze %dma_wait3A_265 : memref<1x640xf32, #tpu.memory_space<vmem_shared>> -> memref<640xf32, #tpu.memory_space<vmem_shared>>
      %dma_wait3A_267 = tpu.memref_slice %arg19[%run_scoped3A_165, %multiple_of3A_164] : memref<16x10240xf32, #tpu.memory_space<vmem_shared>> -> memref<1x640xf32, #tpu.memory_space<vmem_shared>>
      %dma_wait3A_268 = tpu.memref_squeeze %dma_wait3A_267 : memref<1x640xf32, #tpu.memory_space<vmem_shared>> -> memref<640xf32, #tpu.memory_space<vmem_shared>>
      tpu.wait_dma2 semaphore(%run_scoped3A_260 : memref<!tpu.dma_semaphore, #tpu.memory_space<semaphore_mem>>) src(%dma_wait3A_268 : memref<640xf32, #tpu.memory_space<vmem_shared>>) dst(%arg18 : memref<640xf32, #tpu.memory_space<vmem>>)
      tpu.yield
    }) : () -> ()
    %run_scoped3A_166 = arith.constant 1 : i32
    "tpu.region"() ({
      %run_scoped3A_260 = tpu.sem_alloc : memref<!tpu.dma_semaphore, #tpu.memory_space<semaphore_mem>>
      %dma_start3A_261 = tpu.memref_slice %arg19[%run_scoped3A_166, %multiple_of3A_164] : memref<16x10240xf32, #tpu.memory_space<vmem_shared>> -> memref<1x640xf32, #tpu.memory_space<vmem_shared>>
      %dma_start3A_262 = tpu.memref_squeeze %dma_start3A_261 : memref<1x640xf32, #tpu.memory_space<vmem_shared>> -> memref<640xf32, #tpu.memory_space<vmem_shared>>
      %dma_start3A_263 = tpu.memref_slice %arg19[%run_scoped3A_166, %multiple_of3A_164] : memref<16x10240xf32, #tpu.memory_space<vmem_shared>> -> memref<1x640xf32, #tpu.memory_space<vmem_shared>>
      %dma_start3A_264 = tpu.memref_squeeze %dma_start3A_263 : memref<1x640xf32, #tpu.memory_space<vmem_shared>> -> memref<640xf32, #tpu.memory_space<vmem_shared>>
      tpu.enqueue_dma source(%dma_start3A_264 : memref<640xf32, #tpu.memory_space<vmem_shared>>) target(%arg17 : memref<640xf32, #tpu.memory_space<vmem>>) target_semaphore(%run_scoped3A_260 : memref<!tpu.dma_semaphore, #tpu.memory_space<semaphore_mem>>)
      %dma_wait3A_265 = tpu.memref_slice %arg19[%run_scoped3A_166, %multiple_of3A_164] : memref<16x10240xf32, #tpu.memory_space<vmem_shared>> -> memref<1x640xf32, #tpu.memory_space<vmem_shared>>
      %dma_wait3A_266 = tpu.memref_squeeze %dma_wait3A_265 : memref<1x640xf32, #tpu.memory_space<vmem_shared>> -> memref<640xf32, #tpu.memory_space<vmem_shared>>
      %dma_wait3A_267 = tpu.memref_slice %arg19[%run_scoped3A_166, %multiple_of3A_164] : memref<16x10240xf32, #tpu.memory_space<vmem_shared>> -> memref<1x640xf32, #tpu.memory_space<vmem_shared>>
      %dma_wait3A_268 = tpu.memref_squeeze %dma_wait3A_267 : memref<1x640xf32, #tpu.memory_space<vmem_shared>> -> memref<640xf32, #tpu.memory_space<vmem_shared>>
      tpu.wait_dma2 semaphore(%run_scoped3A_260 : memref<!tpu.dma_semaphore, #tpu.memory_space<semaphore_mem>>) src(%dma_wait3A_268 : memref<640xf32, #tpu.memory_space<vmem_shared>>) dst(%arg17 : memref<640xf32, #tpu.memory_space<vmem>>)
      tpu.yield
    }) : () -> ()
    %scan3A_167 = arith.constant 0 : i32
    %scan3A_168 = arith.constant 40 : i32
    %scan3A_169 = arith.addi %scan3A_167, %scan3A_168 : i32
    %scan3A_170 = arith.constant 1 : i32
    scf.for %scan3A_260 = %scan3A_167 to %scan3A_169 step %scan3A_170  : i32 {
      %mul3A_261 = arith.constant 1 : i32
      %mul3A_262 = arith.muli %scan3A_260, %mul3A_261 : i32
      %add3A_263 = arith.constant 0 : i32
      %add3A_264 = arith.addi %add3A_263, %mul3A_262 : i32
      %mul3A_265 = arith.constant 16 : i32
      %mul3A_266 = arith.muli %add3A_264, %mul3A_265 : i32
      %get3A_267 = arith.index_cast %mul3A_266 : i32 to index
      %get3A_268 = tpu.vector_load %arg18[%get3A_267] {strides = array<i32>} : memref<640xf32, #tpu.memory_space<vmem>>, vector<16xf32>,
      %get3A_269 = arith.index_cast %mul3A_266 : i32 to index
      %get3A_270 = tpu.vector_load %arg17[%get3A_269] {strides = array<i32>} : memref<640xf32, #tpu.memory_space<vmem>>, vector<16xf32>,
      %add3A_271 = arith.addf %get3A_268, %get3A_270 : vector<16xf32>
      %swap3A = arith.index_cast %mul3A_266 : i32 to index
      %swap3A_272 = tpu.vector_load %arg18[%swap3A] {strides = array<i32>} : memref<640xf32, #tpu.memory_space<vmem>>, vector<16xf32>,
      tpu.vector_store %arg18[%swap3A], %add3A_271 {strides = array<i32>} : memref<640xf32, #tpu.memory_space<vmem>>, vector<16xf32>,
    }
    %scan3A_171 = arith.constant 40 : i32
    %run_scoped3A_172 = arith.constant 2 : i32
    "tpu.region"() ({
      %run_scoped3A_260 = tpu.sem_alloc : memref<!tpu.dma_semaphore, #tpu.memory_space<semaphore_mem>>
      %dma_start3A_261 = tpu.memref_slice %arg19[%run_scoped3A_172, %multiple_of3A_164] : memref<16x10240xf32, #tpu.memory_space<vmem_shared>> -> memref<1x640xf32, #tpu.memory_space<vmem_shared>>
      %dma_start3A_262 = tpu.memref_squeeze %dma_start3A_261 : memref<1x640xf32, #tpu.memory_space<vmem_shared>> -> memref<640xf32, #tpu.memory_space<vmem_shared>>
      %dma_start3A_263 = tpu.memref_slice %arg19[%run_scoped3A_172, %multiple_of3A_164] : memref<16x10240xf32, #tpu.memory_space<vmem_shared>> -> memref<1x640xf32, #tpu.memory_space<vmem_shared>>
      %dma_start3A_264 = tpu.memref_squeeze %dma_start3A_263 : memref<1x640xf32, #tpu.memory_space<vmem_shared>> -> memref<640xf32, #tpu.memory_space<vmem_shared>>
      tpu.enqueue_dma source(%dma_start3A_264 : memref<640xf32, #tpu.memory_space<vmem_shared>>) target(%arg17 : memref<640xf32, #tpu.memory_space<vmem>>) target_semaphore(%run_scoped3A_260 : memref<!tpu.dma_semaphore, #tpu.memory_space<semaphore_mem>>)
      %dma_wait3A_265 = tpu.memref_slice %arg19[%run_scoped3A_172, %multiple_of3A_164] : memref<16x10240xf32, #tpu.memory_space<vmem_shared>> -> memref<1x640xf32, #tpu.memory_space<vmem_shared>>
      %dma_wait3A_266 = tpu.memref_squeeze %dma_wait3A_265 : memref<1x640xf32, #tpu.memory_space<vmem_shared>> -> memref<640xf32, #tpu.memory_space<vmem_shared>>
      %dma_wait3A_267 = tpu.memref_slice %arg19[%run_scoped3A_172, %multiple_of3A_164] : memref<16x10240xf32, #tpu.memory_space<vmem_shared>> -> memref<1x640xf32, #tpu.memory_space<vmem_shared>>
      %dma_wait3A_268 = tpu.memref_squeeze %dma_wait3A_267 : memref<1x640xf32, #tpu.memory_space<vmem_shared>> -> memref<640xf32, #tpu.memory_space<vmem_shared>>
      tpu.wait_dma2 semaphore(%run_scoped3A_260 : memref<!tpu.dma_semaphore, #tpu.memory_space<semaphore_mem>>) src(%dma_wait3A_268 : memref<640xf32, #tpu.memory_space<vmem_shared>>) dst(%arg17 : memref<640xf32, #tpu.memory_space<vmem>>)
      tpu.yield
    }) : () -> ()
    %scan3A_173 = arith.constant 0 : i32
    %scan3A_174 = arith.constant 40 : i32
    %scan3A_175 = arith.addi %scan3A_173, %scan3A_174 : i32
    %scan3A_176 = arith.constant 1 : i32
    scf.for %scan3A_260 = %scan3A_173 to %scan3A_175 step %scan3A_176  : i32 {
      %mul3A_261 = arith.constant 1 : i32
      %mul3A_262 = arith.muli %scan3A_260, %mul3A_261 : i32
      %add3A_263 = arith.constant 0 : i32
      %add3A_264 = arith.addi %add3A_263, %mul3A_262 : i32
      %mul3A_265 = arith.constant 16 : i32
      %mul3A_266 = arith.muli %add3A_264, %mul3A_265 : i32
      %get3A_267 = arith.index_cast %mul3A_266 : i32 to index
      %get3A_268 = tpu.vector_load %arg18[%get3A_267] {strides = array<i32>} : memref<640xf32, #tpu.memory_space<vmem>>, vector<16xf32>,
      %get3A_269 = arith.index_cast %mul3A_266 : i32 to index
      %get3A_270 = tpu.vector_load %arg17[%get3A_269] {strides = array<i32>} : memref<640xf32, #tpu.memory_space<vmem>>, vector<16xf32>,
      %add3A_271 = arith.addf %get3A_268, %get3A_270 : vector<16xf32>
      %swap3A = arith.index_cast %mul3A_266 : i32 to index
      %swap3A_272 = tpu.vector_load %arg18[%swap3A] {strides = array<i32>} : memref<640xf32, #tpu.memory_space<vmem>>, vector<16xf32>,
      tpu.vector_store %arg18[%swap3A], %add3A_271 {strides = array<i32>} : memref<640xf32, #tpu.memory_space<vmem>>, vector<16xf32>,
    }
    %scan3A_177 = arith.constant 40 : i32
    %run_scoped3A_178 = arith.constant 3 : i32
    "tpu.region"() ({
      %run_scoped3A_260 = tpu.sem_alloc : memref<!tpu.dma_semaphore, #tpu.memory_space<semaphore_mem>>
      %dma_start3A_261 = tpu.memref_slice %arg19[%run_scoped3A_178, %multiple_of3A_164] : memref<16x10240xf32, #tpu.memory_space<vmem_shared>> -> memref<1x640xf32, #tpu.memory_space<vmem_shared>>
      %dma_start3A_262 = tpu.memref_squeeze %dma_start3A_261 : memref<1x640xf32, #tpu.memory_space<vmem_shared>> -> memref<640xf32, #tpu.memory_space<vmem_shared>>
      %dma_start3A_263 = tpu.memref_slice %arg19[%run_scoped3A_178, %multiple_of3A_164] : memref<16x10240xf32, #tpu.memory_space<vmem_shared>> -> memref<1x640xf32, #tpu.memory_space<vmem_shared>>
      %dma_start3A_264 = tpu.memref_squeeze %dma_start3A_263 : memref<1x640xf32, #tpu.memory_space<vmem_shared>> -> memref<640xf32, #tpu.memory_space<vmem_shared>>
      tpu.enqueue_dma source(%dma_start3A_264 : memref<640xf32, #tpu.memory_space<vmem_shared>>) target(%arg17 : memref<640xf32, #tpu.memory_space<vmem>>) target_semaphore(%run_scoped3A_260 : memref<!tpu.dma_semaphore, #tpu.memory_space<semaphore_mem>>)
      %dma_wait3A_265 = tpu.memref_slice %arg19[%run_scoped3A_178, %multiple_of3A_164] : memref<16x10240xf32, #tpu.memory_space<vmem_shared>> -> memref<1x640xf32, #tpu.memory_space<vmem_shared>>
      %dma_wait3A_266 = tpu.memref_squeeze %dma_wait3A_265 : memref<1x640xf32, #tpu.memory_space<vmem_shared>> -> memref<640xf32, #tpu.memory_space<vmem_shared>>
      %dma_wait3A_267 = tpu.memref_slice %arg19[%run_scoped3A_178, %multiple_of3A_164] : memref<16x10240xf32, #tpu.memory_space<vmem_shared>> -> memref<1x640xf32, #tpu.memory_space<vmem_shared>>
      %dma_wait3A_268 = tpu.memref_squeeze %dma_wait3A_267 : memref<1x640xf32, #tpu.memory_space<vmem_shared>> -> memref<640xf32, #tpu.memory_space<vmem_shared>>
      tpu.wait_dma2 semaphore(%run_scoped3A_260 : memref<!tpu.dma_semaphore, #tpu.memory_space<semaphore_mem>>) src(%dma_wait3A_268 : memref<640xf32, #tpu.memory_space<vmem_shared>>) dst(%arg17 : memref<640xf32, #tpu.memory_space<vmem>>)
      tpu.yield
    }) : () -> ()
    %scan3A_179 = arith.constant 0 : i32
    %scan3A_180 = arith.constant 40 : i32
    %scan3A_181 = arith.addi %scan3A_179, %scan3A_180 : i32
    %scan3A_182 = arith.constant 1 : i32
    scf.for %scan3A_260 = %scan3A_179 to %scan3A_181 step %scan3A_182  : i32 {
      %mul3A_261 = arith.constant 1 : i32
      %mul3A_262 = arith.muli %scan3A_260, %mul3A_261 : i32
      %add3A_263 = arith.constant 0 : i32
      %add3A_264 = arith.addi %add3A_263, %mul3A_262 : i32
      %mul3A_265 = arith.constant 16 : i32
      %mul3A_266 = arith.muli %add3A_264, %mul3A_265 : i32
      %get3A_267 = arith.index_cast %mul3A_266 : i32 to index
      %get3A_268 = tpu.vector_load %arg18[%get3A_267] {strides = array<i32>} : memref<640xf32, #tpu.memory_space<vmem>>, vector<16xf32>,
      %get3A_269 = arith.index_cast %mul3A_266 : i32 to index
      %get3A_270 = tpu.vector_load %arg17[%get3A_269] {strides = array<i32>} : memref<640xf32, #tpu.memory_space<vmem>>, vector<16xf32>,
      %add3A_271 = arith.addf %get3A_268, %get3A_270 : vector<16xf32>
      %swap3A = arith.index_cast %mul3A_266 : i32 to index
      %swap3A_272 = tpu.vector_load %arg18[%swap3A] {strides = array<i32>} : memref<640xf32, #tpu.memory_space<vmem>>, vector<16xf32>,
      tpu.vector_store %arg18[%swap3A], %add3A_271 {strides = array<i32>} : memref<640xf32, #tpu.memory_space<vmem>>, vector<16xf32>,
    }
    %scan3A_183 = arith.constant 40 : i32
    %run_scoped3A_184 = arith.constant 4 : i32
    "tpu.region"() ({
      %run_scoped3A_260 = tpu.sem_alloc : memref<!tpu.dma_semaphore, #tpu.memory_space<semaphore_mem>>
      %dma_start3A_261 = tpu.memref_slice %arg19[%run_scoped3A_184, %multiple_of3A_164] : memref<16x10240xf32, #tpu.memory_space<vmem_shared>> -> memref<1x640xf32, #tpu.memory_space<vmem_shared>>
      %dma_start3A_262 = tpu.memref_squeeze %dma_start3A_261 : memref<1x640xf32, #tpu.memory_space<vmem_shared>> -> memref<640xf32, #tpu.memory_space<vmem_shared>>
      %dma_start3A_263 = tpu.memref_slice %arg19[%run_scoped3A_184, %multiple_of3A_164] : memref<16x10240xf32, #tpu.memory_space<vmem_shared>> -> memref<1x640xf32, #tpu.memory_space<vmem_shared>>
      %dma_start3A_264 = tpu.memref_squeeze %dma_start3A_263 : memref<1x640xf32, #tpu.memory_space<vmem_shared>> -> memref<640xf32, #tpu.memory_space<vmem_shared>>
      tpu.enqueue_dma source(%dma_start3A_264 : memref<640xf32, #tpu.memory_space<vmem_shared>>) target(%arg17 : memref<640xf32, #tpu.memory_space<vmem>>) target_semaphore(%run_scoped3A_260 : memref<!tpu.dma_semaphore, #tpu.memory_space<semaphore_mem>>)
      %dma_wait3A_265 = tpu.memref_slice %arg19[%run_scoped3A_184, %multiple_of3A_164] : memref<16x10240xf32, #tpu.memory_space<vmem_shared>> -> memref<1x640xf32, #tpu.memory_space<vmem_shared>>
      %dma_wait3A_266 = tpu.memref_squeeze %dma_wait3A_265 : memref<1x640xf32, #tpu.memory_space<vmem_shared>> -> memref<640xf32, #tpu.memory_space<vmem_shared>>
      %dma_wait3A_267 = tpu.memref_slice %arg19[%run_scoped3A_184, %multiple_of3A_164] : memref<16x10240xf32, #tpu.memory_space<vmem_shared>> -> memref<1x640xf32, #tpu.memory_space<vmem_shared>>
      %dma_wait3A_268 = tpu.memref_squeeze %dma_wait3A_267 : memref<1x640xf32, #tpu.memory_space<vmem_shared>> -> memref<640xf32, #tpu.memory_space<vmem_shared>>
      tpu.wait_dma2 semaphore(%run_scoped3A_260 : memref<!tpu.dma_semaphore, #tpu.memory_space<semaphore_mem>>) src(%dma_wait3A_268 : memref<640xf32, #tpu.memory_space<vmem_shared>>) dst(%arg17 : memref<640xf32, #tpu.memory_space<vmem>>)
      tpu.yield
    }) : () -> ()
    %scan3A_185 = arith.constant 0 : i32
    %scan3A_186 = arith.constant 40 : i32
    %scan3A_187 = arith.addi %scan3A_185, %scan3A_186 : i32
    %scan3A_188 = arith.constant 1 : i32
    scf.for %scan3A_260 = %scan3A_185 to %scan3A_187 step %scan3A_188  : i32 {
      %mul3A_261 = arith.constant 1 : i32
      %mul3A_262 = arith.muli %scan3A_260, %mul3A_261 : i32
      %add3A_263 = arith.constant 0 : i32
      %add3A_264 = arith.addi %add3A_263, %mul3A_262 : i32
      %mul3A_265 = arith.constant 16 : i32
      %mul3A_266 = arith.muli %add3A_264, %mul3A_265 : i32
      %get3A_267 = arith.index_cast %mul3A_266 : i32 to index
      %get3A_268 = tpu.vector_load %arg18[%get3A_267] {strides = array<i32>} : memref<640xf32, #tpu.memory_space<vmem>>, vector<16xf32>,
      %get3A_269 = arith.index_cast %mul3A_266 : i32 to index
      %get3A_270 = tpu.vector_load %arg17[%get3A_269] {strides = array<i32>} : memref<640xf32, #tpu.memory_space<vmem>>, vector<16xf32>,
      %add3A_271 = arith.addf %get3A_268, %get3A_270 : vector<16xf32>
      %swap3A = arith.index_cast %mul3A_266 : i32 to index
      %swap3A_272 = tpu.vector_load %arg18[%swap3A] {strides = array<i32>} : memref<640xf32, #tpu.memory_space<vmem>>, vector<16xf32>,
      tpu.vector_store %arg18[%swap3A], %add3A_271 {strides = array<i32>} : memref<640xf32, #tpu.memory_space<vmem>>, vector<16xf32>,
    }
    %scan3A_189 = arith.constant 40 : i32
    %run_scoped3A_190 = arith.constant 5 : i32
    "tpu.region"() ({
      %run_scoped3A_260 = tpu.sem_alloc : memref<!tpu.dma_semaphore, #tpu.memory_space<semaphore_mem>>
      %dma_start3A_261 = tpu.memref_slice %arg19[%run_scoped3A_190, %multiple_of3A_164] : memref<16x10240xf32, #tpu.memory_space<vmem_shared>> -> memref<1x640xf32, #tpu.memory_space<vmem_shared>>
      %dma_start3A_262 = tpu.memref_squeeze %dma_start3A_261 : memref<1x640xf32, #tpu.memory_space<vmem_shared>> -> memref<640xf32, #tpu.memory_space<vmem_shared>>
      %dma_start3A_263 = tpu.memref_slice %arg19[%run_scoped3A_190, %multiple_of3A_164] : memref<16x10240xf32, #tpu.memory_space<vmem_shared>> -> memref<1x640xf32, #tpu.memory_space<vmem_shared>>
      %dma_start3A_264 = tpu.memref_squeeze %dma_start3A_263 : memref<1x640xf32, #tpu.memory_space<vmem_shared>> -> memref<640xf32, #tpu.memory_space<vmem_shared>>
      tpu.enqueue_dma source(%dma_start3A_264 : memref<640xf32, #tpu.memory_space<vmem_shared>>) target(%arg17 : memref<640xf32, #tpu.memory_space<vmem>>) target_semaphore(%run_scoped3A_260 : memref<!tpu.dma_semaphore, #tpu.memory_space<semaphore_mem>>)
      %dma_wait3A_265 = tpu.memref_slice %arg19[%run_scoped3A_190, %multiple_of3A_164] : memref<16x10240xf32, #tpu.memory_space<vmem_shared>> -> memref<1x640xf32, #tpu.memory_space<vmem_shared>>
      %dma_wait3A_266 = tpu.memref_squeeze %dma_wait3A_265 : memref<1x640xf32, #tpu.memory_space<vmem_shared>> -> memref<640xf32, #tpu.memory_space<vmem_shared>>
      %dma_wait3A_267 = tpu.memref_slice %arg19[%run_scoped3A_190, %multiple_of3A_164] : memref<16x10240xf32, #tpu.memory_space<vmem_shared>> -> memref<1x640xf32, #tpu.memory_space<vmem_shared>>
      %dma_wait3A_268 = tpu.memref_squeeze %dma_wait3A_267 : memref<1x640xf32, #tpu.memory_space<vmem_shared>> -> memref<640xf32, #tpu.memory_space<vmem_shared>>
      tpu.wait_dma2 semaphore(%run_scoped3A_260 : memref<!tpu.dma_semaphore, #tpu.memory_space<semaphore_mem>>) src(%dma_wait3A_268 : memref<640xf32, #tpu.memory_space<vmem_shared>>) dst(%arg17 : memref<640xf32, #tpu.memory_space<vmem>>)
      tpu.yield
    }) : () -> ()
    %scan3A_191 = arith.constant 0 : i32
    %scan3A_192 = arith.constant 40 : i32
    %scan3A_193 = arith.addi %scan3A_191, %scan3A_192 : i32
    %scan3A_194 = arith.constant 1 : i32
    scf.for %scan3A_260 = %scan3A_191 to %scan3A_193 step %scan3A_194  : i32 {
      %mul3A_261 = arith.constant 1 : i32
      %mul3A_262 = arith.muli %scan3A_260, %mul3A_261 : i32
      %add3A_263 = arith.constant 0 : i32
      %add3A_264 = arith.addi %add3A_263, %mul3A_262 : i32
      %mul3A_265 = arith.constant 16 : i32
      %mul3A_266 = arith.muli %add3A_264, %mul3A_265 : i32
      %get3A_267 = arith.index_cast %mul3A_266 : i32 to index
      %get3A_268 = tpu.vector_load %arg18[%get3A_267] {strides = array<i32>} : memref<640xf32, #tpu.memory_space<vmem>>, vector<16xf32>,
      %get3A_269 = arith.index_cast %mul3A_266 : i32 to index
      %get3A_270 = tpu.vector_load %arg17[%get3A_269] {strides = array<i32>} : memref<640xf32, #tpu.memory_space<vmem>>, vector<16xf32>,
      %add3A_271 = arith.addf %get3A_268, %get3A_270 : vector<16xf32>
      %swap3A = arith.index_cast %mul3A_266 : i32 to index
      %swap3A_272 = tpu.vector_load %arg18[%swap3A] {strides = array<i32>} : memref<640xf32, #tpu.memory_space<vmem>>, vector<16xf32>,
      tpu.vector_store %arg18[%swap3A], %add3A_271 {strides = array<i32>} : memref<640xf32, #tpu.memory_space<vmem>>, vector<16xf32>,
    }
    %scan3A_195 = arith.constant 40 : i32
    %run_scoped3A_196 = arith.constant 6 : i32
    "tpu.region"() ({
      %run_scoped3A_260 = tpu.sem_alloc : memref<!tpu.dma_semaphore, #tpu.memory_space<semaphore_mem>>
      %dma_start3A_261 = tpu.memref_slice %arg19[%run_scoped3A_196, %multiple_of3A_164] : memref<16x10240xf32, #tpu.memory_space<vmem_shared>> -> memref<1x640xf32, #tpu.memory_space<vmem_shared>>
      %dma_start3A_262 = tpu.memref_squeeze %dma_start3A_261 : memref<1x640xf32, #tpu.memory_space<vmem_shared>> -> memref<640xf32, #tpu.memory_space<vmem_shared>>
      %dma_start3A_263 = tpu.memref_slice %arg19[%run_scoped3A_196, %multiple_of3A_164] : memref<16x10240xf32, #tpu.memory_space<vmem_shared>> -> memref<1x640xf32, #tpu.memory_space<vmem_shared>>
      %dma_start3A_264 = tpu.memref_squeeze %dma_start3A_263 : memref<1x640xf32, #tpu.memory_space<vmem_shared>> -> memref<640xf32, #tpu.memory_space<vmem_shared>>
      tpu.enqueue_dma source(%dma_start3A_264 : memref<640xf32, #tpu.memory_space<vmem_shared>>) target(%arg17 : memref<640xf32, #tpu.memory_space<vmem>>) target_semaphore(%run_scoped3A_260 : memref<!tpu.dma_semaphore, #tpu.memory_space<semaphore_mem>>)
      %dma_wait3A_265 = tpu.memref_slice %arg19[%run_scoped3A_196, %multiple_of3A_164] : memref<16x10240xf32, #tpu.memory_space<vmem_shared>> -> memref<1x640xf32, #tpu.memory_space<vmem_shared>>
      %dma_wait3A_266 = tpu.memref_squeeze %dma_wait3A_265 : memref<1x640xf32, #tpu.memory_space<vmem_shared>> -> memref<640xf32, #tpu.memory_space<vmem_shared>>
      %dma_wait3A_267 = tpu.memref_slice %arg19[%run_scoped3A_196, %multiple_of3A_164] : memref<16x10240xf32, #tpu.memory_space<vmem_shared>> -> memref<1x640xf32, #tpu.memory_space<vmem_shared>>
      %dma_wait3A_268 = tpu.memref_squeeze %dma_wait3A_267 : memref<1x640xf32, #tpu.memory_space<vmem_shared>> -> memref<640xf32, #tpu.memory_space<vmem_shared>>
      tpu.wait_dma2 semaphore(%run_scoped3A_260 : memref<!tpu.dma_semaphore, #tpu.memory_space<semaphore_mem>>) src(%dma_wait3A_268 : memref<640xf32, #tpu.memory_space<vmem_shared>>) dst(%arg17 : memref<640xf32, #tpu.memory_space<vmem>>)
      tpu.yield
    }) : () -> ()
    %scan3A_197 = arith.constant 0 : i32
    %scan3A_198 = arith.constant 40 : i32
    %scan3A_199 = arith.addi %scan3A_197, %scan3A_198 : i32
    %scan3A_200 = arith.constant 1 : i32
    scf.for %scan3A_260 = %scan3A_197 to %scan3A_199 step %scan3A_200  : i32 {
      %mul3A_261 = arith.constant 1 : i32
      %mul3A_262 = arith.muli %scan3A_260, %mul3A_261 : i32
      %add3A_263 = arith.constant 0 : i32
      %add3A_264 = arith.addi %add3A_263, %mul3A_262 : i32
      %mul3A_265 = arith.constant 16 : i32
      %mul3A_266 = arith.muli %add3A_264, %mul3A_265 : i32
      %get3A_267 = arith.index_cast %mul3A_266 : i32 to index
      %get3A_268 = tpu.vector_load %arg18[%get3A_267] {strides = array<i32>} : memref<640xf32, #tpu.memory_space<vmem>>, vector<16xf32>,
      %get3A_269 = arith.index_cast %mul3A_266 : i32 to index
      %get3A_270 = tpu.vector_load %arg17[%get3A_269] {strides = array<i32>} : memref<640xf32, #tpu.memory_space<vmem>>, vector<16xf32>,
      %add3A_271 = arith.addf %get3A_268, %get3A_270 : vector<16xf32>
      %swap3A = arith.index_cast %mul3A_266 : i32 to index
      %swap3A_272 = tpu.vector_load %arg18[%swap3A] {strides = array<i32>} : memref<640xf32, #tpu.memory_space<vmem>>, vector<16xf32>,
      tpu.vector_store %arg18[%swap3A], %add3A_271 {strides = array<i32>} : memref<640xf32, #tpu.memory_space<vmem>>, vector<16xf32>,
    }
    %scan3A_201 = arith.constant 40 : i32
    %run_scoped3A_202 = arith.constant 7 : i32
    "tpu.region"() ({
      %run_scoped3A_260 = tpu.sem_alloc : memref<!tpu.dma_semaphore, #tpu.memory_space<semaphore_mem>>
      %dma_start3A_261 = tpu.memref_slice %arg19[%run_scoped3A_202, %multiple_of3A_164] : memref<16x10240xf32, #tpu.memory_space<vmem_shared>> -> memref<1x640xf32, #tpu.memory_space<vmem_shared>>
      %dma_start3A_262 = tpu.memref_squeeze %dma_start3A_261 : memref<1x640xf32, #tpu.memory_space<vmem_shared>> -> memref<640xf32, #tpu.memory_space<vmem_shared>>
      %dma_start3A_263 = tpu.memref_slice %arg19[%run_scoped3A_202, %multiple_of3A_164] : memref<16x10240xf32, #tpu.memory_space<vmem_shared>> -> memref<1x640xf32, #tpu.memory_space<vmem_shared>>
      %dma_start3A_264 = tpu.memref_squeeze %dma_start3A_263 : memref<1x640xf32, #tpu.memory_space<vmem_shared>> -> memref<640xf32, #tpu.memory_space<vmem_shared>>
      tpu.enqueue_dma source(%dma_start3A_264 : memref<640xf32, #tpu.memory_space<vmem_shared>>) target(%arg17 : memref<640xf32, #tpu.memory_space<vmem>>) target_semaphore(%run_scoped3A_260 : memref<!tpu.dma_semaphore, #tpu.memory_space<semaphore_mem>>)
      %dma_wait3A_265 = tpu.memref_slice %arg19[%run_scoped3A_202, %multiple_of3A_164] : memref<16x10240xf32, #tpu.memory_space<vmem_shared>> -> memref<1x640xf32, #tpu.memory_space<vmem_shared>>
      %dma_wait3A_266 = tpu.memref_squeeze %dma_wait3A_265 : memref<1x640xf32, #tpu.memory_space<vmem_shared>> -> memref<640xf32, #tpu.memory_space<vmem_shared>>
      %dma_wait3A_267 = tpu.memref_slice %arg19[%run_scoped3A_202, %multiple_of3A_164] : memref<16x10240xf32, #tpu.memory_space<vmem_shared>> -> memref<1x640xf32, #tpu.memory_space<vmem_shared>>
      %dma_wait3A_268 = tpu.memref_squeeze %dma_wait3A_267 : memref<1x640xf32, #tpu.memory_space<vmem_shared>> -> memref<640xf32, #tpu.memory_space<vmem_shared>>
      tpu.wait_dma2 semaphore(%run_scoped3A_260 : memref<!tpu.dma_semaphore, #tpu.memory_space<semaphore_mem>>) src(%dma_wait3A_268 : memref<640xf32, #tpu.memory_space<vmem_shared>>) dst(%arg17 : memref<640xf32, #tpu.memory_space<vmem>>)
      tpu.yield
    }) : () -> ()
    %scan3A_203 = arith.constant 0 : i32
    %scan3A_204 = arith.constant 40 : i32
    %scan3A_205 = arith.addi %scan3A_203, %scan3A_204 : i32
    %scan3A_206 = arith.constant 1 : i32
    scf.for %scan3A_260 = %scan3A_203 to %scan3A_205 step %scan3A_206  : i32 {
      %mul3A_261 = arith.constant 1 : i32
      %mul3A_262 = arith.muli %scan3A_260, %mul3A_261 : i32
      %add3A_263 = arith.constant 0 : i32
      %add3A_264 = arith.addi %add3A_263, %mul3A_262 : i32
      %mul3A_265 = arith.constant 16 : i32
      %mul3A_266 = arith.muli %add3A_264, %mul3A_265 : i32
      %get3A_267 = arith.index_cast %mul3A_266 : i32 to index
      %get3A_268 = tpu.vector_load %arg18[%get3A_267] {strides = array<i32>} : memref<640xf32, #tpu.memory_space<vmem>>, vector<16xf32>,
      %get3A_269 = arith.index_cast %mul3A_266 : i32 to index
      %get3A_270 = tpu.vector_load %arg17[%get3A_269] {strides = array<i32>} : memref<640xf32, #tpu.memory_space<vmem>>, vector<16xf32>,
      %add3A_271 = arith.addf %get3A_268, %get3A_270 : vector<16xf32>
      %swap3A = arith.index_cast %mul3A_266 : i32 to index
      %swap3A_272 = tpu.vector_load %arg18[%swap3A] {strides = array<i32>} : memref<640xf32, #tpu.memory_space<vmem>>, vector<16xf32>,
      tpu.vector_store %arg18[%swap3A], %add3A_271 {strides = array<i32>} : memref<640xf32, #tpu.memory_space<vmem>>, vector<16xf32>,
    }
    %scan3A_207 = arith.constant 40 : i32
    %run_scoped3A_208 = arith.constant 8 : i32
    "tpu.region"() ({
      %run_scoped3A_260 = tpu.sem_alloc : memref<!tpu.dma_semaphore, #tpu.memory_space<semaphore_mem>>
      %dma_start3A_261 = tpu.memref_slice %arg19[%run_scoped3A_208, %multiple_of3A_164] : memref<16x10240xf32, #tpu.memory_space<vmem_shared>> -> memref<1x640xf32, #tpu.memory_space<vmem_shared>>
      %dma_start3A_262 = tpu.memref_squeeze %dma_start3A_261 : memref<1x640xf32, #tpu.memory_space<vmem_shared>> -> memref<640xf32, #tpu.memory_space<vmem_shared>>
      %dma_start3A_263 = tpu.memref_slice %arg19[%run_scoped3A_208, %multiple_of3A_164] : memref<16x10240xf32, #tpu.memory_space<vmem_shared>> -> memref<1x640xf32, #tpu.memory_space<vmem_shared>>
      %dma_start3A_264 = tpu.memref_squeeze %dma_start3A_263 : memref<1x640xf32, #tpu.memory_space<vmem_shared>> -> memref<640xf32, #tpu.memory_space<vmem_shared>>
      tpu.enqueue_dma source(%dma_start3A_264 : memref<640xf32, #tpu.memory_space<vmem_shared>>) target(%arg17 : memref<640xf32, #tpu.memory_space<vmem>>) target_semaphore(%run_scoped3A_260 : memref<!tpu.dma_semaphore, #tpu.memory_space<semaphore_mem>>)
      %dma_wait3A_265 = tpu.memref_slice %arg19[%run_scoped3A_208, %multiple_of3A_164] : memref<16x10240xf32, #tpu.memory_space<vmem_shared>> -> memref<1x640xf32, #tpu.memory_space<vmem_shared>>
      %dma_wait3A_266 = tpu.memref_squeeze %dma_wait3A_265 : memref<1x640xf32, #tpu.memory_space<vmem_shared>> -> memref<640xf32, #tpu.memory_space<vmem_shared>>
      %dma_wait3A_267 = tpu.memref_slice %arg19[%run_scoped3A_208, %multiple_of3A_164] : memref<16x10240xf32, #tpu.memory_space<vmem_shared>> -> memref<1x640xf32, #tpu.memory_space<vmem_shared>>
      %dma_wait3A_268 = tpu.memref_squeeze %dma_wait3A_267 : memref<1x640xf32, #tpu.memory_space<vmem_shared>> -> memref<640xf32, #tpu.memory_space<vmem_shared>>
      tpu.wait_dma2 semaphore(%run_scoped3A_260 : memref<!tpu.dma_semaphore, #tpu.memory_space<semaphore_mem>>) src(%dma_wait3A_268 : memref<640xf32, #tpu.memory_space<vmem_shared>>) dst(%arg17 : memref<640xf32, #tpu.memory_space<vmem>>)
      tpu.yield
    }) : () -> ()
    %scan3A_209 = arith.constant 0 : i32
    %scan3A_210 = arith.constant 40 : i32
    %scan3A_211 = arith.addi %scan3A_209, %scan3A_210 : i32
    %scan3A_212 = arith.constant 1 : i32
    scf.for %scan3A_260 = %scan3A_209 to %scan3A_211 step %scan3A_212  : i32 {
      %mul3A_261 = arith.constant 1 : i32
      %mul3A_262 = arith.muli %scan3A_260, %mul3A_261 : i32
      %add3A_263 = arith.constant 0 : i32
      %add3A_264 = arith.addi %add3A_263, %mul3A_262 : i32
      %mul3A_265 = arith.constant 16 : i32
      %mul3A_266 = arith.muli %add3A_264, %mul3A_265 : i32
      %get3A_267 = arith.index_cast %mul3A_266 : i32 to index
      %get3A_268 = tpu.vector_load %arg18[%get3A_267] {strides = array<i32>} : memref<640xf32, #tpu.memory_space<vmem>>, vector<16xf32>,
      %get3A_269 = arith.index_cast %mul3A_266 : i32 to index
      %get3A_270 = tpu.vector_load %arg17[%get3A_269] {strides = array<i32>} : memref<640xf32, #tpu.memory_space<vmem>>, vector<16xf32>,
      %add3A_271 = arith.addf %get3A_268, %get3A_270 : vector<16xf32>
      %swap3A = arith.index_cast %mul3A_266 : i32 to index
      %swap3A_272 = tpu.vector_load %arg18[%swap3A] {strides = array<i32>} : memref<640xf32, #tpu.memory_space<vmem>>, vector<16xf32>,
      tpu.vector_store %arg18[%swap3A], %add3A_271 {strides = array<i32>} : memref<640xf32, #tpu.memory_space<vmem>>, vector<16xf32>,
    }
    %scan3A_213 = arith.constant 40 : i32
    %run_scoped3A_214 = arith.constant 9 : i32
    "tpu.region"() ({
      %run_scoped3A_260 = tpu.sem_alloc : memref<!tpu.dma_semaphore, #tpu.memory_space<semaphore_mem>>
      %dma_start3A_261 = tpu.memref_slice %arg19[%run_scoped3A_214, %multiple_of3A_164] : memref<16x10240xf32, #tpu.memory_space<vmem_shared>> -> memref<1x640xf32, #tpu.memory_space<vmem_shared>>
      %dma_start3A_262 = tpu.memref_squeeze %dma_start3A_261 : memref<1x640xf32, #tpu.memory_space<vmem_shared>> -> memref<640xf32, #tpu.memory_space<vmem_shared>>
      %dma_start3A_263 = tpu.memref_slice %arg19[%run_scoped3A_214, %multiple_of3A_164] : memref<16x10240xf32, #tpu.memory_space<vmem_shared>> -> memref<1x640xf32, #tpu.memory_space<vmem_shared>>
      %dma_start3A_264 = tpu.memref_squeeze %dma_start3A_263 : memref<1x640xf32, #tpu.memory_space<vmem_shared>> -> memref<640xf32, #tpu.memory_space<vmem_shared>>
      tpu.enqueue_dma source(%dma_start3A_264 : memref<640xf32, #tpu.memory_space<vmem_shared>>) target(%arg17 : memref<640xf32, #tpu.memory_space<vmem>>) target_semaphore(%run_scoped3A_260 : memref<!tpu.dma_semaphore, #tpu.memory_space<semaphore_mem>>)
      %dma_wait3A_265 = tpu.memref_slice %arg19[%run_scoped3A_214, %multiple_of3A_164] : memref<16x10240xf32, #tpu.memory_space<vmem_shared>> -> memref<1x640xf32, #tpu.memory_space<vmem_shared>>
      %dma_wait3A_266 = tpu.memref_squeeze %dma_wait3A_265 : memref<1x640xf32, #tpu.memory_space<vmem_shared>> -> memref<640xf32, #tpu.memory_space<vmem_shared>>
      %dma_wait3A_267 = tpu.memref_slice %arg19[%run_scoped3A_214, %multiple_of3A_164] : memref<16x10240xf32, #tpu.memory_space<vmem_shared>> -> memref<1x640xf32, #tpu.memory_space<vmem_shared>>
      %dma_wait3A_268 = tpu.memref_squeeze %dma_wait3A_267 : memref<1x640xf32, #tpu.memory_space<vmem_shared>> -> memref<640xf32, #tpu.memory_space<vmem_shared>>
      tpu.wait_dma2 semaphore(%run_scoped3A_260 : memref<!tpu.dma_semaphore, #tpu.memory_space<semaphore_mem>>) src(%dma_wait3A_268 : memref<640xf32, #tpu.memory_space<vmem_shared>>) dst(%arg17 : memref<640xf32, #tpu.memory_space<vmem>>)
      tpu.yield
    }) : () -> ()
    %scan3A_215 = arith.constant 0 : i32
    %scan3A_216 = arith.constant 40 : i32
    %scan3A_217 = arith.addi %scan3A_215, %scan3A_216 : i32
    %scan3A_218 = arith.constant 1 : i32
    scf.for %scan3A_260 = %scan3A_215 to %scan3A_217 step %scan3A_218  : i32 {
      %mul3A_261 = arith.constant 1 : i32
      %mul3A_262 = arith.muli %scan3A_260, %mul3A_261 : i32
      %add3A_263 = arith.constant 0 : i32
      %add3A_264 = arith.addi %add3A_263, %mul3A_262 : i32
      %mul3A_265 = arith.constant 16 : i32
      %mul3A_266 = arith.muli %add3A_264, %mul3A_265 : i32
      %get3A_267 = arith.index_cast %mul3A_266 : i32 to index
      %get3A_268 = tpu.vector_load %arg18[%get3A_267] {strides = array<i32>} : memref<640xf32, #tpu.memory_space<vmem>>, vector<16xf32>,
      %get3A_269 = arith.index_cast %mul3A_266 : i32 to index
      %get3A_270 = tpu.vector_load %arg17[%get3A_269] {strides = array<i32>} : memref<640xf32, #tpu.memory_space<vmem>>, vector<16xf32>,
      %add3A_271 = arith.addf %get3A_268, %get3A_270 : vector<16xf32>
      %swap3A = arith.index_cast %mul3A_266 : i32 to index
      %swap3A_272 = tpu.vector_load %arg18[%swap3A] {strides = array<i32>} : memref<640xf32, #tpu.memory_space<vmem>>, vector<16xf32>,
      tpu.vector_store %arg18[%swap3A], %add3A_271 {strides = array<i32>} : memref<640xf32, #tpu.memory_space<vmem>>, vector<16xf32>,
    }
    %scan3A_219 = arith.constant 40 : i32
    %run_scoped3A_220 = arith.constant 10 : i32
    "tpu.region"() ({
      %run_scoped3A_260 = tpu.sem_alloc : memref<!tpu.dma_semaphore, #tpu.memory_space<semaphore_mem>>
      %dma_start3A_261 = tpu.memref_slice %arg19[%run_scoped3A_220, %multiple_of3A_164] : memref<16x10240xf32, #tpu.memory_space<vmem_shared>> -> memref<1x640xf32, #tpu.memory_space<vmem_shared>>
      %dma_start3A_262 = tpu.memref_squeeze %dma_start3A_261 : memref<1x640xf32, #tpu.memory_space<vmem_shared>> -> memref<640xf32, #tpu.memory_space<vmem_shared>>
      %dma_start3A_263 = tpu.memref_slice %arg19[%run_scoped3A_220, %multiple_of3A_164] : memref<16x10240xf32, #tpu.memory_space<vmem_shared>> -> memref<1x640xf32, #tpu.memory_space<vmem_shared>>
      %dma_start3A_264 = tpu.memref_squeeze %dma_start3A_263 : memref<1x640xf32, #tpu.memory_space<vmem_shared>> -> memref<640xf32, #tpu.memory_space<vmem_shared>>
      tpu.enqueue_dma source(%dma_start3A_264 : memref<640xf32, #tpu.memory_space<vmem_shared>>) target(%arg17 : memref<640xf32, #tpu.memory_space<vmem>>) target_semaphore(%run_scoped3A_260 : memref<!tpu.dma_semaphore, #tpu.memory_space<semaphore_mem>>)
      %dma_wait3A_265 = tpu.memref_slice %arg19[%run_scoped3A_220, %multiple_of3A_164] : memref<16x10240xf32, #tpu.memory_space<vmem_shared>> -> memref<1x640xf32, #tpu.memory_space<vmem_shared>>
      %dma_wait3A_266 = tpu.memref_squeeze %dma_wait3A_265 : memref<1x640xf32, #tpu.memory_space<vmem_shared>> -> memref<640xf32, #tpu.memory_space<vmem_shared>>
      %dma_wait3A_267 = tpu.memref_slice %arg19[%run_scoped3A_220, %multiple_of3A_164] : memref<16x10240xf32, #tpu.memory_space<vmem_shared>> -> memref<1x640xf32, #tpu.memory_space<vmem_shared>>
      %dma_wait3A_268 = tpu.memref_squeeze %dma_wait3A_267 : memref<1x640xf32, #tpu.memory_space<vmem_shared>> -> memref<640xf32, #tpu.memory_space<vmem_shared>>
      tpu.wait_dma2 semaphore(%run_scoped3A_260 : memref<!tpu.dma_semaphore, #tpu.memory_space<semaphore_mem>>) src(%dma_wait3A_268 : memref<640xf32, #tpu.memory_space<vmem_shared>>) dst(%arg17 : memref<640xf32, #tpu.memory_space<vmem>>)
      tpu.yield
    }) : () -> ()
    %scan3A_221 = arith.constant 0 : i32
    %scan3A_222 = arith.constant 40 : i32
    %scan3A_223 = arith.addi %scan3A_221, %scan3A_222 : i32
    %scan3A_224 = arith.constant 1 : i32
    scf.for %scan3A_260 = %scan3A_221 to %scan3A_223 step %scan3A_224  : i32 {
      %mul3A_261 = arith.constant 1 : i32
      %mul3A_262 = arith.muli %scan3A_260, %mul3A_261 : i32
      %add3A_263 = arith.constant 0 : i32
      %add3A_264 = arith.addi %add3A_263, %mul3A_262 : i32
      %mul3A_265 = arith.constant 16 : i32
      %mul3A_266 = arith.muli %add3A_264, %mul3A_265 : i32
      %get3A_267 = arith.index_cast %mul3A_266 : i32 to index
      %get3A_268 = tpu.vector_load %arg18[%get3A_267] {strides = array<i32>} : memref<640xf32, #tpu.memory_space<vmem>>, vector<16xf32>,
      %get3A_269 = arith.index_cast %mul3A_266 : i32 to index
      %get3A_270 = tpu.vector_load %arg17[%get3A_269] {strides = array<i32>} : memref<640xf32, #tpu.memory_space<vmem>>, vector<16xf32>,
      %add3A_271 = arith.addf %get3A_268, %get3A_270 : vector<16xf32>
      %swap3A = arith.index_cast %mul3A_266 : i32 to index
      %swap3A_272 = tpu.vector_load %arg18[%swap3A] {strides = array<i32>} : memref<640xf32, #tpu.memory_space<vmem>>, vector<16xf32>,
      tpu.vector_store %arg18[%swap3A], %add3A_271 {strides = array<i32>} : memref<640xf32, #tpu.memory_space<vmem>>, vector<16xf32>,
    }
    %scan3A_225 = arith.constant 40 : i32
    %run_scoped3A_226 = arith.constant 11 : i32
    "tpu.region"() ({
      %run_scoped3A_260 = tpu.sem_alloc : memref<!tpu.dma_semaphore, #tpu.memory_space<semaphore_mem>>
      %dma_start3A_261 = tpu.memref_slice %arg19[%run_scoped3A_226, %multiple_of3A_164] : memref<16x10240xf32, #tpu.memory_space<vmem_shared>> -> memref<1x640xf32, #tpu.memory_space<vmem_shared>>
      %dma_start3A_262 = tpu.memref_squeeze %dma_start3A_261 : memref<1x640xf32, #tpu.memory_space<vmem_shared>> -> memref<640xf32, #tpu.memory_space<vmem_shared>>
      %dma_start3A_263 = tpu.memref_slice %arg19[%run_scoped3A_226, %multiple_of3A_164] : memref<16x10240xf32, #tpu.memory_space<vmem_shared>> -> memref<1x640xf32, #tpu.memory_space<vmem_shared>>
      %dma_start3A_264 = tpu.memref_squeeze %dma_start3A_263 : memref<1x640xf32, #tpu.memory_space<vmem_shared>> -> memref<640xf32, #tpu.memory_space<vmem_shared>>
      tpu.enqueue_dma source(%dma_start3A_264 : memref<640xf32, #tpu.memory_space<vmem_shared>>) target(%arg17 : memref<640xf32, #tpu.memory_space<vmem>>) target_semaphore(%run_scoped3A_260 : memref<!tpu.dma_semaphore, #tpu.memory_space<semaphore_mem>>)
      %dma_wait3A_265 = tpu.memref_slice %arg19[%run_scoped3A_226, %multiple_of3A_164] : memref<16x10240xf32, #tpu.memory_space<vmem_shared>> -> memref<1x640xf32, #tpu.memory_space<vmem_shared>>
      %dma_wait3A_266 = tpu.memref_squeeze %dma_wait3A_265 : memref<1x640xf32, #tpu.memory_space<vmem_shared>> -> memref<640xf32, #tpu.memory_space<vmem_shared>>
      %dma_wait3A_267 = tpu.memref_slice %arg19[%run_scoped3A_226, %multiple_of3A_164] : memref<16x10240xf32, #tpu.memory_space<vmem_shared>> -> memref<1x640xf32, #tpu.memory_space<vmem_shared>>
      %dma_wait3A_268 = tpu.memref_squeeze %dma_wait3A_267 : memref<1x640xf32, #tpu.memory_space<vmem_shared>> -> memref<640xf32, #tpu.memory_space<vmem_shared>>
      tpu.wait_dma2 semaphore(%run_scoped3A_260 : memref<!tpu.dma_semaphore, #tpu.memory_space<semaphore_mem>>) src(%dma_wait3A_268 : memref<640xf32, #tpu.memory_space<vmem_shared>>) dst(%arg17 : memref<640xf32, #tpu.memory_space<vmem>>)
      tpu.yield
    }) : () -> ()
    %scan3A_227 = arith.constant 0 : i32
    %scan3A_228 = arith.constant 40 : i32
    %scan3A_229 = arith.addi %scan3A_227, %scan3A_228 : i32
    %scan3A_230 = arith.constant 1 : i32
    scf.for %scan3A_260 = %scan3A_227 to %scan3A_229 step %scan3A_230  : i32 {
      %mul3A_261 = arith.constant 1 : i32
      %mul3A_262 = arith.muli %scan3A_260, %mul3A_261 : i32
      %add3A_263 = arith.constant 0 : i32
      %add3A_264 = arith.addi %add3A_263, %mul3A_262 : i32
      %mul3A_265 = arith.constant 16 : i32
      %mul3A_266 = arith.muli %add3A_264, %mul3A_265 : i32
      %get3A_267 = arith.index_cast %mul3A_266 : i32 to index
      %get3A_268 = tpu.vector_load %arg18[%get3A_267] {strides = array<i32>} : memref<640xf32, #tpu.memory_space<vmem>>, vector<16xf32>,
      %get3A_269 = arith.index_cast %mul3A_266 : i32 to index
      %get3A_270 = tpu.vector_load %arg17[%get3A_269] {strides = array<i32>} : memref<640xf32, #tpu.memory_space<vmem>>, vector<16xf32>,
      %add3A_271 = arith.addf %get3A_268, %get3A_270 : vector<16xf32>
      %swap3A = arith.index_cast %mul3A_266 : i32 to index
      %swap3A_272 = tpu.vector_load %arg18[%swap3A] {strides = array<i32>} : memref<640xf32, #tpu.memory_space<vmem>>, vector<16xf32>,
      tpu.vector_store %arg18[%swap3A], %add3A_271 {strides = array<i32>} : memref<640xf32, #tpu.memory_space<vmem>>, vector<16xf32>,
    }
    %scan3A_231 = arith.constant 40 : i32
    %run_scoped3A_232 = arith.constant 12 : i32
    "tpu.region"() ({
      %run_scoped3A_260 = tpu.sem_alloc : memref<!tpu.dma_semaphore, #tpu.memory_space<semaphore_mem>>
      %dma_start3A_261 = tpu.memref_slice %arg19[%run_scoped3A_232, %multiple_of3A_164] : memref<16x10240xf32, #tpu.memory_space<vmem_shared>> -> memref<1x640xf32, #tpu.memory_space<vmem_shared>>
      %dma_start3A_262 = tpu.memref_squeeze %dma_start3A_261 : memref<1x640xf32, #tpu.memory_space<vmem_shared>> -> memref<640xf32, #tpu.memory_space<vmem_shared>>
      %dma_start3A_263 = tpu.memref_slice %arg19[%run_scoped3A_232, %multiple_of3A_164] : memref<16x10240xf32, #tpu.memory_space<vmem_shared>> -> memref<1x640xf32, #tpu.memory_space<vmem_shared>>
      %dma_start3A_264 = tpu.memref_squeeze %dma_start3A_263 : memref<1x640xf32, #tpu.memory_space<vmem_shared>> -> memref<640xf32, #tpu.memory_space<vmem_shared>>
      tpu.enqueue_dma source(%dma_start3A_264 : memref<640xf32, #tpu.memory_space<vmem_shared>>) target(%arg17 : memref<640xf32, #tpu.memory_space<vmem>>) target_semaphore(%run_scoped3A_260 : memref<!tpu.dma_semaphore, #tpu.memory_space<semaphore_mem>>)
      %dma_wait3A_265 = tpu.memref_slice %arg19[%run_scoped3A_232, %multiple_of3A_164] : memref<16x10240xf32, #tpu.memory_space<vmem_shared>> -> memref<1x640xf32, #tpu.memory_space<vmem_shared>>
      %dma_wait3A_266 = tpu.memref_squeeze %dma_wait3A_265 : memref<1x640xf32, #tpu.memory_space<vmem_shared>> -> memref<640xf32, #tpu.memory_space<vmem_shared>>
      %dma_wait3A_267 = tpu.memref_slice %arg19[%run_scoped3A_232, %multiple_of3A_164] : memref<16x10240xf32, #tpu.memory_space<vmem_shared>> -> memref<1x640xf32, #tpu.memory_space<vmem_shared>>
      %dma_wait3A_268 = tpu.memref_squeeze %dma_wait3A_267 : memref<1x640xf32, #tpu.memory_space<vmem_shared>> -> memref<640xf32, #tpu.memory_space<vmem_shared>>
      tpu.wait_dma2 semaphore(%run_scoped3A_260 : memref<!tpu.dma_semaphore, #tpu.memory_space<semaphore_mem>>) src(%dma_wait3A_268 : memref<640xf32, #tpu.memory_space<vmem_shared>>) dst(%arg17 : memref<640xf32, #tpu.memory_space<vmem>>)
      tpu.yield
    }) : () -> ()
    %scan3A_233 = arith.constant 0 : i32
    %scan3A_234 = arith.constant 40 : i32
    %scan3A_235 = arith.addi %scan3A_233, %scan3A_234 : i32
    %scan3A_236 = arith.constant 1 : i32
    scf.for %scan3A_260 = %scan3A_233 to %scan3A_235 step %scan3A_236  : i32 {
      %mul3A_261 = arith.constant 1 : i32
      %mul3A_262 = arith.muli %scan3A_260, %mul3A_261 : i32
      %add3A_263 = arith.constant 0 : i32
      %add3A_264 = arith.addi %add3A_263, %mul3A_262 : i32
      %mul3A_265 = arith.constant 16 : i32
      %mul3A_266 = arith.muli %add3A_264, %mul3A_265 : i32
      %get3A_267 = arith.index_cast %mul3A_266 : i32 to index
      %get3A_268 = tpu.vector_load %arg18[%get3A_267] {strides = array<i32>} : memref<640xf32, #tpu.memory_space<vmem>>, vector<16xf32>,
      %get3A_269 = arith.index_cast %mul3A_266 : i32 to index
      %get3A_270 = tpu.vector_load %arg17[%get3A_269] {strides = array<i32>} : memref<640xf32, #tpu.memory_space<vmem>>, vector<16xf32>,
      %add3A_271 = arith.addf %get3A_268, %get3A_270 : vector<16xf32>
      %swap3A = arith.index_cast %mul3A_266 : i32 to index
      %swap3A_272 = tpu.vector_load %arg18[%swap3A] {strides = array<i32>} : memref<640xf32, #tpu.memory_space<vmem>>, vector<16xf32>,
      tpu.vector_store %arg18[%swap3A], %add3A_271 {strides = array<i32>} : memref<640xf32, #tpu.memory_space<vmem>>, vector<16xf32>,
    }
    %scan3A_237 = arith.constant 40 : i32
    %run_scoped3A_238 = arith.constant 13 : i32
    "tpu.region"() ({
      %run_scoped3A_260 = tpu.sem_alloc : memref<!tpu.dma_semaphore, #tpu.memory_space<semaphore_mem>>
      %dma_start3A_261 = tpu.memref_slice %arg19[%run_scoped3A_238, %multiple_of3A_164] : memref<16x10240xf32, #tpu.memory_space<vmem_shared>> -> memref<1x640xf32, #tpu.memory_space<vmem_shared>>
      %dma_start3A_262 = tpu.memref_squeeze %dma_start3A_261 : memref<1x640xf32, #tpu.memory_space<vmem_shared>> -> memref<640xf32, #tpu.memory_space<vmem_shared>>
      %dma_start3A_263 = tpu.memref_slice %arg19[%run_scoped3A_238, %multiple_of3A_164] : memref<16x10240xf32, #tpu.memory_space<vmem_shared>> -> memref<1x640xf32, #tpu.memory_space<vmem_shared>>
      %dma_start3A_264 = tpu.memref_squeeze %dma_start3A_263 : memref<1x640xf32, #tpu.memory_space<vmem_shared>> -> memref<640xf32, #tpu.memory_space<vmem_shared>>
      tpu.enqueue_dma source(%dma_start3A_264 : memref<640xf32, #tpu.memory_space<vmem_shared>>) target(%arg17 : memref<640xf32, #tpu.memory_space<vmem>>) target_semaphore(%run_scoped3A_260 : memref<!tpu.dma_semaphore, #tpu.memory_space<semaphore_mem>>)
      %dma_wait3A_265 = tpu.memref_slice %arg19[%run_scoped3A_238, %multiple_of3A_164] : memref<16x10240xf32, #tpu.memory_space<vmem_shared>> -> memref<1x640xf32, #tpu.memory_space<vmem_shared>>
      %dma_wait3A_266 = tpu.memref_squeeze %dma_wait3A_265 : memref<1x640xf32, #tpu.memory_space<vmem_shared>> -> memref<640xf32, #tpu.memory_space<vmem_shared>>
      %dma_wait3A_267 = tpu.memref_slice %arg19[%run_scoped3A_238, %multiple_of3A_164] : memref<16x10240xf32, #tpu.memory_space<vmem_shared>> -> memref<1x640xf32, #tpu.memory_space<vmem_shared>>
      %dma_wait3A_268 = tpu.memref_squeeze %dma_wait3A_267 : memref<1x640xf32, #tpu.memory_space<vmem_shared>> -> memref<640xf32, #tpu.memory_space<vmem_shared>>
      tpu.wait_dma2 semaphore(%run_scoped3A_260 : memref<!tpu.dma_semaphore, #tpu.memory_space<semaphore_mem>>) src(%dma_wait3A_268 : memref<640xf32, #tpu.memory_space<vmem_shared>>) dst(%arg17 : memref<640xf32, #tpu.memory_space<vmem>>)
      tpu.yield
    }) : () -> ()
    %scan3A_239 = arith.constant 0 : i32
    %scan3A_240 = arith.constant 40 : i32
    %scan3A_241 = arith.addi %scan3A_239, %scan3A_240 : i32
    %scan3A_242 = arith.constant 1 : i32
    scf.for %scan3A_260 = %scan3A_239 to %scan3A_241 step %scan3A_242  : i32 {
      %mul3A_261 = arith.constant 1 : i32
      %mul3A_262 = arith.muli %scan3A_260, %mul3A_261 : i32
      %add3A_263 = arith.constant 0 : i32
      %add3A_264 = arith.addi %add3A_263, %mul3A_262 : i32
      %mul3A_265 = arith.constant 16 : i32
      %mul3A_266 = arith.muli %add3A_264, %mul3A_265 : i32
      %get3A_267 = arith.index_cast %mul3A_266 : i32 to index
      %get3A_268 = tpu.vector_load %arg18[%get3A_267] {strides = array<i32>} : memref<640xf32, #tpu.memory_space<vmem>>, vector<16xf32>,
      %get3A_269 = arith.index_cast %mul3A_266 : i32 to index
      %get3A_270 = tpu.vector_load %arg17[%get3A_269] {strides = array<i32>} : memref<640xf32, #tpu.memory_space<vmem>>, vector<16xf32>,
      %add3A_271 = arith.addf %get3A_268, %get3A_270 : vector<16xf32>
      %swap3A = arith.index_cast %mul3A_266 : i32 to index
      %swap3A_272 = tpu.vector_load %arg18[%swap3A] {strides = array<i32>} : memref<640xf32, #tpu.memory_space<vmem>>, vector<16xf32>,
      tpu.vector_store %arg18[%swap3A], %add3A_271 {strides = array<i32>} : memref<640xf32, #tpu.memory_space<vmem>>, vector<16xf32>,
    }
    %scan3A_243 = arith.constant 40 : i32
    %run_scoped3A_244 = arith.constant 14 : i32
    "tpu.region"() ({
      %run_scoped3A_260 = tpu.sem_alloc : memref<!tpu.dma_semaphore, #tpu.memory_space<semaphore_mem>>
      %dma_start3A_261 = tpu.memref_slice %arg19[%run_scoped3A_244, %multiple_of3A_164] : memref<16x10240xf32, #tpu.memory_space<vmem_shared>> -> memref<1x640xf32, #tpu.memory_space<vmem_shared>>
      %dma_start3A_262 = tpu.memref_squeeze %dma_start3A_261 : memref<1x640xf32, #tpu.memory_space<vmem_shared>> -> memref<640xf32, #tpu.memory_space<vmem_shared>>
      %dma_start3A_263 = tpu.memref_slice %arg19[%run_scoped3A_244, %multiple_of3A_164] : memref<16x10240xf32, #tpu.memory_space<vmem_shared>> -> memref<1x640xf32, #tpu.memory_space<vmem_shared>>
      %dma_start3A_264 = tpu.memref_squeeze %dma_start3A_263 : memref<1x640xf32, #tpu.memory_space<vmem_shared>> -> memref<640xf32, #tpu.memory_space<vmem_shared>>
      tpu.enqueue_dma source(%dma_start3A_264 : memref<640xf32, #tpu.memory_space<vmem_shared>>) target(%arg17 : memref<640xf32, #tpu.memory_space<vmem>>) target_semaphore(%run_scoped3A_260 : memref<!tpu.dma_semaphore, #tpu.memory_space<semaphore_mem>>)
      %dma_wait3A_265 = tpu.memref_slice %arg19[%run_scoped3A_244, %multiple_of3A_164] : memref<16x10240xf32, #tpu.memory_space<vmem_shared>> -> memref<1x640xf32, #tpu.memory_space<vmem_shared>>
      %dma_wait3A_266 = tpu.memref_squeeze %dma_wait3A_265 : memref<1x640xf32, #tpu.memory_space<vmem_shared>> -> memref<640xf32, #tpu.memory_space<vmem_shared>>
      %dma_wait3A_267 = tpu.memref_slice %arg19[%run_scoped3A_244, %multiple_of3A_164] : memref<16x10240xf32, #tpu.memory_space<vmem_shared>> -> memref<1x640xf32, #tpu.memory_space<vmem_shared>>
      %dma_wait3A_268 = tpu.memref_squeeze %dma_wait3A_267 : memref<1x640xf32, #tpu.memory_space<vmem_shared>> -> memref<640xf32, #tpu.memory_space<vmem_shared>>
      tpu.wait_dma2 semaphore(%run_scoped3A_260 : memref<!tpu.dma_semaphore, #tpu.memory_space<semaphore_mem>>) src(%dma_wait3A_268 : memref<640xf32, #tpu.memory_space<vmem_shared>>) dst(%arg17 : memref<640xf32, #tpu.memory_space<vmem>>)
      tpu.yield
    }) : () -> ()
    %scan3A_245 = arith.constant 0 : i32
    %scan3A_246 = arith.constant 40 : i32
    %scan3A_247 = arith.addi %scan3A_245, %scan3A_246 : i32
    %scan3A_248 = arith.constant 1 : i32
    scf.for %scan3A_260 = %scan3A_245 to %scan3A_247 step %scan3A_248  : i32 {
      %mul3A_261 = arith.constant 1 : i32
      %mul3A_262 = arith.muli %scan3A_260, %mul3A_261 : i32
      %add3A_263 = arith.constant 0 : i32
      %add3A_264 = arith.addi %add3A_263, %mul3A_262 : i32
      %mul3A_265 = arith.constant 16 : i32
      %mul3A_266 = arith.muli %add3A_264, %mul3A_265 : i32
      %get3A_267 = arith.index_cast %mul3A_266 : i32 to index
      %get3A_268 = tpu.vector_load %arg18[%get3A_267] {strides = array<i32>} : memref<640xf32, #tpu.memory_space<vmem>>, vector<16xf32>,
      %get3A_269 = arith.index_cast %mul3A_266 : i32 to index
      %get3A_270 = tpu.vector_load %arg17[%get3A_269] {strides = array<i32>} : memref<640xf32, #tpu.memory_space<vmem>>, vector<16xf32>,
      %add3A_271 = arith.addf %get3A_268, %get3A_270 : vector<16xf32>
      %swap3A = arith.index_cast %mul3A_266 : i32 to index
      %swap3A_272 = tpu.vector_load %arg18[%swap3A] {strides = array<i32>} : memref<640xf32, #tpu.memory_space<vmem>>, vector<16xf32>,
      tpu.vector_store %arg18[%swap3A], %add3A_271 {strides = array<i32>} : memref<640xf32, #tpu.memory_space<vmem>>, vector<16xf32>,
    }
    %scan3A_249 = arith.constant 40 : i32
    %run_scoped3A_250 = arith.constant 15 : i32
    "tpu.region"() ({
      %run_scoped3A_260 = tpu.sem_alloc : memref<!tpu.dma_semaphore, #tpu.memory_space<semaphore_mem>>
      %dma_start3A_261 = tpu.memref_slice %arg19[%run_scoped3A_250, %multiple_of3A_164] : memref<16x10240xf32, #tpu.memory_space<vmem_shared>> -> memref<1x640xf32, #tpu.memory_space<vmem_shared>>
      %dma_start3A_262 = tpu.memref_squeeze %dma_start3A_261 : memref<1x640xf32, #tpu.memory_space<vmem_shared>> -> memref<640xf32, #tpu.memory_space<vmem_shared>>
      %dma_start3A_263 = tpu.memref_slice %arg19[%run_scoped3A_250, %multiple_of3A_164] : memref<16x10240xf32, #tpu.memory_space<vmem_shared>> -> memref<1x640xf32, #tpu.memory_space<vmem_shared>>
      %dma_start3A_264 = tpu.memref_squeeze %dma_start3A_263 : memref<1x640xf32, #tpu.memory_space<vmem_shared>> -> memref<640xf32, #tpu.memory_space<vmem_shared>>
      tpu.enqueue_dma source(%dma_start3A_264 : memref<640xf32, #tpu.memory_space<vmem_shared>>) target(%arg17 : memref<640xf32, #tpu.memory_space<vmem>>) target_semaphore(%run_scoped3A_260 : memref<!tpu.dma_semaphore, #tpu.memory_space<semaphore_mem>>)
      %dma_wait3A_265 = tpu.memref_slice %arg19[%run_scoped3A_250, %multiple_of3A_164] : memref<16x10240xf32, #tpu.memory_space<vmem_shared>> -> memref<1x640xf32, #tpu.memory_space<vmem_shared>>
      %dma_wait3A_266 = tpu.memref_squeeze %dma_wait3A_265 : memref<1x640xf32, #tpu.memory_space<vmem_shared>> -> memref<640xf32, #tpu.memory_space<vmem_shared>>
      %dma_wait3A_267 = tpu.memref_slice %arg19[%run_scoped3A_250, %multiple_of3A_164] : memref<16x10240xf32, #tpu.memory_space<vmem_shared>> -> memref<1x640xf32, #tpu.memory_space<vmem_shared>>
      %dma_wait3A_268 = tpu.memref_squeeze %dma_wait3A_267 : memref<1x640xf32, #tpu.memory_space<vmem_shared>> -> memref<640xf32, #tpu.memory_space<vmem_shared>>
      tpu.wait_dma2 semaphore(%run_scoped3A_260 : memref<!tpu.dma_semaphore, #tpu.memory_space<semaphore_mem>>) src(%dma_wait3A_268 : memref<640xf32, #tpu.memory_space<vmem_shared>>) dst(%arg17 : memref<640xf32, #tpu.memory_space<vmem>>)
      tpu.yield
    }) : () -> ()
    %scan3A_251 = arith.constant 0 : i32
    %scan3A_252 = arith.constant 40 : i32
    %scan3A_253 = arith.addi %scan3A_251, %scan3A_252 : i32
    %scan3A_254 = arith.constant 1 : i32
    scf.for %scan3A_260 = %scan3A_251 to %scan3A_253 step %scan3A_254  : i32 {
      %mul3A_261 = arith.constant 1 : i32
      %mul3A_262 = arith.muli %scan3A_260, %mul3A_261 : i32
      %add3A_263 = arith.constant 0 : i32
      %add3A_264 = arith.addi %add3A_263, %mul3A_262 : i32
      %mul3A_265 = arith.constant 16 : i32
      %mul3A_266 = arith.muli %add3A_264, %mul3A_265 : i32
      %get3A_267 = arith.index_cast %mul3A_266 : i32 to index
      %get3A_268 = tpu.vector_load %arg18[%get3A_267] {strides = array<i32>} : memref<640xf32, #tpu.memory_space<vmem>>, vector<16xf32>,
      %get3A_269 = arith.index_cast %mul3A_266 : i32 to index
      %get3A_270 = tpu.vector_load %arg17[%get3A_269] {strides = array<i32>} : memref<640xf32, #tpu.memory_space<vmem>>, vector<16xf32>,
      %add3A_271 = arith.addf %get3A_268, %get3A_270 : vector<16xf32>
      %swap3A = arith.index_cast %mul3A_266 : i32 to index
      %swap3A_272 = tpu.vector_load %arg18[%swap3A] {strides = array<i32>} : memref<640xf32, #tpu.memory_space<vmem>>, vector<16xf32>,
      tpu.vector_store %arg18[%swap3A], %add3A_271 {strides = array<i32>} : memref<640xf32, #tpu.memory_space<vmem>>, vector<16xf32>,
    }
    %scan3A_255 = arith.constant 40 : i32
    %mul3A_256 = arith.constant 10240 : i32
    %mul3A_257 = arith.muli %arg0, %mul3A_256 : i32
    %add3A_258 = arith.addi %mul3A_257, %multiple_of3A_164 : i32
    %multiple_of3A_259 = tpu.assume_multiple %add3A_258, 8 : i32
    "tpu.region"() ({
      %run_scoped3A_260 = tpu.sem_alloc : memref<!tpu.dma_semaphore, #tpu.memory_space<semaphore_mem>>
      %dma_start3A_261 = tpu.memref_slice %arg7[%multiple_of3A_259] : memref<20480xf32, #tpu.memory_space<hbm>> -> memref<640xf32, #tpu.memory_space<hbm>>
      %dma_start3A_262 = tpu.memref_slice %arg7[%multiple_of3A_259] : memref<20480xf32, #tpu.memory_space<hbm>> -> memref<640xf32, #tpu.memory_space<hbm>>
      tpu.enqueue_dma source(%arg18 : memref<640xf32, #tpu.memory_space<vmem>>) target(%dma_start3A_262 : memref<640xf32, #tpu.memory_space<hbm>>) target_semaphore(%run_scoped3A_260 : memref<!tpu.dma_semaphore, #tpu.memory_space<semaphore_mem>>)
      %dma_wait3A_263 = tpu.memref_slice %arg7[%multiple_of3A_259] : memref<20480xf32, #tpu.memory_space<hbm>> -> memref<640xf32, #tpu.memory_space<hbm>>
      %dma_wait3A_264 = tpu.memref_slice %arg7[%multiple_of3A_259] : memref<20480xf32, #tpu.memory_space<hbm>> -> memref<640xf32, #tpu.memory_space<hbm>>
      tpu.wait_dma2 semaphore(%run_scoped3A_260 : memref<!tpu.dma_semaphore, #tpu.memory_space<semaphore_mem>>) src(%arg18 : memref<640xf32, #tpu.memory_space<vmem>>) dst(%dma_wait3A_264 : memref<640xf32, #tpu.memory_space<hbm>>)
      tpu.yield
    }) : () -> ()
    return
  }
}

#map = affine_map<(d0, d1) -> (0, 0)>
#map1 = affine_map<(d0, d1) -> (0)>
module attributes {stable_mosaic.version = 14 : i64} {
  func.func @body(%arg0: i32, %arg1: i32, %arg2: memref<10000x128xf32, #tpu.memory_space<hbm>>, %arg3: memref<327680xi32, #tpu.memory_space<hbm>>, %arg4: memref<2560x128xi32, #tpu.memory_space<hbm>>, %arg5: memref<10000x128xf32, #tpu.memory_space<hbm>>, %arg6: memref<20000x128xf32, #tpu.memory_space<hbm>>, %arg7: memref<2x128xi32, #tpu.memory_space<vmem>>, %arg8: memref<80x128xi32, #tpu.memory_space<vmem>>, %arg9: memref<2x128x128xf32, #tpu.memory_space<vmem>>, %arg10: memref<10008x128xf32, #tpu.memory_space<vmem_shared>>, %arg11: memref<!tpu.dma_semaphore, #tpu.memory_space<semaphore_mem>>, %arg12: memref<!tpu.dma_semaphore, #tpu.memory_space<semaphore_mem>>) attributes {dimension_semantics = [#tpu.dimension_semantics<core_parallel>, #tpu.dimension_semantics<subcore_parallel>], iteration_bounds = array<i64: 2, 16>, scalar_prefetch = 0 : i64, scratch_operands = 6 : i64, tpu.core_type = #tpu.core_type<sc_vector_subcore>, window_params = [{transform_indices = #map}, {transform_indices = #map1}, {transform_indices = #map}, {transform_indices = #map}, {transform_indices = #map}]} {
    %mul3A = arith.constant 16 : i32
    %mul3A_0 = arith.muli %arg0, %mul3A : i32
    %add3A = arith.addi %mul3A_0, %arg1 : i32
    %mul3A_1 = arith.constant 632 : i32
    %mul3A_2 = arith.muli %arg1, %mul3A_1 : i32
    %min3A = arith.constant 9368 : i32
    %min3A_3 = arith.minsi %mul3A_2, %min3A : i32
    %multiple_of3A = tpu.assume_multiple %min3A_3, 8 : i32
    "tpu.region"() ({
      %run_scoped3A = tpu.sem_alloc : memref<!tpu.dma_semaphore, #tpu.memory_space<semaphore_mem>>
      %dma_start3A_90 = arith.constant 0 : i32
      %dma_start3A_91 = tpu.memref_slice %arg10[%multiple_of3A, %dma_start3A_90] : memref<10008x128xf32, #tpu.memory_space<vmem_shared>> -> memref<632x128xf32, #tpu.memory_space<vmem_shared>>
      %dma_start3A_92 = arith.constant 0 : i32
      %dma_start3A_93 = tpu.memref_slice %arg5[%multiple_of3A, %dma_start3A_92] : memref<10000x128xf32, #tpu.memory_space<hbm>> -> memref<632x128xf32, #tpu.memory_space<hbm>>
      tpu.enqueue_dma source(%dma_start3A_93 : memref<632x128xf32, #tpu.memory_space<hbm>>) target(%dma_start3A_91 : memref<632x128xf32, #tpu.memory_space<vmem_shared>>) target_semaphore(%run_scoped3A : memref<!tpu.dma_semaphore, #tpu.memory_space<semaphore_mem>>)
      %dma_wait3A_94 = arith.constant 0 : i32
      %dma_wait3A_95 = tpu.memref_slice %arg10[%multiple_of3A, %dma_wait3A_94] : memref<10008x128xf32, #tpu.memory_space<vmem_shared>> -> memref<632x128xf32, #tpu.memory_space<vmem_shared>>
      %dma_wait3A_96 = arith.constant 0 : i32
      %dma_wait3A_97 = tpu.memref_slice %arg5[%multiple_of3A, %dma_wait3A_96] : memref<10000x128xf32, #tpu.memory_space<hbm>> -> memref<632x128xf32, #tpu.memory_space<hbm>>
      tpu.wait_dma2 semaphore(%run_scoped3A : memref<!tpu.dma_semaphore, #tpu.memory_space<semaphore_mem>>) src(%dma_wait3A_97 : memref<632x128xf32, #tpu.memory_space<hbm>>) dst(%dma_wait3A_95 : memref<632x128xf32, #tpu.memory_space<vmem_shared>>)
      tpu.yield
    }) : () -> ()
    %mul3A_4 = arith.constant 80 : i32
    %mul3A_5 = arith.muli %add3A, %mul3A_4 : i32
    %multiple_of3A_6 = tpu.assume_multiple %mul3A_5, 8 : i32
    "tpu.region"() ({
      %run_scoped3A = tpu.sem_alloc : memref<!tpu.dma_semaphore, #tpu.memory_space<semaphore_mem>>
      %dma_start3A_90 = arith.constant 0 : i32
      %dma_start3A_91 = tpu.memref_slice %arg4[%multiple_of3A_6, %dma_start3A_90] : memref<2560x128xi32, #tpu.memory_space<hbm>> -> memref<80x128xi32, #tpu.memory_space<hbm>>
      %dma_start3A_92 = arith.constant 0 : i32
      %dma_start3A_93 = tpu.memref_slice %arg4[%multiple_of3A_6, %dma_start3A_92] : memref<2560x128xi32, #tpu.memory_space<hbm>> -> memref<80x128xi32, #tpu.memory_space<hbm>>
      tpu.enqueue_dma source(%dma_start3A_93 : memref<80x128xi32, #tpu.memory_space<hbm>>) target(%arg8 : memref<80x128xi32, #tpu.memory_space<vmem>>) target_semaphore(%run_scoped3A : memref<!tpu.dma_semaphore, #tpu.memory_space<semaphore_mem>>)
      %dma_wait3A_94 = arith.constant 0 : i32
      %dma_wait3A_95 = tpu.memref_slice %arg4[%multiple_of3A_6, %dma_wait3A_94] : memref<2560x128xi32, #tpu.memory_space<hbm>> -> memref<80x128xi32, #tpu.memory_space<hbm>>
      %dma_wait3A_96 = arith.constant 0 : i32
      %dma_wait3A_97 = tpu.memref_slice %arg4[%multiple_of3A_6, %dma_wait3A_96] : memref<2560x128xi32, #tpu.memory_space<hbm>> -> memref<80x128xi32, #tpu.memory_space<hbm>>
      tpu.wait_dma2 semaphore(%run_scoped3A : memref<!tpu.dma_semaphore, #tpu.memory_space<semaphore_mem>>) src(%dma_wait3A_97 : memref<80x128xi32, #tpu.memory_space<hbm>>) dst(%arg8 : memref<80x128xi32, #tpu.memory_space<vmem>>)
      tpu.yield
    }) : () -> ()
    %barrier3A = arith.constant 0 : index
    tpu.barrier barrier_id(%barrier3A)
    %mul3A_7 = arith.constant 10240 : i32
    %mul3A_8 = arith.muli %add3A, %mul3A_7 : i32
    %add3A_9 = arith.constant 0 : i32
    %add3A_10 = arith.addi %mul3A_8, %add3A_9 : i32
    %min3A_11 = arith.constant 327552 : i32
    %min3A_12 = arith.minsi %add3A_10, %min3A_11 : i32
    %multiple_of3A_13 = tpu.assume_multiple %min3A_12, 8 : i32
    %dma_start3A = arith.constant 0 : i32
    %dma_start3A_14 = arith.constant 0 : i32
    %dma_start3A_15 = tpu.memref_slice %arg7[%dma_start3A, %dma_start3A_14] : memref<2x128xi32, #tpu.memory_space<vmem>> -> memref<1x128xi32, #tpu.memory_space<vmem>>
    %dma_start3A_16 = tpu.memref_squeeze %dma_start3A_15 : memref<1x128xi32, #tpu.memory_space<vmem>> -> memref<128xi32, #tpu.memory_space<vmem>>
    %dma_start3A_17 = tpu.memref_slice %arg3[%multiple_of3A_13] : memref<327680xi32, #tpu.memory_space<hbm>> -> memref<128xi32, #tpu.memory_space<hbm>>
    %dma_start3A_18 = arith.constant 0 : i32
    %dma_start3A_19 = tpu.memref_slice %arg7[%dma_start3A, %dma_start3A_18] : memref<2x128xi32, #tpu.memory_space<vmem>> -> memref<1x128xi32, #tpu.memory_space<vmem>>
    %dma_start3A_20 = tpu.memref_squeeze %dma_start3A_19 : memref<1x128xi32, #tpu.memory_space<vmem>> -> memref<128xi32, #tpu.memory_space<vmem>>
    %dma_start3A_21 = tpu.memref_slice %arg3[%multiple_of3A_13] : memref<327680xi32, #tpu.memory_space<hbm>> -> memref<128xi32, #tpu.memory_space<hbm>>
    tpu.enqueue_dma source(%dma_start3A_21 : memref<128xi32, #tpu.memory_space<hbm>>) target(%dma_start3A_20 : memref<128xi32, #tpu.memory_space<vmem>>) target_semaphore(%arg11 : memref<!tpu.dma_semaphore, #tpu.memory_space<semaphore_mem>>)
    %dma_wait3A = arith.constant 0 : i32
    %dma_wait3A_22 = arith.constant 0 : i32
    %dma_wait3A_23 = tpu.memref_slice %arg7[%dma_wait3A, %dma_wait3A_22] : memref<2x128xi32, #tpu.memory_space<vmem>> -> memref<1x128xi32, #tpu.memory_space<vmem>>
    %dma_wait3A_24 = tpu.memref_squeeze %dma_wait3A_23 : memref<1x128xi32, #tpu.memory_space<vmem>> -> memref<128xi32, #tpu.memory_space<vmem>>
    %dma_wait3A_25 = arith.constant 0 : i32
    %dma_wait3A_26 = tpu.memref_slice %arg3[%dma_wait3A_25] : memref<327680xi32, #tpu.memory_space<hbm>> -> memref<128xi32, #tpu.memory_space<hbm>>
    %dma_wait3A_27 = arith.constant 0 : i32
    %dma_wait3A_28 = tpu.memref_slice %arg7[%dma_wait3A, %dma_wait3A_27] : memref<2x128xi32, #tpu.memory_space<vmem>> -> memref<1x128xi32, #tpu.memory_space<vmem>>
    %dma_wait3A_29 = tpu.memref_squeeze %dma_wait3A_28 : memref<1x128xi32, #tpu.memory_space<vmem>> -> memref<128xi32, #tpu.memory_space<vmem>>
    %dma_wait3A_30 = arith.constant 0 : i32
    %dma_wait3A_31 = tpu.memref_slice %arg3[%dma_wait3A_30] : memref<327680xi32, #tpu.memory_space<hbm>> -> memref<128xi32, #tpu.memory_space<hbm>>
    tpu.wait_dma2 semaphore(%arg11 : memref<!tpu.dma_semaphore, #tpu.memory_space<semaphore_mem>>) src(%dma_wait3A_31 : memref<128xi32, #tpu.memory_space<hbm>>) dst(%dma_wait3A_29 : memref<128xi32, #tpu.memory_space<vmem>>)
    %dma_start3A_32 = arith.constant 0 : i32
    %dma_start3A_33 = arith.constant 0 : i32
    %dma_start3A_34 = arith.constant 0 : i32
    %dma_start3A_35 = arith.constant 0 : i32
    %dma_start3A_36 = tpu.memref_slice %arg9[%dma_start3A_33, %dma_start3A_34, %dma_start3A_35] : memref<2x128x128xf32, #tpu.memory_space<vmem>> -> memref<1x128x128xf32, #tpu.memory_space<vmem>>
    %dma_start3A_37 = tpu.memref_squeeze %dma_start3A_36 : memref<1x128x128xf32, #tpu.memory_space<vmem>> -> memref<128x128xf32, #tpu.memory_space<vmem>>
    %dma_start3A_38 = arith.constant 0 : i32
    %dma_start3A_39 = tpu.memref_slice %arg7[%dma_start3A_32, %dma_start3A_38] : memref<2x128xi32, #tpu.memory_space<vmem>> -> memref<1x128xi32, #tpu.memory_space<vmem>>
    %dma_start3A_40 = tpu.memref_squeeze %dma_start3A_39 : memref<1x128xi32, #tpu.memory_space<vmem>> -> memref<128xi32, #tpu.memory_space<vmem>>
    %dma_start3A_41 = arith.constant 0 : i32
    %dma_start3A_42 = arith.constant 0 : i32
    %dma_start3A_43 = tpu.memref_slice %arg2[%dma_start3A_41, %dma_start3A_42] : memref<10000x128xf32, #tpu.memory_space<hbm>> -> memref<10000x128xf32, #tpu.memory_space<hbm>>
    tpu.enqueue_indirect_dma source(%dma_start3A_43 : memref<10000x128xf32, #tpu.memory_space<hbm>>) target(%dma_start3A_37 : memref<128x128xf32, #tpu.memory_space<vmem>>) offsets(%dma_start3A_40 : memref<128xi32, #tpu.memory_space<vmem>>) semaphore(%arg12 : memref<!tpu.dma_semaphore, #tpu.memory_space<semaphore_mem>>)
    %add3A_44 = arith.constant 128 : i32
    %add3A_45 = arith.addi %mul3A_8, %add3A_44 : i32
    %min3A_46 = arith.constant 327552 : i32
    %min3A_47 = arith.minsi %add3A_45, %min3A_46 : i32
    %multiple_of3A_48 = tpu.assume_multiple %min3A_47, 8 : i32
    %dma_start3A_49 = arith.constant 1 : i32
    %dma_start3A_50 = arith.constant 0 : i32
    %dma_start3A_51 = tpu.memref_slice %arg7[%dma_start3A_49, %dma_start3A_50] : memref<2x128xi32, #tpu.memory_space<vmem>> -> memref<1x128xi32, #tpu.memory_space<vmem>>
    %dma_start3A_52 = tpu.memref_squeeze %dma_start3A_51 : memref<1x128xi32, #tpu.memory_space<vmem>> -> memref<128xi32, #tpu.memory_space<vmem>>
    %dma_start3A_53 = tpu.memref_slice %arg3[%multiple_of3A_48] : memref<327680xi32, #tpu.memory_space<hbm>> -> memref<128xi32, #tpu.memory_space<hbm>>
    %dma_start3A_54 = arith.constant 0 : i32
    %dma_start3A_55 = tpu.memref_slice %arg7[%dma_start3A_49, %dma_start3A_54] : memref<2x128xi32, #tpu.memory_space<vmem>> -> memref<1x128xi32, #tpu.memory_space<vmem>>
    %dma_start3A_56 = tpu.memref_squeeze %dma_start3A_55 : memref<1x128xi32, #tpu.memory_space<vmem>> -> memref<128xi32, #tpu.memory_space<vmem>>
    %dma_start3A_57 = tpu.memref_slice %arg3[%multiple_of3A_48] : memref<327680xi32, #tpu.memory_space<hbm>> -> memref<128xi32, #tpu.memory_space<hbm>>
    tpu.enqueue_dma source(%dma_start3A_57 : memref<128xi32, #tpu.memory_space<hbm>>) target(%dma_start3A_56 : memref<128xi32, #tpu.memory_space<vmem>>) target_semaphore(%arg11 : memref<!tpu.dma_semaphore, #tpu.memory_space<semaphore_mem>>)
    %scan3A = arith.constant 0 : i32
    %scan3A_58 = arith.constant 40 : i32
    %scan3A_59 = arith.addi %scan3A, %scan3A_58 : i32
    %scan3A_60 = arith.constant 1 : i32
    scf.for %scan3A_90 = %scan3A to %scan3A_59 step %scan3A_60  : i32 {
      %mul3A_91 = arith.constant 1 : i32
      %mul3A_92 = arith.muli %scan3A_90, %mul3A_91 : i32
      %add3A_93 = arith.constant 0 : i32
      %add3A_94 = arith.addi %add3A_93, %mul3A_92 : i32
      %mul3A_95 = arith.constant 2 : i32
      %mul3A_96 = arith.muli %add3A_94, %mul3A_95 : i32
      %add3A_97 = arith.constant 0 : i32
      %add3A_98 = arith.addi %mul3A_96, %add3A_97 : i32
      %dma_wait3A_99 = arith.constant 0 : i32
      %dma_wait3A_100 = arith.constant 0 : i32
      %dma_wait3A_101 = arith.constant 0 : i32
      %dma_wait3A_102 = arith.constant 0 : i32
      %dma_wait3A_103 = tpu.memref_slice %arg9[%dma_wait3A_100, %dma_wait3A_101, %dma_wait3A_102] : memref<2x128x128xf32, #tpu.memory_space<vmem>> -> memref<1x128x128xf32, #tpu.memory_space<vmem>>
      %dma_wait3A_104 = tpu.memref_squeeze %dma_wait3A_103 : memref<1x128x128xf32, #tpu.memory_space<vmem>> -> memref<128x128xf32, #tpu.memory_space<vmem>>
      %dma_wait3A_105 = arith.constant 0 : i32
      %dma_wait3A_106 = tpu.memref_slice %arg7[%dma_wait3A_99, %dma_wait3A_105] : memref<2x128xi32, #tpu.memory_space<vmem>> -> memref<1x128xi32, #tpu.memory_space<vmem>>
      %dma_wait3A_107 = tpu.memref_squeeze %dma_wait3A_106 : memref<1x128xi32, #tpu.memory_space<vmem>> -> memref<128xi32, #tpu.memory_space<vmem>>
      %dma_wait3A_108 = arith.constant 0 : i32
      %dma_wait3A_109 = arith.constant 0 : i32
      %dma_wait3A_110 = tpu.memref_slice %arg2[%dma_wait3A_108, %dma_wait3A_109] : memref<10000x128xf32, #tpu.memory_space<hbm>> -> memref<10000x128xf32, #tpu.memory_space<hbm>>
      tpu.wait_indirect_dma semaphore(%arg12 : memref<!tpu.dma_semaphore, #tpu.memory_space<semaphore_mem>>) src(%dma_wait3A_110 : memref<10000x128xf32, #tpu.memory_space<hbm>>) dst(%dma_wait3A_104 : memref<128x128xf32, #tpu.memory_space<vmem>>)
      %dma_wait3A_111 = arith.constant 1 : i32
      %dma_wait3A_112 = arith.constant 0 : i32
      %dma_wait3A_113 = tpu.memref_slice %arg7[%dma_wait3A_111, %dma_wait3A_112] : memref<2x128xi32, #tpu.memory_space<vmem>> -> memref<1x128xi32, #tpu.memory_space<vmem>>
      %dma_wait3A_114 = tpu.memref_squeeze %dma_wait3A_113 : memref<1x128xi32, #tpu.memory_space<vmem>> -> memref<128xi32, #tpu.memory_space<vmem>>
      %dma_wait3A_115 = arith.constant 0 : i32
      %dma_wait3A_116 = tpu.memref_slice %arg3[%dma_wait3A_115] : memref<327680xi32, #tpu.memory_space<hbm>> -> memref<128xi32, #tpu.memory_space<hbm>>
      %dma_wait3A_117 = arith.constant 0 : i32
      %dma_wait3A_118 = tpu.memref_slice %arg7[%dma_wait3A_111, %dma_wait3A_117] : memref<2x128xi32, #tpu.memory_space<vmem>> -> memref<1x128xi32, #tpu.memory_space<vmem>>
      %dma_wait3A_119 = tpu.memref_squeeze %dma_wait3A_118 : memref<1x128xi32, #tpu.memory_space<vmem>> -> memref<128xi32, #tpu.memory_space<vmem>>
      %dma_wait3A_120 = arith.constant 0 : i32
      %dma_wait3A_121 = tpu.memref_slice %arg3[%dma_wait3A_120] : memref<327680xi32, #tpu.memory_space<hbm>> -> memref<128xi32, #tpu.memory_space<hbm>>
      tpu.wait_dma2 semaphore(%arg11 : memref<!tpu.dma_semaphore, #tpu.memory_space<semaphore_mem>>) src(%dma_wait3A_121 : memref<128xi32, #tpu.memory_space<hbm>>) dst(%dma_wait3A_119 : memref<128xi32, #tpu.memory_space<vmem>>)
      %dma_start3A_122 = arith.constant 1 : i32
      %dma_start3A_123 = arith.constant 1 : i32
      %dma_start3A_124 = arith.constant 0 : i32
      %dma_start3A_125 = arith.constant 0 : i32
      %dma_start3A_126 = tpu.memref_slice %arg9[%dma_start3A_123, %dma_start3A_124, %dma_start3A_125] : memref<2x128x128xf32, #tpu.memory_space<vmem>> -> memref<1x128x128xf32, #tpu.memory_space<vmem>>
      %dma_start3A_127 = tpu.memref_squeeze %dma_start3A_126 : memref<1x128x128xf32, #tpu.memory_space<vmem>> -> memref<128x128xf32, #tpu.memory_space<vmem>>
      %dma_start3A_128 = arith.constant 0 : i32
      %dma_start3A_129 = tpu.memref_slice %arg7[%dma_start3A_122, %dma_start3A_128] : memref<2x128xi32, #tpu.memory_space<vmem>> -> memref<1x128xi32, #tpu.memory_space<vmem>>
      %dma_start3A_130 = tpu.memref_squeeze %dma_start3A_129 : memref<1x128xi32, #tpu.memory_space<vmem>> -> memref<128xi32, #tpu.memory_space<vmem>>
      %dma_start3A_131 = arith.constant 0 : i32
      %dma_start3A_132 = arith.constant 0 : i32
      %dma_start3A_133 = tpu.memref_slice %arg2[%dma_start3A_131, %dma_start3A_132] : memref<10000x128xf32, #tpu.memory_space<hbm>> -> memref<10000x128xf32, #tpu.memory_space<hbm>>
      tpu.enqueue_indirect_dma source(%dma_start3A_133 : memref<10000x128xf32, #tpu.memory_space<hbm>>) target(%dma_start3A_127 : memref<128x128xf32, #tpu.memory_space<vmem>>) offsets(%dma_start3A_130 : memref<128xi32, #tpu.memory_space<vmem>>) semaphore(%arg12 : memref<!tpu.dma_semaphore, #tpu.memory_space<semaphore_mem>>)
      %run_scoped3A = arith.constant 0 : i32
      "tpu.region"() ({
        %run_scoped3A_208 = tpu.sem_alloc : memref<!tpu.dma_semaphore, #tpu.memory_space<semaphore_mem>>
        %dma_start3A_209 = arith.constant 0 : i32
        %dma_start3A_210 = arith.constant 0 : i32
        %dma_start3A_211 = tpu.memref_slice %arg9[%run_scoped3A, %dma_start3A_209, %dma_start3A_210] : memref<2x128x128xf32, #tpu.memory_space<vmem>> -> memref<1x128x128xf32, #tpu.memory_space<vmem>>
        %dma_start3A_212 = tpu.memref_squeeze %dma_start3A_211 : memref<1x128x128xf32, #tpu.memory_space<vmem>> -> memref<128x128xf32, #tpu.memory_space<vmem>>
        %dma_start3A_213 = arith.constant 0 : i32
        %dma_start3A_214 = tpu.memref_slice %arg8[%add3A_98, %dma_start3A_213] : memref<80x128xi32, #tpu.memory_space<vmem>> -> memref<1x128xi32, #tpu.memory_space<vmem>>
        %dma_start3A_215 = tpu.memref_squeeze %dma_start3A_214 : memref<1x128xi32, #tpu.memory_space<vmem>> -> memref<128xi32, #tpu.memory_space<vmem>>
        %dma_start3A_216 = arith.constant 0 : i32
        %dma_start3A_217 = arith.constant 0 : i32
        %dma_start3A_218 = tpu.memref_slice %arg10[%dma_start3A_216, %dma_start3A_217] : memref<10008x128xf32, #tpu.memory_space<vmem_shared>> -> memref<10008x128xf32, #tpu.memory_space<vmem_shared>>
        tpu.enqueue_indirect_dma source(%dma_start3A_212 : memref<128x128xf32, #tpu.memory_space<vmem>>) target(%dma_start3A_218 : memref<10008x128xf32, #tpu.memory_space<vmem_shared>>) offsets(%dma_start3A_215 : memref<128xi32, #tpu.memory_space<vmem>>) semaphore(%run_scoped3A_208 : memref<!tpu.dma_semaphore, #tpu.memory_space<semaphore_mem>>) {add = true}
        %dma_wait3A_219 = arith.constant 0 : i32
        %dma_wait3A_220 = arith.constant 0 : i32
        %dma_wait3A_221 = tpu.memref_slice %arg9[%run_scoped3A, %dma_wait3A_219, %dma_wait3A_220] : memref<2x128x128xf32, #tpu.memory_space<vmem>> -> memref<1x128x128xf32, #tpu.memory_space<vmem>>
        %dma_wait3A_222 = tpu.memref_squeeze %dma_wait3A_221 : memref<1x128x128xf32, #tpu.memory_space<vmem>> -> memref<128x128xf32, #tpu.memory_space<vmem>>
        %dma_wait3A_223 = arith.constant 0 : i32
        %dma_wait3A_224 = tpu.memref_slice %arg8[%add3A_98, %dma_wait3A_223] : memref<80x128xi32, #tpu.memory_space<vmem>> -> memref<1x128xi32, #tpu.memory_space<vmem>>
        %dma_wait3A_225 = tpu.memref_squeeze %dma_wait3A_224 : memref<1x128xi32, #tpu.memory_space<vmem>> -> memref<128xi32, #tpu.memory_space<vmem>>
        %dma_wait3A_226 = arith.constant 0 : i32
        %dma_wait3A_227 = arith.constant 0 : i32
        %dma_wait3A_228 = tpu.memref_slice %arg10[%dma_wait3A_226, %dma_wait3A_227] : memref<10008x128xf32, #tpu.memory_space<vmem_shared>> -> memref<10008x128xf32, #tpu.memory_space<vmem_shared>>
        tpu.wait_indirect_dma semaphore(%run_scoped3A_208 : memref<!tpu.dma_semaphore, #tpu.memory_space<semaphore_mem>>) src(%dma_wait3A_222 : memref<128x128xf32, #tpu.memory_space<vmem>>) dst(%dma_wait3A_228 : memref<10008x128xf32, #tpu.memory_space<vmem_shared>>)
        tpu.yield
      }) : () -> ()
      %add3A_134 = arith.constant 2 : i32
      %add3A_135 = arith.addi %add3A_98, %add3A_134 : i32
      %mul3A_136 = arith.constant 128 : i32
      %mul3A_137 = arith.muli %add3A_135, %mul3A_136 : i32
      %add3A_138 = arith.addi %mul3A_8, %mul3A_137 : i32
      %min3A_139 = arith.constant 327552 : i32
      %min3A_140 = arith.minsi %add3A_138, %min3A_139 : i32
      %multiple_of3A_141 = tpu.assume_multiple %min3A_140, 8 : i32
      %dma_start3A_142 = arith.constant 0 : i32
      %dma_start3A_143 = arith.constant 0 : i32
      %dma_start3A_144 = tpu.memref_slice %arg7[%dma_start3A_142, %dma_start3A_143] : memref<2x128xi32, #tpu.memory_space<vmem>> -> memref<1x128xi32, #tpu.memory_space<vmem>>
      %dma_start3A_145 = tpu.memref_squeeze %dma_start3A_144 : memref<1x128xi32, #tpu.memory_space<vmem>> -> memref<128xi32, #tpu.memory_space<vmem>>
      %dma_start3A_146 = tpu.memref_slice %arg3[%multiple_of3A_141] : memref<327680xi32, #tpu.memory_space<hbm>> -> memref<128xi32, #tpu.memory_space<hbm>>
      %dma_start3A_147 = arith.constant 0 : i32
      %dma_start3A_148 = tpu.memref_slice %arg7[%dma_start3A_142, %dma_start3A_147] : memref<2x128xi32, #tpu.memory_space<vmem>> -> memref<1x128xi32, #tpu.memory_space<vmem>>
      %dma_start3A_149 = tpu.memref_squeeze %dma_start3A_148 : memref<1x128xi32, #tpu.memory_space<vmem>> -> memref<128xi32, #tpu.memory_space<vmem>>
      %dma_start3A_150 = tpu.memref_slice %arg3[%multiple_of3A_141] : memref<327680xi32, #tpu.memory_space<hbm>> -> memref<128xi32, #tpu.memory_space<hbm>>
      tpu.enqueue_dma source(%dma_start3A_150 : memref<128xi32, #tpu.memory_space<hbm>>) target(%dma_start3A_149 : memref<128xi32, #tpu.memory_space<vmem>>) target_semaphore(%arg11 : memref<!tpu.dma_semaphore, #tpu.memory_space<semaphore_mem>>)
      %mul3A_151 = arith.constant 2 : i32
      %mul3A_152 = arith.muli %add3A_94, %mul3A_151 : i32
      %add3A_153 = arith.constant 1 : i32
      %add3A_154 = arith.addi %mul3A_152, %add3A_153 : i32
      %dma_wait3A_155 = arith.constant 1 : i32
      %dma_wait3A_156 = arith.constant 1 : i32
      %dma_wait3A_157 = arith.constant 0 : i32
      %dma_wait3A_158 = arith.constant 0 : i32
      %dma_wait3A_159 = tpu.memref_slice %arg9[%dma_wait3A_156, %dma_wait3A_157, %dma_wait3A_158] : memref<2x128x128xf32, #tpu.memory_space<vmem>> -> memref<1x128x128xf32, #tpu.memory_space<vmem>>
      %dma_wait3A_160 = tpu.memref_squeeze %dma_wait3A_159 : memref<1x128x128xf32, #tpu.memory_space<vmem>> -> memref<128x128xf32, #tpu.memory_space<vmem>>
      %dma_wait3A_161 = arith.constant 0 : i32
      %dma_wait3A_162 = tpu.memref_slice %arg7[%dma_wait3A_155, %dma_wait3A_161] : memref<2x128xi32, #tpu.memory_space<vmem>> -> memref<1x128xi32, #tpu.memory_space<vmem>>
      %dma_wait3A_163 = tpu.memref_squeeze %dma_wait3A_162 : memref<1x128xi32, #tpu.memory_space<vmem>> -> memref<128xi32, #tpu.memory_space<vmem>>
      %dma_wait3A_164 = arith.constant 0 : i32
      %dma_wait3A_165 = arith.constant 0 : i32
      %dma_wait3A_166 = tpu.memref_slice %arg2[%dma_wait3A_164, %dma_wait3A_165] : memref<10000x128xf32, #tpu.memory_space<hbm>> -> memref<10000x128xf32, #tpu.memory_space<hbm>>
      tpu.wait_indirect_dma semaphore(%arg12 : memref<!tpu.dma_semaphore, #tpu.memory_space<semaphore_mem>>) src(%dma_wait3A_166 : memref<10000x128xf32, #tpu.memory_space<hbm>>) dst(%dma_wait3A_160 : memref<128x128xf32, #tpu.memory_space<vmem>>)
      %dma_wait3A_167 = arith.constant 0 : i32
      %dma_wait3A_168 = arith.constant 0 : i32
      %dma_wait3A_169 = tpu.memref_slice %arg7[%dma_wait3A_167, %dma_wait3A_168] : memref<2x128xi32, #tpu.memory_space<vmem>> -> memref<1x128xi32, #tpu.memory_space<vmem>>
      %dma_wait3A_170 = tpu.memref_squeeze %dma_wait3A_169 : memref<1x128xi32, #tpu.memory_space<vmem>> -> memref<128xi32, #tpu.memory_space<vmem>>
      %dma_wait3A_171 = arith.constant 0 : i32
      %dma_wait3A_172 = tpu.memref_slice %arg3[%dma_wait3A_171] : memref<327680xi32, #tpu.memory_space<hbm>> -> memref<128xi32, #tpu.memory_space<hbm>>
      %dma_wait3A_173 = arith.constant 0 : i32
      %dma_wait3A_174 = tpu.memref_slice %arg7[%dma_wait3A_167, %dma_wait3A_173] : memref<2x128xi32, #tpu.memory_space<vmem>> -> memref<1x128xi32, #tpu.memory_space<vmem>>
      %dma_wait3A_175 = tpu.memref_squeeze %dma_wait3A_174 : memref<1x128xi32, #tpu.memory_space<vmem>> -> memref<128xi32, #tpu.memory_space<vmem>>
      %dma_wait3A_176 = arith.constant 0 : i32
      %dma_wait3A_177 = tpu.memref_slice %arg3[%dma_wait3A_176] : memref<327680xi32, #tpu.memory_space<hbm>> -> memref<128xi32, #tpu.memory_space<hbm>>
      tpu.wait_dma2 semaphore(%arg11 : memref<!tpu.dma_semaphore, #tpu.memory_space<semaphore_mem>>) src(%dma_wait3A_177 : memref<128xi32, #tpu.memory_space<hbm>>) dst(%dma_wait3A_175 : memref<128xi32, #tpu.memory_space<vmem>>)
      %dma_start3A_178 = arith.constant 0 : i32
      %dma_start3A_179 = arith.constant 0 : i32
      %dma_start3A_180 = arith.constant 0 : i32
      %dma_start3A_181 = arith.constant 0 : i32
      %dma_start3A_182 = tpu.memref_slice %arg9[%dma_start3A_179, %dma_start3A_180, %dma_start3A_181] : memref<2x128x128xf32, #tpu.memory_space<vmem>> -> memref<1x128x128xf32, #tpu.memory_space<vmem>>
      %dma_start3A_183 = tpu.memref_squeeze %dma_start3A_182 : memref<1x128x128xf32, #tpu.memory_space<vmem>> -> memref<128x128xf32, #tpu.memory_space<vmem>>
      %dma_start3A_184 = arith.constant 0 : i32
      %dma_start3A_185 = tpu.memref_slice %arg7[%dma_start3A_178, %dma_start3A_184] : memref<2x128xi32, #tpu.memory_space<vmem>> -> memref<1x128xi32, #tpu.memory_space<vmem>>
      %dma_start3A_186 = tpu.memref_squeeze %dma_start3A_185 : memref<1x128xi32, #tpu.memory_space<vmem>> -> memref<128xi32, #tpu.memory_space<vmem>>
      %dma_start3A_187 = arith.constant 0 : i32
      %dma_start3A_188 = arith.constant 0 : i32
      %dma_start3A_189 = tpu.memref_slice %arg2[%dma_start3A_187, %dma_start3A_188] : memref<10000x128xf32, #tpu.memory_space<hbm>> -> memref<10000x128xf32, #tpu.memory_space<hbm>>
      tpu.enqueue_indirect_dma source(%dma_start3A_189 : memref<10000x128xf32, #tpu.memory_space<hbm>>) target(%dma_start3A_183 : memref<128x128xf32, #tpu.memory_space<vmem>>) offsets(%dma_start3A_186 : memref<128xi32, #tpu.memory_space<vmem>>) semaphore(%arg12 : memref<!tpu.dma_semaphore, #tpu.memory_space<semaphore_mem>>)
      %run_scoped3A_190 = arith.constant 1 : i32
      "tpu.region"() ({
        %run_scoped3A_208 = tpu.sem_alloc : memref<!tpu.dma_semaphore, #tpu.memory_space<semaphore_mem>>
        %dma_start3A_209 = arith.constant 0 : i32
        %dma_start3A_210 = arith.constant 0 : i32
        %dma_start3A_211 = tpu.memref_slice %arg9[%run_scoped3A_190, %dma_start3A_209, %dma_start3A_210] : memref<2x128x128xf32, #tpu.memory_space<vmem>> -> memref<1x128x128xf32, #tpu.memory_space<vmem>>
        %dma_start3A_212 = tpu.memref_squeeze %dma_start3A_211 : memref<1x128x128xf32, #tpu.memory_space<vmem>> -> memref<128x128xf32, #tpu.memory_space<vmem>>
        %dma_start3A_213 = arith.constant 0 : i32
        %dma_start3A_214 = tpu.memref_slice %arg8[%add3A_154, %dma_start3A_213] : memref<80x128xi32, #tpu.memory_space<vmem>> -> memref<1x128xi32, #tpu.memory_space<vmem>>
        %dma_start3A_215 = tpu.memref_squeeze %dma_start3A_214 : memref<1x128xi32, #tpu.memory_space<vmem>> -> memref<128xi32, #tpu.memory_space<vmem>>
        %dma_start3A_216 = arith.constant 0 : i32
        %dma_start3A_217 = arith.constant 0 : i32
        %dma_start3A_218 = tpu.memref_slice %arg10[%dma_start3A_216, %dma_start3A_217] : memref<10008x128xf32, #tpu.memory_space<vmem_shared>> -> memref<10008x128xf32, #tpu.memory_space<vmem_shared>>
        tpu.enqueue_indirect_dma source(%dma_start3A_212 : memref<128x128xf32, #tpu.memory_space<vmem>>) target(%dma_start3A_218 : memref<10008x128xf32, #tpu.memory_space<vmem_shared>>) offsets(%dma_start3A_215 : memref<128xi32, #tpu.memory_space<vmem>>) semaphore(%run_scoped3A_208 : memref<!tpu.dma_semaphore, #tpu.memory_space<semaphore_mem>>) {add = true}
        %dma_wait3A_219 = arith.constant 0 : i32
        %dma_wait3A_220 = arith.constant 0 : i32
        %dma_wait3A_221 = tpu.memref_slice %arg9[%run_scoped3A_190, %dma_wait3A_219, %dma_wait3A_220] : memref<2x128x128xf32, #tpu.memory_space<vmem>> -> memref<1x128x128xf32, #tpu.memory_space<vmem>>
        %dma_wait3A_222 = tpu.memref_squeeze %dma_wait3A_221 : memref<1x128x128xf32, #tpu.memory_space<vmem>> -> memref<128x128xf32, #tpu.memory_space<vmem>>
        %dma_wait3A_223 = arith.constant 0 : i32
        %dma_wait3A_224 = tpu.memref_slice %arg8[%add3A_154, %dma_wait3A_223] : memref<80x128xi32, #tpu.memory_space<vmem>> -> memref<1x128xi32, #tpu.memory_space<vmem>>
        %dma_wait3A_225 = tpu.memref_squeeze %dma_wait3A_224 : memref<1x128xi32, #tpu.memory_space<vmem>> -> memref<128xi32, #tpu.memory_space<vmem>>
        %dma_wait3A_226 = arith.constant 0 : i32
        %dma_wait3A_227 = arith.constant 0 : i32
        %dma_wait3A_228 = tpu.memref_slice %arg10[%dma_wait3A_226, %dma_wait3A_227] : memref<10008x128xf32, #tpu.memory_space<vmem_shared>> -> memref<10008x128xf32, #tpu.memory_space<vmem_shared>>
        tpu.wait_indirect_dma semaphore(%run_scoped3A_208 : memref<!tpu.dma_semaphore, #tpu.memory_space<semaphore_mem>>) src(%dma_wait3A_222 : memref<128x128xf32, #tpu.memory_space<vmem>>) dst(%dma_wait3A_228 : memref<10008x128xf32, #tpu.memory_space<vmem_shared>>)
        tpu.yield
      }) : () -> ()
      %add3A_191 = arith.constant 2 : i32
      %add3A_192 = arith.addi %add3A_154, %add3A_191 : i32
      %mul3A_193 = arith.constant 128 : i32
      %mul3A_194 = arith.muli %add3A_192, %mul3A_193 : i32
      %add3A_195 = arith.addi %mul3A_8, %mul3A_194 : i32
      %min3A_196 = arith.constant 327552 : i32
      %min3A_197 = arith.minsi %add3A_195, %min3A_196 : i32
      %multiple_of3A_198 = tpu.assume_multiple %min3A_197, 8 : i32
      %dma_start3A_199 = arith.constant 1 : i32
      %dma_start3A_200 = arith.constant 0 : i32
      %dma_start3A_201 = tpu.memref_slice %arg7[%dma_start3A_199, %dma_start3A_200] : memref<2x128xi32, #tpu.memory_space<vmem>> -> memref<1x128xi32, #tpu.memory_space<vmem>>
      %dma_start3A_202 = tpu.memref_squeeze %dma_start3A_201 : memref<1x128xi32, #tpu.memory_space<vmem>> -> memref<128xi32, #tpu.memory_space<vmem>>
      %dma_start3A_203 = tpu.memref_slice %arg3[%multiple_of3A_198] : memref<327680xi32, #tpu.memory_space<hbm>> -> memref<128xi32, #tpu.memory_space<hbm>>
      %dma_start3A_204 = arith.constant 0 : i32
      %dma_start3A_205 = tpu.memref_slice %arg7[%dma_start3A_199, %dma_start3A_204] : memref<2x128xi32, #tpu.memory_space<vmem>> -> memref<1x128xi32, #tpu.memory_space<vmem>>
      %dma_start3A_206 = tpu.memref_squeeze %dma_start3A_205 : memref<1x128xi32, #tpu.memory_space<vmem>> -> memref<128xi32, #tpu.memory_space<vmem>>
      %dma_start3A_207 = tpu.memref_slice %arg3[%multiple_of3A_198] : memref<327680xi32, #tpu.memory_space<hbm>> -> memref<128xi32, #tpu.memory_space<hbm>>
      tpu.enqueue_dma source(%dma_start3A_207 : memref<128xi32, #tpu.memory_space<hbm>>) target(%dma_start3A_206 : memref<128xi32, #tpu.memory_space<vmem>>) target_semaphore(%arg11 : memref<!tpu.dma_semaphore, #tpu.memory_space<semaphore_mem>>)
    }
    %scan3A_61 = arith.constant 40 : i32
    %dma_wait3A_62 = arith.constant 0 : i32
    %dma_wait3A_63 = arith.constant 0 : i32
    %dma_wait3A_64 = arith.constant 0 : i32
    %dma_wait3A_65 = arith.constant 0 : i32
    %dma_wait3A_66 = tpu.memref_slice %arg9[%dma_wait3A_63, %dma_wait3A_64, %dma_wait3A_65] : memref<2x128x128xf32, #tpu.memory_space<vmem>> -> memref<1x128x128xf32, #tpu.memory_space<vmem>>
    %dma_wait3A_67 = tpu.memref_squeeze %dma_wait3A_66 : memref<1x128x128xf32, #tpu.memory_space<vmem>> -> memref<128x128xf32, #tpu.memory_space<vmem>>
    %dma_wait3A_68 = arith.constant 0 : i32
    %dma_wait3A_69 = tpu.memref_slice %arg7[%dma_wait3A_62, %dma_wait3A_68] : memref<2x128xi32, #tpu.memory_space<vmem>> -> memref<1x128xi32, #tpu.memory_space<vmem>>
    %dma_wait3A_70 = tpu.memref_squeeze %dma_wait3A_69 : memref<1x128xi32, #tpu.memory_space<vmem>> -> memref<128xi32, #tpu.memory_space<vmem>>
    %dma_wait3A_71 = arith.constant 0 : i32
    %dma_wait3A_72 = arith.constant 0 : i32
    %dma_wait3A_73 = tpu.memref_slice %arg2[%dma_wait3A_71, %dma_wait3A_72] : memref<10000x128xf32, #tpu.memory_space<hbm>> -> memref<10000x128xf32, #tpu.memory_space<hbm>>
    tpu.wait_indirect_dma semaphore(%arg12 : memref<!tpu.dma_semaphore, #tpu.memory_space<semaphore_mem>>) src(%dma_wait3A_73 : memref<10000x128xf32, #tpu.memory_space<hbm>>) dst(%dma_wait3A_67 : memref<128x128xf32, #tpu.memory_space<vmem>>)
    %dma_wait3A_74 = arith.constant 1 : i32
    %dma_wait3A_75 = arith.constant 0 : i32
    %dma_wait3A_76 = tpu.memref_slice %arg7[%dma_wait3A_74, %dma_wait3A_75] : memref<2x128xi32, #tpu.memory_space<vmem>> -> memref<1x128xi32, #tpu.memory_space<vmem>>
    %dma_wait3A_77 = tpu.memref_squeeze %dma_wait3A_76 : memref<1x128xi32, #tpu.memory_space<vmem>> -> memref<128xi32, #tpu.memory_space<vmem>>
    %dma_wait3A_78 = arith.constant 0 : i32
    %dma_wait3A_79 = tpu.memref_slice %arg3[%dma_wait3A_78] : memref<327680xi32, #tpu.memory_space<hbm>> -> memref<128xi32, #tpu.memory_space<hbm>>
    %dma_wait3A_80 = arith.constant 0 : i32
    %dma_wait3A_81 = tpu.memref_slice %arg7[%dma_wait3A_74, %dma_wait3A_80] : memref<2x128xi32, #tpu.memory_space<vmem>> -> memref<1x128xi32, #tpu.memory_space<vmem>>
    %dma_wait3A_82 = tpu.memref_squeeze %dma_wait3A_81 : memref<1x128xi32, #tpu.memory_space<vmem>> -> memref<128xi32, #tpu.memory_space<vmem>>
    %dma_wait3A_83 = arith.constant 0 : i32
    %dma_wait3A_84 = tpu.memref_slice %arg3[%dma_wait3A_83] : memref<327680xi32, #tpu.memory_space<hbm>> -> memref<128xi32, #tpu.memory_space<hbm>>
    tpu.wait_dma2 semaphore(%arg11 : memref<!tpu.dma_semaphore, #tpu.memory_space<semaphore_mem>>) src(%dma_wait3A_84 : memref<128xi32, #tpu.memory_space<hbm>>) dst(%dma_wait3A_82 : memref<128xi32, #tpu.memory_space<vmem>>)
    %barrier3A_85 = arith.constant 0 : index
    tpu.barrier barrier_id(%barrier3A_85)
    %mul3A_86 = arith.constant 10000 : i32
    %mul3A_87 = arith.muli %arg0, %mul3A_86 : i32
    %add3A_88 = arith.addi %mul3A_87, %multiple_of3A : i32
    %multiple_of3A_89 = tpu.assume_multiple %add3A_88, 8 : i32
    "tpu.region"() ({
      %run_scoped3A = tpu.sem_alloc : memref<!tpu.dma_semaphore, #tpu.memory_space<semaphore_mem>>
      %dma_start3A_90 = arith.constant 0 : i32
      %dma_start3A_91 = tpu.memref_slice %arg6[%multiple_of3A_89, %dma_start3A_90] : memref<20000x128xf32, #tpu.memory_space<hbm>> -> memref<632x128xf32, #tpu.memory_space<hbm>>
      %dma_start3A_92 = arith.constant 0 : i32
      %dma_start3A_93 = tpu.memref_slice %arg10[%multiple_of3A, %dma_start3A_92] : memref<10008x128xf32, #tpu.memory_space<vmem_shared>> -> memref<632x128xf32, #tpu.memory_space<vmem_shared>>
      tpu.enqueue_dma source(%dma_start3A_93 : memref<632x128xf32, #tpu.memory_space<vmem_shared>>) target(%dma_start3A_91 : memref<632x128xf32, #tpu.memory_space<hbm>>) target_semaphore(%run_scoped3A : memref<!tpu.dma_semaphore, #tpu.memory_space<semaphore_mem>>)
      %dma_wait3A_94 = arith.constant 0 : i32
      %dma_wait3A_95 = tpu.memref_slice %arg6[%multiple_of3A_89, %dma_wait3A_94] : memref<20000x128xf32, #tpu.memory_space<hbm>> -> memref<632x128xf32, #tpu.memory_space<hbm>>
      %dma_wait3A_96 = arith.constant 0 : i32
      %dma_wait3A_97 = tpu.memref_slice %arg10[%multiple_of3A, %dma_wait3A_96] : memref<10008x128xf32, #tpu.memory_space<vmem_shared>> -> memref<632x128xf32, #tpu.memory_space<vmem_shared>>
      tpu.wait_dma2 semaphore(%run_scoped3A : memref<!tpu.dma_semaphore, #tpu.memory_space<semaphore_mem>>) src(%dma_wait3A_97 : memref<632x128xf32, #tpu.memory_space<vmem_shared>>) dst(%dma_wait3A_95 : memref<632x128xf32, #tpu.memory_space<hbm>>)
      tpu.yield
    }) : () -> ()
    return
  }
}

#map = affine_map<(d0, d1) -> (0, 0)>
#map1 = affine_map<(d0, d1) -> (0)>
module attributes {stable_mosaic.version = 14 : i64} {
  func.func @body(%arg0: i32, %arg1: i32, %arg2: memref<10000x128xf32, #tpu.memory_space<hbm>>, %arg3: memref<327680xi32, #tpu.memory_space<hbm>>, %arg4: memref<2560x128xi32, #tpu.memory_space<hbm>>, %arg5: memref<10000x128xf32, #tpu.memory_space<hbm>>, %arg6: memref<20000x128xf32, #tpu.memory_space<hbm>>, %arg7: memref<2x128xi32, #tpu.memory_space<vmem>>, %arg8: memref<80x128xi32, #tpu.memory_space<vmem>>, %arg9: memref<2x128x128xf32, #tpu.memory_space<vmem>>, %arg10: memref<10008x128xf32, #tpu.memory_space<vmem_shared>>, %arg11: memref<!tpu.dma_semaphore, #tpu.memory_space<semaphore_mem>>, %arg12: memref<!tpu.dma_semaphore, #tpu.memory_space<semaphore_mem>>) attributes {dimension_semantics = [#tpu.dimension_semantics<core_parallel>, #tpu.dimension_semantics<subcore_parallel>], iteration_bounds = array<i64: 2, 16>, scalar_prefetch = 0 : i64, scratch_operands = 6 : i64, tpu.core_type = #tpu.core_type<sc_vector_subcore>, window_params = [{transform_indices = #map}, {transform_indices = #map1}, {transform_indices = #map}, {transform_indices = #map}, {transform_indices = #map}]} {
    %mul3A = arith.constant 16 : i32
    %mul3A_0 = arith.muli %arg0, %mul3A : i32
    %add3A = arith.addi %mul3A_0, %arg1 : i32
    %mul3A_1 = arith.constant 632 : i32
    %mul3A_2 = arith.muli %arg1, %mul3A_1 : i32
    %min3A = arith.constant 9368 : i32
    %min3A_3 = arith.minsi %mul3A_2, %min3A : i32
    %multiple_of3A = tpu.assume_multiple %min3A_3, 8 : i32
    "tpu.region"() ({
      %run_scoped3A = tpu.sem_alloc : memref<!tpu.dma_semaphore, #tpu.memory_space<semaphore_mem>>
      %dma_start3A_90 = arith.constant 0 : i32
      %dma_start3A_91 = tpu.memref_slice %arg10[%multiple_of3A, %dma_start3A_90] : memref<10008x128xf32, #tpu.memory_space<vmem_shared>> -> memref<632x128xf32, #tpu.memory_space<vmem_shared>>
      %dma_start3A_92 = arith.constant 0 : i32
      %dma_start3A_93 = tpu.memref_slice %arg5[%multiple_of3A, %dma_start3A_92] : memref<10000x128xf32, #tpu.memory_space<hbm>> -> memref<632x128xf32, #tpu.memory_space<hbm>>
      tpu.enqueue_dma source(%dma_start3A_93 : memref<632x128xf32, #tpu.memory_space<hbm>>) target(%dma_start3A_91 : memref<632x128xf32, #tpu.memory_space<vmem_shared>>) target_semaphore(%run_scoped3A : memref<!tpu.dma_semaphore, #tpu.memory_space<semaphore_mem>>)
      %dma_wait3A_94 = arith.constant 0 : i32
      %dma_wait3A_95 = tpu.memref_slice %arg10[%multiple_of3A, %dma_wait3A_94] : memref<10008x128xf32, #tpu.memory_space<vmem_shared>> -> memref<632x128xf32, #tpu.memory_space<vmem_shared>>
      %dma_wait3A_96 = arith.constant 0 : i32
      %dma_wait3A_97 = tpu.memref_slice %arg5[%multiple_of3A, %dma_wait3A_96] : memref<10000x128xf32, #tpu.memory_space<hbm>> -> memref<632x128xf32, #tpu.memory_space<hbm>>
      tpu.wait_dma2 semaphore(%run_scoped3A : memref<!tpu.dma_semaphore, #tpu.memory_space<semaphore_mem>>) src(%dma_wait3A_97 : memref<632x128xf32, #tpu.memory_space<hbm>>) dst(%dma_wait3A_95 : memref<632x128xf32, #tpu.memory_space<vmem_shared>>)
      tpu.yield
    }) : () -> ()
    %mul3A_4 = arith.constant 80 : i32
    %mul3A_5 = arith.muli %add3A, %mul3A_4 : i32
    %multiple_of3A_6 = tpu.assume_multiple %mul3A_5, 8 : i32
    "tpu.region"() ({
      %run_scoped3A = tpu.sem_alloc : memref<!tpu.dma_semaphore, #tpu.memory_space<semaphore_mem>>
      %dma_start3A_90 = arith.constant 0 : i32
      %dma_start3A_91 = tpu.memref_slice %arg4[%multiple_of3A_6, %dma_start3A_90] : memref<2560x128xi32, #tpu.memory_space<hbm>> -> memref<80x128xi32, #tpu.memory_space<hbm>>
      %dma_start3A_92 = arith.constant 0 : i32
      %dma_start3A_93 = tpu.memref_slice %arg4[%multiple_of3A_6, %dma_start3A_92] : memref<2560x128xi32, #tpu.memory_space<hbm>> -> memref<80x128xi32, #tpu.memory_space<hbm>>
      tpu.enqueue_dma source(%dma_start3A_93 : memref<80x128xi32, #tpu.memory_space<hbm>>) target(%arg8 : memref<80x128xi32, #tpu.memory_space<vmem>>) target_semaphore(%run_scoped3A : memref<!tpu.dma_semaphore, #tpu.memory_space<semaphore_mem>>)
      %dma_wait3A_94 = arith.constant 0 : i32
      %dma_wait3A_95 = tpu.memref_slice %arg4[%multiple_of3A_6, %dma_wait3A_94] : memref<2560x128xi32, #tpu.memory_space<hbm>> -> memref<80x128xi32, #tpu.memory_space<hbm>>
      %dma_wait3A_96 = arith.constant 0 : i32
      %dma_wait3A_97 = tpu.memref_slice %arg4[%multiple_of3A_6, %dma_wait3A_96] : memref<2560x128xi32, #tpu.memory_space<hbm>> -> memref<80x128xi32, #tpu.memory_space<hbm>>
      tpu.wait_dma2 semaphore(%run_scoped3A : memref<!tpu.dma_semaphore, #tpu.memory_space<semaphore_mem>>) src(%dma_wait3A_97 : memref<80x128xi32, #tpu.memory_space<hbm>>) dst(%arg8 : memref<80x128xi32, #tpu.memory_space<vmem>>)
      tpu.yield
    }) : () -> ()
    %barrier3A = arith.constant 0 : index
    tpu.barrier barrier_id(%barrier3A)
    %mul3A_7 = arith.constant 10240 : i32
    %mul3A_8 = arith.muli %add3A, %mul3A_7 : i32
    %add3A_9 = arith.constant 0 : i32
    %add3A_10 = arith.addi %mul3A_8, %add3A_9 : i32
    %min3A_11 = arith.constant 327552 : i32
    %min3A_12 = arith.minsi %add3A_10, %min3A_11 : i32
    %multiple_of3A_13 = tpu.assume_multiple %min3A_12, 8 : i32
    %dma_start3A = arith.constant 0 : i32
    %dma_start3A_14 = arith.constant 0 : i32
    %dma_start3A_15 = tpu.memref_slice %arg7[%dma_start3A, %dma_start3A_14] : memref<2x128xi32, #tpu.memory_space<vmem>> -> memref<1x128xi32, #tpu.memory_space<vmem>>
    %dma_start3A_16 = tpu.memref_squeeze %dma_start3A_15 : memref<1x128xi32, #tpu.memory_space<vmem>> -> memref<128xi32, #tpu.memory_space<vmem>>
    %dma_start3A_17 = tpu.memref_slice %arg3[%multiple_of3A_13] : memref<327680xi32, #tpu.memory_space<hbm>> -> memref<128xi32, #tpu.memory_space<hbm>>
    %dma_start3A_18 = arith.constant 0 : i32
    %dma_start3A_19 = tpu.memref_slice %arg7[%dma_start3A, %dma_start3A_18] : memref<2x128xi32, #tpu.memory_space<vmem>> -> memref<1x128xi32, #tpu.memory_space<vmem>>
    %dma_start3A_20 = tpu.memref_squeeze %dma_start3A_19 : memref<1x128xi32, #tpu.memory_space<vmem>> -> memref<128xi32, #tpu.memory_space<vmem>>
    %dma_start3A_21 = tpu.memref_slice %arg3[%multiple_of3A_13] : memref<327680xi32, #tpu.memory_space<hbm>> -> memref<128xi32, #tpu.memory_space<hbm>>
    tpu.enqueue_dma source(%dma_start3A_21 : memref<128xi32, #tpu.memory_space<hbm>>) target(%dma_start3A_20 : memref<128xi32, #tpu.memory_space<vmem>>) target_semaphore(%arg11 : memref<!tpu.dma_semaphore, #tpu.memory_space<semaphore_mem>>)
    %dma_wait3A = arith.constant 0 : i32
    %dma_wait3A_22 = arith.constant 0 : i32
    %dma_wait3A_23 = tpu.memref_slice %arg7[%dma_wait3A, %dma_wait3A_22] : memref<2x128xi32, #tpu.memory_space<vmem>> -> memref<1x128xi32, #tpu.memory_space<vmem>>
    %dma_wait3A_24 = tpu.memref_squeeze %dma_wait3A_23 : memref<1x128xi32, #tpu.memory_space<vmem>> -> memref<128xi32, #tpu.memory_space<vmem>>
    %dma_wait3A_25 = arith.constant 0 : i32
    %dma_wait3A_26 = tpu.memref_slice %arg3[%dma_wait3A_25] : memref<327680xi32, #tpu.memory_space<hbm>> -> memref<128xi32, #tpu.memory_space<hbm>>
    %dma_wait3A_27 = arith.constant 0 : i32
    %dma_wait3A_28 = tpu.memref_slice %arg7[%dma_wait3A, %dma_wait3A_27] : memref<2x128xi32, #tpu.memory_space<vmem>> -> memref<1x128xi32, #tpu.memory_space<vmem>>
    %dma_wait3A_29 = tpu.memref_squeeze %dma_wait3A_28 : memref<1x128xi32, #tpu.memory_space<vmem>> -> memref<128xi32, #tpu.memory_space<vmem>>
    %dma_wait3A_30 = arith.constant 0 : i32
    %dma_wait3A_31 = tpu.memref_slice %arg3[%dma_wait3A_30] : memref<327680xi32, #tpu.memory_space<hbm>> -> memref<128xi32, #tpu.memory_space<hbm>>
    tpu.wait_dma2 semaphore(%arg11 : memref<!tpu.dma_semaphore, #tpu.memory_space<semaphore_mem>>) src(%dma_wait3A_31 : memref<128xi32, #tpu.memory_space<hbm>>) dst(%dma_wait3A_29 : memref<128xi32, #tpu.memory_space<vmem>>)
    %dma_start3A_32 = arith.constant 0 : i32
    %dma_start3A_33 = arith.constant 0 : i32
    %dma_start3A_34 = arith.constant 0 : i32
    %dma_start3A_35 = arith.constant 0 : i32
    %dma_start3A_36 = tpu.memref_slice %arg9[%dma_start3A_33, %dma_start3A_34, %dma_start3A_35] : memref<2x128x128xf32, #tpu.memory_space<vmem>> -> memref<1x128x128xf32, #tpu.memory_space<vmem>>
    %dma_start3A_37 = tpu.memref_squeeze %dma_start3A_36 : memref<1x128x128xf32, #tpu.memory_space<vmem>> -> memref<128x128xf32, #tpu.memory_space<vmem>>
    %dma_start3A_38 = arith.constant 0 : i32
    %dma_start3A_39 = tpu.memref_slice %arg7[%dma_start3A_32, %dma_start3A_38] : memref<2x128xi32, #tpu.memory_space<vmem>> -> memref<1x128xi32, #tpu.memory_space<vmem>>
    %dma_start3A_40 = tpu.memref_squeeze %dma_start3A_39 : memref<1x128xi32, #tpu.memory_space<vmem>> -> memref<128xi32, #tpu.memory_space<vmem>>
    %dma_start3A_41 = arith.constant 0 : i32
    %dma_start3A_42 = arith.constant 0 : i32
    %dma_start3A_43 = tpu.memref_slice %arg2[%dma_start3A_41, %dma_start3A_42] : memref<10000x128xf32, #tpu.memory_space<hbm>> -> memref<10000x128xf32, #tpu.memory_space<hbm>>
    tpu.enqueue_indirect_dma source(%dma_start3A_43 : memref<10000x128xf32, #tpu.memory_space<hbm>>) target(%dma_start3A_37 : memref<128x128xf32, #tpu.memory_space<vmem>>) offsets(%dma_start3A_40 : memref<128xi32, #tpu.memory_space<vmem>>) semaphore(%arg12 : memref<!tpu.dma_semaphore, #tpu.memory_space<semaphore_mem>>)
    %add3A_44 = arith.constant 128 : i32
    %add3A_45 = arith.addi %mul3A_8, %add3A_44 : i32
    %min3A_46 = arith.constant 327552 : i32
    %min3A_47 = arith.minsi %add3A_45, %min3A_46 : i32
    %multiple_of3A_48 = tpu.assume_multiple %min3A_47, 8 : i32
    %dma_start3A_49 = arith.constant 1 : i32
    %dma_start3A_50 = arith.constant 0 : i32
    %dma_start3A_51 = tpu.memref_slice %arg7[%dma_start3A_49, %dma_start3A_50] : memref<2x128xi32, #tpu.memory_space<vmem>> -> memref<1x128xi32, #tpu.memory_space<vmem>>
    %dma_start3A_52 = tpu.memref_squeeze %dma_start3A_51 : memref<1x128xi32, #tpu.memory_space<vmem>> -> memref<128xi32, #tpu.memory_space<vmem>>
    %dma_start3A_53 = tpu.memref_slice %arg3[%multiple_of3A_48] : memref<327680xi32, #tpu.memory_space<hbm>> -> memref<128xi32, #tpu.memory_space<hbm>>
    %dma_start3A_54 = arith.constant 0 : i32
    %dma_start3A_55 = tpu.memref_slice %arg7[%dma_start3A_49, %dma_start3A_54] : memref<2x128xi32, #tpu.memory_space<vmem>> -> memref<1x128xi32, #tpu.memory_space<vmem>>
    %dma_start3A_56 = tpu.memref_squeeze %dma_start3A_55 : memref<1x128xi32, #tpu.memory_space<vmem>> -> memref<128xi32, #tpu.memory_space<vmem>>
    %dma_start3A_57 = tpu.memref_slice %arg3[%multiple_of3A_48] : memref<327680xi32, #tpu.memory_space<hbm>> -> memref<128xi32, #tpu.memory_space<hbm>>
    tpu.enqueue_dma source(%dma_start3A_57 : memref<128xi32, #tpu.memory_space<hbm>>) target(%dma_start3A_56 : memref<128xi32, #tpu.memory_space<vmem>>) target_semaphore(%arg11 : memref<!tpu.dma_semaphore, #tpu.memory_space<semaphore_mem>>)
    %scan3A = arith.constant 0 : i32
    %scan3A_58 = arith.constant 40 : i32
    %scan3A_59 = arith.addi %scan3A, %scan3A_58 : i32
    %scan3A_60 = arith.constant 1 : i32
    scf.for %scan3A_90 = %scan3A to %scan3A_59 step %scan3A_60  : i32 {
      %mul3A_91 = arith.constant 1 : i32
      %mul3A_92 = arith.muli %scan3A_90, %mul3A_91 : i32
      %add3A_93 = arith.constant 0 : i32
      %add3A_94 = arith.addi %add3A_93, %mul3A_92 : i32
      %mul3A_95 = arith.constant 2 : i32
      %mul3A_96 = arith.muli %add3A_94, %mul3A_95 : i32
      %add3A_97 = arith.constant 0 : i32
      %add3A_98 = arith.addi %mul3A_96, %add3A_97 : i32
      %dma_wait3A_99 = arith.constant 0 : i32
      %dma_wait3A_100 = arith.constant 0 : i32
      %dma_wait3A_101 = arith.constant 0 : i32
      %dma_wait3A_102 = arith.constant 0 : i32
      %dma_wait3A_103 = tpu.memref_slice %arg9[%dma_wait3A_100, %dma_wait3A_101, %dma_wait3A_102] : memref<2x128x128xf32, #tpu.memory_space<vmem>> -> memref<1x128x128xf32, #tpu.memory_space<vmem>>
      %dma_wait3A_104 = tpu.memref_squeeze %dma_wait3A_103 : memref<1x128x128xf32, #tpu.memory_space<vmem>> -> memref<128x128xf32, #tpu.memory_space<vmem>>
      %dma_wait3A_105 = arith.constant 0 : i32
      %dma_wait3A_106 = tpu.memref_slice %arg7[%dma_wait3A_99, %dma_wait3A_105] : memref<2x128xi32, #tpu.memory_space<vmem>> -> memref<1x128xi32, #tpu.memory_space<vmem>>
      %dma_wait3A_107 = tpu.memref_squeeze %dma_wait3A_106 : memref<1x128xi32, #tpu.memory_space<vmem>> -> memref<128xi32, #tpu.memory_space<vmem>>
      %dma_wait3A_108 = arith.constant 0 : i32
      %dma_wait3A_109 = arith.constant 0 : i32
      %dma_wait3A_110 = tpu.memref_slice %arg2[%dma_wait3A_108, %dma_wait3A_109] : memref<10000x128xf32, #tpu.memory_space<hbm>> -> memref<10000x128xf32, #tpu.memory_space<hbm>>
      tpu.wait_indirect_dma semaphore(%arg12 : memref<!tpu.dma_semaphore, #tpu.memory_space<semaphore_mem>>) src(%dma_wait3A_110 : memref<10000x128xf32, #tpu.memory_space<hbm>>) dst(%dma_wait3A_104 : memref<128x128xf32, #tpu.memory_space<vmem>>)
      %dma_wait3A_111 = arith.constant 1 : i32
      %dma_wait3A_112 = arith.constant 0 : i32
      %dma_wait3A_113 = tpu.memref_slice %arg7[%dma_wait3A_111, %dma_wait3A_112] : memref<2x128xi32, #tpu.memory_space<vmem>> -> memref<1x128xi32, #tpu.memory_space<vmem>>
      %dma_wait3A_114 = tpu.memref_squeeze %dma_wait3A_113 : memref<1x128xi32, #tpu.memory_space<vmem>> -> memref<128xi32, #tpu.memory_space<vmem>>
      %dma_wait3A_115 = arith.constant 0 : i32
      %dma_wait3A_116 = tpu.memref_slice %arg3[%dma_wait3A_115] : memref<327680xi32, #tpu.memory_space<hbm>> -> memref<128xi32, #tpu.memory_space<hbm>>
      %dma_wait3A_117 = arith.constant 0 : i32
      %dma_wait3A_118 = tpu.memref_slice %arg7[%dma_wait3A_111, %dma_wait3A_117] : memref<2x128xi32, #tpu.memory_space<vmem>> -> memref<1x128xi32, #tpu.memory_space<vmem>>
      %dma_wait3A_119 = tpu.memref_squeeze %dma_wait3A_118 : memref<1x128xi32, #tpu.memory_space<vmem>> -> memref<128xi32, #tpu.memory_space<vmem>>
      %dma_wait3A_120 = arith.constant 0 : i32
      %dma_wait3A_121 = tpu.memref_slice %arg3[%dma_wait3A_120] : memref<327680xi32, #tpu.memory_space<hbm>> -> memref<128xi32, #tpu.memory_space<hbm>>
      tpu.wait_dma2 semaphore(%arg11 : memref<!tpu.dma_semaphore, #tpu.memory_space<semaphore_mem>>) src(%dma_wait3A_121 : memref<128xi32, #tpu.memory_space<hbm>>) dst(%dma_wait3A_119 : memref<128xi32, #tpu.memory_space<vmem>>)
      %dma_start3A_122 = arith.constant 1 : i32
      %dma_start3A_123 = arith.constant 1 : i32
      %dma_start3A_124 = arith.constant 0 : i32
      %dma_start3A_125 = arith.constant 0 : i32
      %dma_start3A_126 = tpu.memref_slice %arg9[%dma_start3A_123, %dma_start3A_124, %dma_start3A_125] : memref<2x128x128xf32, #tpu.memory_space<vmem>> -> memref<1x128x128xf32, #tpu.memory_space<vmem>>
      %dma_start3A_127 = tpu.memref_squeeze %dma_start3A_126 : memref<1x128x128xf32, #tpu.memory_space<vmem>> -> memref<128x128xf32, #tpu.memory_space<vmem>>
      %dma_start3A_128 = arith.constant 0 : i32
      %dma_start3A_129 = tpu.memref_slice %arg7[%dma_start3A_122, %dma_start3A_128] : memref<2x128xi32, #tpu.memory_space<vmem>> -> memref<1x128xi32, #tpu.memory_space<vmem>>
      %dma_start3A_130 = tpu.memref_squeeze %dma_start3A_129 : memref<1x128xi32, #tpu.memory_space<vmem>> -> memref<128xi32, #tpu.memory_space<vmem>>
      %dma_start3A_131 = arith.constant 0 : i32
      %dma_start3A_132 = arith.constant 0 : i32
      %dma_start3A_133 = tpu.memref_slice %arg2[%dma_start3A_131, %dma_start3A_132] : memref<10000x128xf32, #tpu.memory_space<hbm>> -> memref<10000x128xf32, #tpu.memory_space<hbm>>
      tpu.enqueue_indirect_dma source(%dma_start3A_133 : memref<10000x128xf32, #tpu.memory_space<hbm>>) target(%dma_start3A_127 : memref<128x128xf32, #tpu.memory_space<vmem>>) offsets(%dma_start3A_130 : memref<128xi32, #tpu.memory_space<vmem>>) semaphore(%arg12 : memref<!tpu.dma_semaphore, #tpu.memory_space<semaphore_mem>>)
      %run_scoped3A = arith.constant 0 : i32
      "tpu.region"() ({
        %run_scoped3A_208 = tpu.sem_alloc : memref<!tpu.dma_semaphore, #tpu.memory_space<semaphore_mem>>
        %dma_start3A_209 = arith.constant 0 : i32
        %dma_start3A_210 = arith.constant 0 : i32
        %dma_start3A_211 = tpu.memref_slice %arg9[%run_scoped3A, %dma_start3A_209, %dma_start3A_210] : memref<2x128x128xf32, #tpu.memory_space<vmem>> -> memref<1x128x128xf32, #tpu.memory_space<vmem>>
        %dma_start3A_212 = tpu.memref_squeeze %dma_start3A_211 : memref<1x128x128xf32, #tpu.memory_space<vmem>> -> memref<128x128xf32, #tpu.memory_space<vmem>>
        %dma_start3A_213 = arith.constant 0 : i32
        %dma_start3A_214 = tpu.memref_slice %arg8[%add3A_98, %dma_start3A_213] : memref<80x128xi32, #tpu.memory_space<vmem>> -> memref<1x128xi32, #tpu.memory_space<vmem>>
        %dma_start3A_215 = tpu.memref_squeeze %dma_start3A_214 : memref<1x128xi32, #tpu.memory_space<vmem>> -> memref<128xi32, #tpu.memory_space<vmem>>
        %dma_start3A_216 = arith.constant 0 : i32
        %dma_start3A_217 = arith.constant 0 : i32
        %dma_start3A_218 = tpu.memref_slice %arg10[%dma_start3A_216, %dma_start3A_217] : memref<10008x128xf32, #tpu.memory_space<vmem_shared>> -> memref<10008x128xf32, #tpu.memory_space<vmem_shared>>
        tpu.enqueue_indirect_dma source(%dma_start3A_212 : memref<128x128xf32, #tpu.memory_space<vmem>>) target(%dma_start3A_218 : memref<10008x128xf32, #tpu.memory_space<vmem_shared>>) offsets(%dma_start3A_215 : memref<128xi32, #tpu.memory_space<vmem>>) semaphore(%run_scoped3A_208 : memref<!tpu.dma_semaphore, #tpu.memory_space<semaphore_mem>>) {add = true}
        %dma_wait3A_219 = arith.constant 0 : i32
        %dma_wait3A_220 = arith.constant 0 : i32
        %dma_wait3A_221 = tpu.memref_slice %arg9[%run_scoped3A, %dma_wait3A_219, %dma_wait3A_220] : memref<2x128x128xf32, #tpu.memory_space<vmem>> -> memref<1x128x128xf32, #tpu.memory_space<vmem>>
        %dma_wait3A_222 = tpu.memref_squeeze %dma_wait3A_221 : memref<1x128x128xf32, #tpu.memory_space<vmem>> -> memref<128x128xf32, #tpu.memory_space<vmem>>
        %dma_wait3A_223 = arith.constant 0 : i32
        %dma_wait3A_224 = tpu.memref_slice %arg8[%add3A_98, %dma_wait3A_223] : memref<80x128xi32, #tpu.memory_space<vmem>> -> memref<1x128xi32, #tpu.memory_space<vmem>>
        %dma_wait3A_225 = tpu.memref_squeeze %dma_wait3A_224 : memref<1x128xi32, #tpu.memory_space<vmem>> -> memref<128xi32, #tpu.memory_space<vmem>>
        %dma_wait3A_226 = arith.constant 0 : i32
        %dma_wait3A_227 = arith.constant 0 : i32
        %dma_wait3A_228 = tpu.memref_slice %arg10[%dma_wait3A_226, %dma_wait3A_227] : memref<10008x128xf32, #tpu.memory_space<vmem_shared>> -> memref<10008x128xf32, #tpu.memory_space<vmem_shared>>
        tpu.wait_indirect_dma semaphore(%run_scoped3A_208 : memref<!tpu.dma_semaphore, #tpu.memory_space<semaphore_mem>>) src(%dma_wait3A_222 : memref<128x128xf32, #tpu.memory_space<vmem>>) dst(%dma_wait3A_228 : memref<10008x128xf32, #tpu.memory_space<vmem_shared>>)
        tpu.yield
      }) : () -> ()
      %add3A_134 = arith.constant 2 : i32
      %add3A_135 = arith.addi %add3A_98, %add3A_134 : i32
      %mul3A_136 = arith.constant 128 : i32
      %mul3A_137 = arith.muli %add3A_135, %mul3A_136 : i32
      %add3A_138 = arith.addi %mul3A_8, %mul3A_137 : i32
      %min3A_139 = arith.constant 327552 : i32
      %min3A_140 = arith.minsi %add3A_138, %min3A_139 : i32
      %multiple_of3A_141 = tpu.assume_multiple %min3A_140, 8 : i32
      %dma_start3A_142 = arith.constant 0 : i32
      %dma_start3A_143 = arith.constant 0 : i32
      %dma_start3A_144 = tpu.memref_slice %arg7[%dma_start3A_142, %dma_start3A_143] : memref<2x128xi32, #tpu.memory_space<vmem>> -> memref<1x128xi32, #tpu.memory_space<vmem>>
      %dma_start3A_145 = tpu.memref_squeeze %dma_start3A_144 : memref<1x128xi32, #tpu.memory_space<vmem>> -> memref<128xi32, #tpu.memory_space<vmem>>
      %dma_start3A_146 = tpu.memref_slice %arg3[%multiple_of3A_141] : memref<327680xi32, #tpu.memory_space<hbm>> -> memref<128xi32, #tpu.memory_space<hbm>>
      %dma_start3A_147 = arith.constant 0 : i32
      %dma_start3A_148 = tpu.memref_slice %arg7[%dma_start3A_142, %dma_start3A_147] : memref<2x128xi32, #tpu.memory_space<vmem>> -> memref<1x128xi32, #tpu.memory_space<vmem>>
      %dma_start3A_149 = tpu.memref_squeeze %dma_start3A_148 : memref<1x128xi32, #tpu.memory_space<vmem>> -> memref<128xi32, #tpu.memory_space<vmem>>
      %dma_start3A_150 = tpu.memref_slice %arg3[%multiple_of3A_141] : memref<327680xi32, #tpu.memory_space<hbm>> -> memref<128xi32, #tpu.memory_space<hbm>>
      tpu.enqueue_dma source(%dma_start3A_150 : memref<128xi32, #tpu.memory_space<hbm>>) target(%dma_start3A_149 : memref<128xi32, #tpu.memory_space<vmem>>) target_semaphore(%arg11 : memref<!tpu.dma_semaphore, #tpu.memory_space<semaphore_mem>>)
      %mul3A_151 = arith.constant 2 : i32
      %mul3A_152 = arith.muli %add3A_94, %mul3A_151 : i32
      %add3A_153 = arith.constant 1 : i32
      %add3A_154 = arith.addi %mul3A_152, %add3A_153 : i32
      %dma_wait3A_155 = arith.constant 1 : i32
      %dma_wait3A_156 = arith.constant 1 : i32
      %dma_wait3A_157 = arith.constant 0 : i32
      %dma_wait3A_158 = arith.constant 0 : i32
      %dma_wait3A_159 = tpu.memref_slice %arg9[%dma_wait3A_156, %dma_wait3A_157, %dma_wait3A_158] : memref<2x128x128xf32, #tpu.memory_space<vmem>> -> memref<1x128x128xf32, #tpu.memory_space<vmem>>
      %dma_wait3A_160 = tpu.memref_squeeze %dma_wait3A_159 : memref<1x128x128xf32, #tpu.memory_space<vmem>> -> memref<128x128xf32, #tpu.memory_space<vmem>>
      %dma_wait3A_161 = arith.constant 0 : i32
      %dma_wait3A_162 = tpu.memref_slice %arg7[%dma_wait3A_155, %dma_wait3A_161] : memref<2x128xi32, #tpu.memory_space<vmem>> -> memref<1x128xi32, #tpu.memory_space<vmem>>
      %dma_wait3A_163 = tpu.memref_squeeze %dma_wait3A_162 : memref<1x128xi32, #tpu.memory_space<vmem>> -> memref<128xi32, #tpu.memory_space<vmem>>
      %dma_wait3A_164 = arith.constant 0 : i32
      %dma_wait3A_165 = arith.constant 0 : i32
      %dma_wait3A_166 = tpu.memref_slice %arg2[%dma_wait3A_164, %dma_wait3A_165] : memref<10000x128xf32, #tpu.memory_space<hbm>> -> memref<10000x128xf32, #tpu.memory_space<hbm>>
      tpu.wait_indirect_dma semaphore(%arg12 : memref<!tpu.dma_semaphore, #tpu.memory_space<semaphore_mem>>) src(%dma_wait3A_166 : memref<10000x128xf32, #tpu.memory_space<hbm>>) dst(%dma_wait3A_160 : memref<128x128xf32, #tpu.memory_space<vmem>>)
      %dma_wait3A_167 = arith.constant 0 : i32
      %dma_wait3A_168 = arith.constant 0 : i32
      %dma_wait3A_169 = tpu.memref_slice %arg7[%dma_wait3A_167, %dma_wait3A_168] : memref<2x128xi32, #tpu.memory_space<vmem>> -> memref<1x128xi32, #tpu.memory_space<vmem>>
      %dma_wait3A_170 = tpu.memref_squeeze %dma_wait3A_169 : memref<1x128xi32, #tpu.memory_space<vmem>> -> memref<128xi32, #tpu.memory_space<vmem>>
      %dma_wait3A_171 = arith.constant 0 : i32
      %dma_wait3A_172 = tpu.memref_slice %arg3[%dma_wait3A_171] : memref<327680xi32, #tpu.memory_space<hbm>> -> memref<128xi32, #tpu.memory_space<hbm>>
      %dma_wait3A_173 = arith.constant 0 : i32
      %dma_wait3A_174 = tpu.memref_slice %arg7[%dma_wait3A_167, %dma_wait3A_173] : memref<2x128xi32, #tpu.memory_space<vmem>> -> memref<1x128xi32, #tpu.memory_space<vmem>>
      %dma_wait3A_175 = tpu.memref_squeeze %dma_wait3A_174 : memref<1x128xi32, #tpu.memory_space<vmem>> -> memref<128xi32, #tpu.memory_space<vmem>>
      %dma_wait3A_176 = arith.constant 0 : i32
      %dma_wait3A_177 = tpu.memref_slice %arg3[%dma_wait3A_176] : memref<327680xi32, #tpu.memory_space<hbm>> -> memref<128xi32, #tpu.memory_space<hbm>>
      tpu.wait_dma2 semaphore(%arg11 : memref<!tpu.dma_semaphore, #tpu.memory_space<semaphore_mem>>) src(%dma_wait3A_177 : memref<128xi32, #tpu.memory_space<hbm>>) dst(%dma_wait3A_175 : memref<128xi32, #tpu.memory_space<vmem>>)
      %dma_start3A_178 = arith.constant 0 : i32
      %dma_start3A_179 = arith.constant 0 : i32
      %dma_start3A_180 = arith.constant 0 : i32
      %dma_start3A_181 = arith.constant 0 : i32
      %dma_start3A_182 = tpu.memref_slice %arg9[%dma_start3A_179, %dma_start3A_180, %dma_start3A_181] : memref<2x128x128xf32, #tpu.memory_space<vmem>> -> memref<1x128x128xf32, #tpu.memory_space<vmem>>
      %dma_start3A_183 = tpu.memref_squeeze %dma_start3A_182 : memref<1x128x128xf32, #tpu.memory_space<vmem>> -> memref<128x128xf32, #tpu.memory_space<vmem>>
      %dma_start3A_184 = arith.constant 0 : i32
      %dma_start3A_185 = tpu.memref_slice %arg7[%dma_start3A_178, %dma_start3A_184] : memref<2x128xi32, #tpu.memory_space<vmem>> -> memref<1x128xi32, #tpu.memory_space<vmem>>
      %dma_start3A_186 = tpu.memref_squeeze %dma_start3A_185 : memref<1x128xi32, #tpu.memory_space<vmem>> -> memref<128xi32, #tpu.memory_space<vmem>>
      %dma_start3A_187 = arith.constant 0 : i32
      %dma_start3A_188 = arith.constant 0 : i32
      %dma_start3A_189 = tpu.memref_slice %arg2[%dma_start3A_187, %dma_start3A_188] : memref<10000x128xf32, #tpu.memory_space<hbm>> -> memref<10000x128xf32, #tpu.memory_space<hbm>>
      tpu.enqueue_indirect_dma source(%dma_start3A_189 : memref<10000x128xf32, #tpu.memory_space<hbm>>) target(%dma_start3A_183 : memref<128x128xf32, #tpu.memory_space<vmem>>) offsets(%dma_start3A_186 : memref<128xi32, #tpu.memory_space<vmem>>) semaphore(%arg12 : memref<!tpu.dma_semaphore, #tpu.memory_space<semaphore_mem>>)
      %run_scoped3A_190 = arith.constant 1 : i32
      "tpu.region"() ({
        %run_scoped3A_208 = tpu.sem_alloc : memref<!tpu.dma_semaphore, #tpu.memory_space<semaphore_mem>>
        %dma_start3A_209 = arith.constant 0 : i32
        %dma_start3A_210 = arith.constant 0 : i32
        %dma_start3A_211 = tpu.memref_slice %arg9[%run_scoped3A_190, %dma_start3A_209, %dma_start3A_210] : memref<2x128x128xf32, #tpu.memory_space<vmem>> -> memref<1x128x128xf32, #tpu.memory_space<vmem>>
        %dma_start3A_212 = tpu.memref_squeeze %dma_start3A_211 : memref<1x128x128xf32, #tpu.memory_space<vmem>> -> memref<128x128xf32, #tpu.memory_space<vmem>>
        %dma_start3A_213 = arith.constant 0 : i32
        %dma_start3A_214 = tpu.memref_slice %arg8[%add3A_154, %dma_start3A_213] : memref<80x128xi32, #tpu.memory_space<vmem>> -> memref<1x128xi32, #tpu.memory_space<vmem>>
        %dma_start3A_215 = tpu.memref_squeeze %dma_start3A_214 : memref<1x128xi32, #tpu.memory_space<vmem>> -> memref<128xi32, #tpu.memory_space<vmem>>
        %dma_start3A_216 = arith.constant 0 : i32
        %dma_start3A_217 = arith.constant 0 : i32
        %dma_start3A_218 = tpu.memref_slice %arg10[%dma_start3A_216, %dma_start3A_217] : memref<10008x128xf32, #tpu.memory_space<vmem_shared>> -> memref<10008x128xf32, #tpu.memory_space<vmem_shared>>
        tpu.enqueue_indirect_dma source(%dma_start3A_212 : memref<128x128xf32, #tpu.memory_space<vmem>>) target(%dma_start3A_218 : memref<10008x128xf32, #tpu.memory_space<vmem_shared>>) offsets(%dma_start3A_215 : memref<128xi32, #tpu.memory_space<vmem>>) semaphore(%run_scoped3A_208 : memref<!tpu.dma_semaphore, #tpu.memory_space<semaphore_mem>>) {add = true}
        %dma_wait3A_219 = arith.constant 0 : i32
        %dma_wait3A_220 = arith.constant 0 : i32
        %dma_wait3A_221 = tpu.memref_slice %arg9[%run_scoped3A_190, %dma_wait3A_219, %dma_wait3A_220] : memref<2x128x128xf32, #tpu.memory_space<vmem>> -> memref<1x128x128xf32, #tpu.memory_space<vmem>>
        %dma_wait3A_222 = tpu.memref_squeeze %dma_wait3A_221 : memref<1x128x128xf32, #tpu.memory_space<vmem>> -> memref<128x128xf32, #tpu.memory_space<vmem>>
        %dma_wait3A_223 = arith.constant 0 : i32
        %dma_wait3A_224 = tpu.memref_slice %arg8[%add3A_154, %dma_wait3A_223] : memref<80x128xi32, #tpu.memory_space<vmem>> -> memref<1x128xi32, #tpu.memory_space<vmem>>
        %dma_wait3A_225 = tpu.memref_squeeze %dma_wait3A_224 : memref<1x128xi32, #tpu.memory_space<vmem>> -> memref<128xi32, #tpu.memory_space<vmem>>
        %dma_wait3A_226 = arith.constant 0 : i32
        %dma_wait3A_227 = arith.constant 0 : i32
        %dma_wait3A_228 = tpu.memref_slice %arg10[%dma_wait3A_226, %dma_wait3A_227] : memref<10008x128xf32, #tpu.memory_space<vmem_shared>> -> memref<10008x128xf32, #tpu.memory_space<vmem_shared>>
        tpu.wait_indirect_dma semaphore(%run_scoped3A_208 : memref<!tpu.dma_semaphore, #tpu.memory_space<semaphore_mem>>) src(%dma_wait3A_222 : memref<128x128xf32, #tpu.memory_space<vmem>>) dst(%dma_wait3A_228 : memref<10008x128xf32, #tpu.memory_space<vmem_shared>>)
        tpu.yield
      }) : () -> ()
      %add3A_191 = arith.constant 2 : i32
      %add3A_192 = arith.addi %add3A_154, %add3A_191 : i32
      %mul3A_193 = arith.constant 128 : i32
      %mul3A_194 = arith.muli %add3A_192, %mul3A_193 : i32
      %add3A_195 = arith.addi %mul3A_8, %mul3A_194 : i32
      %min3A_196 = arith.constant 327552 : i32
      %min3A_197 = arith.minsi %add3A_195, %min3A_196 : i32
      %multiple_of3A_198 = tpu.assume_multiple %min3A_197, 8 : i32
      %dma_start3A_199 = arith.constant 1 : i32
      %dma_start3A_200 = arith.constant 0 : i32
      %dma_start3A_201 = tpu.memref_slice %arg7[%dma_start3A_199, %dma_start3A_200] : memref<2x128xi32, #tpu.memory_space<vmem>> -> memref<1x128xi32, #tpu.memory_space<vmem>>
      %dma_start3A_202 = tpu.memref_squeeze %dma_start3A_201 : memref<1x128xi32, #tpu.memory_space<vmem>> -> memref<128xi32, #tpu.memory_space<vmem>>
      %dma_start3A_203 = tpu.memref_slice %arg3[%multiple_of3A_198] : memref<327680xi32, #tpu.memory_space<hbm>> -> memref<128xi32, #tpu.memory_space<hbm>>
      %dma_start3A_204 = arith.constant 0 : i32
      %dma_start3A_205 = tpu.memref_slice %arg7[%dma_start3A_199, %dma_start3A_204] : memref<2x128xi32, #tpu.memory_space<vmem>> -> memref<1x128xi32, #tpu.memory_space<vmem>>
      %dma_start3A_206 = tpu.memref_squeeze %dma_start3A_205 : memref<1x128xi32, #tpu.memory_space<vmem>> -> memref<128xi32, #tpu.memory_space<vmem>>
      %dma_start3A_207 = tpu.memref_slice %arg3[%multiple_of3A_198] : memref<327680xi32, #tpu.memory_space<hbm>> -> memref<128xi32, #tpu.memory_space<hbm>>
      tpu.enqueue_dma source(%dma_start3A_207 : memref<128xi32, #tpu.memory_space<hbm>>) target(%dma_start3A_206 : memref<128xi32, #tpu.memory_space<vmem>>) target_semaphore(%arg11 : memref<!tpu.dma_semaphore, #tpu.memory_space<semaphore_mem>>)
    }
    %scan3A_61 = arith.constant 40 : i32
    %dma_wait3A_62 = arith.constant 0 : i32
    %dma_wait3A_63 = arith.constant 0 : i32
    %dma_wait3A_64 = arith.constant 0 : i32
    %dma_wait3A_65 = arith.constant 0 : i32
    %dma_wait3A_66 = tpu.memref_slice %arg9[%dma_wait3A_63, %dma_wait3A_64, %dma_wait3A_65] : memref<2x128x128xf32, #tpu.memory_space<vmem>> -> memref<1x128x128xf32, #tpu.memory_space<vmem>>
    %dma_wait3A_67 = tpu.memref_squeeze %dma_wait3A_66 : memref<1x128x128xf32, #tpu.memory_space<vmem>> -> memref<128x128xf32, #tpu.memory_space<vmem>>
    %dma_wait3A_68 = arith.constant 0 : i32
    %dma_wait3A_69 = tpu.memref_slice %arg7[%dma_wait3A_62, %dma_wait3A_68] : memref<2x128xi32, #tpu.memory_space<vmem>> -> memref<1x128xi32, #tpu.memory_space<vmem>>
    %dma_wait3A_70 = tpu.memref_squeeze %dma_wait3A_69 : memref<1x128xi32, #tpu.memory_space<vmem>> -> memref<128xi32, #tpu.memory_space<vmem>>
    %dma_wait3A_71 = arith.constant 0 : i32
    %dma_wait3A_72 = arith.constant 0 : i32
    %dma_wait3A_73 = tpu.memref_slice %arg2[%dma_wait3A_71, %dma_wait3A_72] : memref<10000x128xf32, #tpu.memory_space<hbm>> -> memref<10000x128xf32, #tpu.memory_space<hbm>>
    tpu.wait_indirect_dma semaphore(%arg12 : memref<!tpu.dma_semaphore, #tpu.memory_space<semaphore_mem>>) src(%dma_wait3A_73 : memref<10000x128xf32, #tpu.memory_space<hbm>>) dst(%dma_wait3A_67 : memref<128x128xf32, #tpu.memory_space<vmem>>)
    %dma_wait3A_74 = arith.constant 1 : i32
    %dma_wait3A_75 = arith.constant 0 : i32
    %dma_wait3A_76 = tpu.memref_slice %arg7[%dma_wait3A_74, %dma_wait3A_75] : memref<2x128xi32, #tpu.memory_space<vmem>> -> memref<1x128xi32, #tpu.memory_space<vmem>>
    %dma_wait3A_77 = tpu.memref_squeeze %dma_wait3A_76 : memref<1x128xi32, #tpu.memory_space<vmem>> -> memref<128xi32, #tpu.memory_space<vmem>>
    %dma_wait3A_78 = arith.constant 0 : i32
    %dma_wait3A_79 = tpu.memref_slice %arg3[%dma_wait3A_78] : memref<327680xi32, #tpu.memory_space<hbm>> -> memref<128xi32, #tpu.memory_space<hbm>>
    %dma_wait3A_80 = arith.constant 0 : i32
    %dma_wait3A_81 = tpu.memref_slice %arg7[%dma_wait3A_74, %dma_wait3A_80] : memref<2x128xi32, #tpu.memory_space<vmem>> -> memref<1x128xi32, #tpu.memory_space<vmem>>
    %dma_wait3A_82 = tpu.memref_squeeze %dma_wait3A_81 : memref<1x128xi32, #tpu.memory_space<vmem>> -> memref<128xi32, #tpu.memory_space<vmem>>
    %dma_wait3A_83 = arith.constant 0 : i32
    %dma_wait3A_84 = tpu.memref_slice %arg3[%dma_wait3A_83] : memref<327680xi32, #tpu.memory_space<hbm>> -> memref<128xi32, #tpu.memory_space<hbm>>
    tpu.wait_dma2 semaphore(%arg11 : memref<!tpu.dma_semaphore, #tpu.memory_space<semaphore_mem>>) src(%dma_wait3A_84 : memref<128xi32, #tpu.memory_space<hbm>>) dst(%dma_wait3A_82 : memref<128xi32, #tpu.memory_space<vmem>>)
    %barrier3A_85 = arith.constant 0 : index
    tpu.barrier barrier_id(%barrier3A_85)
    %mul3A_86 = arith.constant 10000 : i32
    %mul3A_87 = arith.muli %arg0, %mul3A_86 : i32
    %add3A_88 = arith.addi %mul3A_87, %multiple_of3A : i32
    %multiple_of3A_89 = tpu.assume_multiple %add3A_88, 8 : i32
    "tpu.region"() ({
      %run_scoped3A = tpu.sem_alloc : memref<!tpu.dma_semaphore, #tpu.memory_space<semaphore_mem>>
      %dma_start3A_90 = arith.constant 0 : i32
      %dma_start3A_91 = tpu.memref_slice %arg6[%multiple_of3A_89, %dma_start3A_90] : memref<20000x128xf32, #tpu.memory_space<hbm>> -> memref<632x128xf32, #tpu.memory_space<hbm>>
      %dma_start3A_92 = arith.constant 0 : i32
      %dma_start3A_93 = tpu.memref_slice %arg10[%multiple_of3A, %dma_start3A_92] : memref<10008x128xf32, #tpu.memory_space<vmem_shared>> -> memref<632x128xf32, #tpu.memory_space<vmem_shared>>
      tpu.enqueue_dma source(%dma_start3A_93 : memref<632x128xf32, #tpu.memory_space<vmem_shared>>) target(%dma_start3A_91 : memref<632x128xf32, #tpu.memory_space<hbm>>) target_semaphore(%run_scoped3A : memref<!tpu.dma_semaphore, #tpu.memory_space<semaphore_mem>>)
      %dma_wait3A_94 = arith.constant 0 : i32
      %dma_wait3A_95 = tpu.memref_slice %arg6[%multiple_of3A_89, %dma_wait3A_94] : memref<20000x128xf32, #tpu.memory_space<hbm>> -> memref<632x128xf32, #tpu.memory_space<hbm>>
      %dma_wait3A_96 = arith.constant 0 : i32
      %dma_wait3A_97 = tpu.memref_slice %arg10[%multiple_of3A, %dma_wait3A_96] : memref<10008x128xf32, #tpu.memory_space<vmem_shared>> -> memref<632x128xf32, #tpu.memory_space<vmem_shared>>
      tpu.wait_dma2 semaphore(%run_scoped3A : memref<!tpu.dma_semaphore, #tpu.memory_space<semaphore_mem>>) src(%dma_wait3A_97 : memref<632x128xf32, #tpu.memory_space<vmem_shared>>) dst(%dma_wait3A_95 : memref<632x128xf32, #tpu.memory_space<hbm>>)
      tpu.yield
    }) : () -> ()
    return
  }
}

module attributes {stable_mosaic.version = 14 : i64} {
  func.func @_tc_in_body(%arg0: memref<10000x128xf32, #tpu.memory_space<vmem>>, %arg1: memref<128x128xf32, #tpu.memory_space<vmem>>, %arg2: memref<128x128xf32, #tpu.memory_space<vmem>>, %arg3: memref<1x128xf32, #tpu.memory_space<vmem>>, %arg4: memref<10000x128xf32, #tpu.memory_space<vmem>>, %arg5: memref<10000x128xf32, #tpu.memory_space<vmem>>) attributes {dimension_semantics = [], scalar_prefetch = 0 : i64, scratch_operands = 0 : i64, tpu.core_type = #tpu.core_type<tc>} {
    %get3A = arith.constant 0 : index
    %get3A_0 = arith.constant 0 : index
    %get3A_1 = vector.load %arg0[%get3A, %get3A_0] : memref<10000x128xf32, #tpu.memory_space<vmem>>, vector<10000x128xf32>
    %get3A_2 = arith.constant 0 : index
    %get3A_3 = arith.constant 0 : index
    %get3A_4 = vector.load %arg1[%get3A_2, %get3A_3] : memref<128x128xf32, #tpu.memory_space<vmem>>, vector<128x128xf32>
    %dot_general3A = arith.constant dense<0.000000e+00> : vector<10000x128xf32>
    %dot_general3A_5 = tpu.matmul %get3A_1, %get3A_4, %dot_general3A {dimension_numbers = #tpu.dot_dimension_numbers<[1], [0], [0], [1], [0, 0, 1, 1], [], []>, transpose_lhs_hint = false} : vector<10000x128xf32>, vector<128x128xf32>, vector<10000x128xf32> -> vector<10000x128xf32>
    %swap3A = arith.constant 0 : index
    %swap3A_6 = arith.constant 0 : index
    %swap3A_7 = vector.load %arg4[%swap3A, %swap3A_6] : memref<10000x128xf32, #tpu.memory_space<vmem>>, vector<10000x128xf32>
    tpu.vector_store %arg4[%swap3A, %swap3A_6], %dot_general3A_5 {strides = array<i32>} : memref<10000x128xf32, #tpu.memory_space<vmem>>, vector<10000x128xf32>,
    %get3A_8 = arith.constant 0 : index
    %get3A_9 = arith.constant 0 : index
    %get3A_10 = vector.load %arg2[%get3A_8, %get3A_9] : memref<128x128xf32, #tpu.memory_space<vmem>>, vector<128x128xf32>
    %dot_general3A_11 = arith.constant dense<0.000000e+00> : vector<10000x128xf32>
    %dot_general3A_12 = tpu.matmul %get3A_1, %get3A_10, %dot_general3A_11 {dimension_numbers = #tpu.dot_dimension_numbers<[1], [0], [0], [1], [0, 0, 1, 1], [], []>, transpose_lhs_hint = false} : vector<10000x128xf32>, vector<128x128xf32>, vector<10000x128xf32> -> vector<10000x128xf32>
    %get3A_13 = arith.constant 0 : index
    %get3A_14 = arith.constant 0 : index
    %get3A_15 = vector.load %arg3[%get3A_13, %get3A_14] : memref<1x128xf32, #tpu.memory_space<vmem>>, vector<1x128xf32>
    %add3A = vector.broadcast %get3A_15 : vector<1x128xf32> to vector<10000x128xf32>
    %add3A_16 = arith.addf %dot_general3A_12, %add3A : vector<10000x128xf32>
    %swap3A_17 = arith.constant 0 : index
    %swap3A_18 = arith.constant 0 : index
    %swap3A_19 = vector.load %arg5[%swap3A_17, %swap3A_18] : memref<10000x128xf32, #tpu.memory_space<vmem>>, vector<10000x128xf32>
    tpu.vector_store %arg5[%swap3A_17, %swap3A_18], %add3A_16 {strides = array<i32>} : memref<10000x128xf32, #tpu.memory_space<vmem>>, vector<10000x128xf32>,
    return
  }
}

module attributes {stable_mosaic.version = 14 : i64} {
  func.func @_tc_mid_body(%arg0: memref<20000x128xf32, #tpu.memory_space<vmem>>, %arg1: memref<2x10240x1xf32, #tpu.memory_space<vmem>>, %arg2: memref<10000x128xf32, #tpu.memory_space<vmem>>, %arg3: memref<1x128xf32, #tpu.memory_space<vmem>>, %arg4: memref<1x128xf32, #tpu.memory_space<vmem>>, %arg5: memref<128x128xf32, #tpu.memory_space<vmem>>, %arg6: memref<128x128xf32, #tpu.memory_space<vmem>>, %arg7: memref<1x128xf32, #tpu.memory_space<vmem>>, %arg8: memref<10000x128xf32, #tpu.memory_space<vmem>>, %arg9: memref<10000x128xf32, #tpu.memory_space<vmem>>) attributes {dimension_semantics = [], scalar_prefetch = 0 : i64, scratch_operands = 0 : i64, tpu.core_type = #tpu.core_type<tc>} {
    %get3A = arith.constant 0 : index
    %get3A_0 = arith.constant 0 : index
    %get3A_1 = arith.constant 0 : index
    %get3A_2 = vector.load %arg1[%get3A, %get3A_0, %get3A_1] : memref<2x10240x1xf32, #tpu.memory_space<vmem>>, vector<1x10000x1xf32>
    %get3A_3 = vector.shape_cast %get3A_2 : vector<1x10000x1xf32> to vector<10000x1xf32>
    %get3A_4 = arith.constant 1 : index
    %get3A_5 = arith.constant 0 : index
    %get3A_6 = arith.constant 0 : index
    %get3A_7 = vector.load %arg1[%get3A_4, %get3A_5, %get3A_6] : memref<2x10240x1xf32, #tpu.memory_space<vmem>>, vector<1x10000x1xf32>
    %get3A_8 = vector.shape_cast %get3A_7 : vector<1x10000x1xf32> to vector<10000x1xf32>
    %add3A = arith.addf %get3A_3, %get3A_8 : vector<10000x1xf32>
    %max3A = arith.constant 1.000000e+00 : f32
    %max3A_9 = vector.broadcast %max3A : f32 to vector<10000x1xf32>
    %max3A_10 = arith.maximumf %add3A, %max3A_9 : vector<10000x1xf32>
    %div3A = arith.constant 1.000000e+00 : f32
    %div3A_11 = vector.broadcast %div3A : f32 to vector<10000x1xf32>
    %div3A_12 = arith.divf %div3A_11, %max3A_10 : vector<10000x1xf32>
    %get3A_13 = arith.constant 0 : index
    %get3A_14 = arith.constant 0 : index
    %get3A_15 = vector.load %arg0[%get3A_13, %get3A_14] : memref<20000x128xf32, #tpu.memory_space<vmem>>, vector<10000x128xf32>
    %get3A_16 = arith.constant 10000 : index
    %get3A_17 = arith.constant 0 : index
    %get3A_18 = vector.load %arg0[%get3A_16, %get3A_17] : memref<20000x128xf32, #tpu.memory_space<vmem>>, vector<10000x128xf32>
    %add3A_19 = arith.addf %get3A_15, %get3A_18 : vector<10000x128xf32>
    %mul3A = vector.broadcast %div3A_12 : vector<10000x1xf32> to vector<10000x128xf32>
    %mul3A_20 = arith.mulf %add3A_19, %mul3A : vector<10000x128xf32>
    %get3A_21 = arith.constant 0 : index
    %get3A_22 = arith.constant 0 : index
    %get3A_23 = vector.load %arg2[%get3A_21, %get3A_22] : memref<10000x128xf32, #tpu.memory_space<vmem>>, vector<10000x128xf32>
    %add3A_24 = arith.addf %mul3A_20, %get3A_23 : vector<10000x128xf32>
    %reduce_sum3A = arith.constant dense<0.000000e+00> : vector<128xf32>
    %reduce_sum3A_25 = vector.multi_reduction <add>, %add3A_24, %reduce_sum3A [0] : vector<10000x128xf32> to vector<128xf32>
    %broadcast_in_dim3A = vector.shape_cast %reduce_sum3A_25 : vector<128xf32> to vector<1x128xf32>
    %div3A_26 = arith.constant 1.000000e+04 : f32
    %div3A_27 = vector.broadcast %div3A_26 : f32 to vector<1x128xf32>
    %div3A_28 = arith.divf %broadcast_in_dim3A, %div3A_27 : vector<1x128xf32>
    %sub3A = vector.broadcast %div3A_28 : vector<1x128xf32> to vector<10000x128xf32>
    %sub3A_29 = arith.subf %add3A_24, %sub3A : vector<10000x128xf32>
    %mul3A_30 = arith.mulf %sub3A_29, %sub3A_29 : vector<10000x128xf32>
    %reduce_sum3A_31 = arith.constant dense<0.000000e+00> : vector<128xf32>
    %reduce_sum3A_32 = vector.multi_reduction <add>, %mul3A_30, %reduce_sum3A_31 [0] : vector<10000x128xf32> to vector<128xf32>
    %broadcast_in_dim3A_33 = vector.shape_cast %reduce_sum3A_32 : vector<128xf32> to vector<1x128xf32>
    %div3A_34 = arith.constant 1.000000e+04 : f32
    %div3A_35 = vector.broadcast %div3A_34 : f32 to vector<1x128xf32>
    %div3A_36 = arith.divf %broadcast_in_dim3A_33, %div3A_35 : vector<1x128xf32>
    %get3A_37 = arith.constant 0 : index
    %get3A_38 = arith.constant 0 : index
    %get3A_39 = vector.load %arg3[%get3A_37, %get3A_38] : memref<1x128xf32, #tpu.memory_space<vmem>>, vector<1x128xf32>
    %mul3A_40 = vector.broadcast %get3A_39 : vector<1x128xf32> to vector<10000x128xf32>
    %mul3A_41 = arith.mulf %mul3A_40, %sub3A_29 : vector<10000x128xf32>
    %add3A_42 = arith.constant 9.99999974E-6 : f32
    %add3A_43 = vector.broadcast %add3A_42 : f32 to vector<1x128xf32>
    %add3A_44 = arith.addf %div3A_36, %add3A_43 : vector<1x128xf32>
    %rsqrt3A = math.rsqrt %add3A_44 : vector<1x128xf32>
    %mul3A_45 = vector.broadcast %rsqrt3A : vector<1x128xf32> to vector<10000x128xf32>
    %mul3A_46 = arith.mulf %mul3A_41, %mul3A_45 : vector<10000x128xf32>
    %get3A_47 = arith.constant 0 : index
    %get3A_48 = arith.constant 0 : index
    %get3A_49 = vector.load %arg4[%get3A_47, %get3A_48] : memref<1x128xf32, #tpu.memory_space<vmem>>, vector<1x128xf32>
    %add3A_50 = vector.broadcast %get3A_49 : vector<1x128xf32> to vector<10000x128xf32>
    %add3A_51 = arith.addf %mul3A_46, %add3A_50 : vector<10000x128xf32>
    %max3A_52 = arith.constant 0.000000e+00 : f32
    %max3A_53 = vector.broadcast %max3A_52 : f32 to vector<10000x128xf32>
    %max3A_54 = arith.maximumf %add3A_51, %max3A_53 : vector<10000x128xf32>
    %get3A_55 = arith.constant 0 : index
    %get3A_56 = arith.constant 0 : index
    %get3A_57 = vector.load %arg5[%get3A_55, %get3A_56] : memref<128x128xf32, #tpu.memory_space<vmem>>, vector<128x128xf32>
    %dot_general3A = arith.constant dense<0.000000e+00> : vector<10000x128xf32>
    %dot_general3A_58 = tpu.matmul %max3A_54, %get3A_57, %dot_general3A {dimension_numbers = #tpu.dot_dimension_numbers<[1], [0], [0], [1], [0, 0, 1, 1], [], []>, transpose_lhs_hint = false} : vector<10000x128xf32>, vector<128x128xf32>, vector<10000x128xf32> -> vector<10000x128xf32>
    %swap3A = arith.constant 0 : index
    %swap3A_59 = arith.constant 0 : index
    %swap3A_60 = vector.load %arg8[%swap3A, %swap3A_59] : memref<10000x128xf32, #tpu.memory_space<vmem>>, vector<10000x128xf32>
    tpu.vector_store %arg8[%swap3A, %swap3A_59], %dot_general3A_58 {strides = array<i32>} : memref<10000x128xf32, #tpu.memory_space<vmem>>, vector<10000x128xf32>,
    %get3A_61 = arith.constant 0 : index
    %get3A_62 = arith.constant 0 : index
    %get3A_63 = vector.load %arg6[%get3A_61, %get3A_62] : memref<128x128xf32, #tpu.memory_space<vmem>>, vector<128x128xf32>
    %dot_general3A_64 = arith.constant dense<0.000000e+00> : vector<10000x128xf32>
    %dot_general3A_65 = tpu.matmul %max3A_54, %get3A_63, %dot_general3A_64 {dimension_numbers = #tpu.dot_dimension_numbers<[1], [0], [0], [1], [0, 0, 1, 1], [], []>, transpose_lhs_hint = false} : vector<10000x128xf32>, vector<128x128xf32>, vector<10000x128xf32> -> vector<10000x128xf32>
    %get3A_66 = arith.constant 0 : index
    %get3A_67 = arith.constant 0 : index
    %get3A_68 = vector.load %arg7[%get3A_66, %get3A_67] : memref<1x128xf32, #tpu.memory_space<vmem>>, vector<1x128xf32>
    %add3A_69 = vector.broadcast %get3A_68 : vector<1x128xf32> to vector<10000x128xf32>
    %add3A_70 = arith.addf %dot_general3A_65, %add3A_69 : vector<10000x128xf32>
    %swap3A_71 = arith.constant 0 : index
    %swap3A_72 = arith.constant 0 : index
    %swap3A_73 = vector.load %arg9[%swap3A_71, %swap3A_72] : memref<10000x128xf32, #tpu.memory_space<vmem>>, vector<10000x128xf32>
    tpu.vector_store %arg9[%swap3A_71, %swap3A_72], %add3A_70 {strides = array<i32>} : memref<10000x128xf32, #tpu.memory_space<vmem>>, vector<10000x128xf32>,
    return
  }
}

module attributes {stable_mosaic.version = 14 : i64} {
  func.func @_tc_mid_body(%arg0: memref<20000x128xf32, #tpu.memory_space<vmem>>, %arg1: memref<2x10240x1xf32, #tpu.memory_space<vmem>>, %arg2: memref<10000x128xf32, #tpu.memory_space<vmem>>, %arg3: memref<1x128xf32, #tpu.memory_space<vmem>>, %arg4: memref<1x128xf32, #tpu.memory_space<vmem>>, %arg5: memref<128x128xf32, #tpu.memory_space<vmem>>, %arg6: memref<128x64xf32, #tpu.memory_space<vmem>>, %arg7: memref<1x64xf32, #tpu.memory_space<vmem>>, %arg8: memref<10000x128xf32, #tpu.memory_space<vmem>>, %arg9: memref<10000x64xf32, #tpu.memory_space<vmem>>) attributes {dimension_semantics = [], scalar_prefetch = 0 : i64, scratch_operands = 0 : i64, tpu.core_type = #tpu.core_type<tc>} {
    %get3A = arith.constant 0 : index
    %get3A_0 = arith.constant 0 : index
    %get3A_1 = arith.constant 0 : index
    %get3A_2 = vector.load %arg1[%get3A, %get3A_0, %get3A_1] : memref<2x10240x1xf32, #tpu.memory_space<vmem>>, vector<1x10000x1xf32>
    %get3A_3 = vector.shape_cast %get3A_2 : vector<1x10000x1xf32> to vector<10000x1xf32>
    %get3A_4 = arith.constant 1 : index
    %get3A_5 = arith.constant 0 : index
    %get3A_6 = arith.constant 0 : index
    %get3A_7 = vector.load %arg1[%get3A_4, %get3A_5, %get3A_6] : memref<2x10240x1xf32, #tpu.memory_space<vmem>>, vector<1x10000x1xf32>
    %get3A_8 = vector.shape_cast %get3A_7 : vector<1x10000x1xf32> to vector<10000x1xf32>
    %add3A = arith.addf %get3A_3, %get3A_8 : vector<10000x1xf32>
    %max3A = arith.constant 1.000000e+00 : f32
    %max3A_9 = vector.broadcast %max3A : f32 to vector<10000x1xf32>
    %max3A_10 = arith.maximumf %add3A, %max3A_9 : vector<10000x1xf32>
    %div3A = arith.constant 1.000000e+00 : f32
    %div3A_11 = vector.broadcast %div3A : f32 to vector<10000x1xf32>
    %div3A_12 = arith.divf %div3A_11, %max3A_10 : vector<10000x1xf32>
    %get3A_13 = arith.constant 0 : index
    %get3A_14 = arith.constant 0 : index
    %get3A_15 = vector.load %arg0[%get3A_13, %get3A_14] : memref<20000x128xf32, #tpu.memory_space<vmem>>, vector<10000x128xf32>
    %get3A_16 = arith.constant 10000 : index
    %get3A_17 = arith.constant 0 : index
    %get3A_18 = vector.load %arg0[%get3A_16, %get3A_17] : memref<20000x128xf32, #tpu.memory_space<vmem>>, vector<10000x128xf32>
    %add3A_19 = arith.addf %get3A_15, %get3A_18 : vector<10000x128xf32>
    %mul3A = vector.broadcast %div3A_12 : vector<10000x1xf32> to vector<10000x128xf32>
    %mul3A_20 = arith.mulf %add3A_19, %mul3A : vector<10000x128xf32>
    %get3A_21 = arith.constant 0 : index
    %get3A_22 = arith.constant 0 : index
    %get3A_23 = vector.load %arg2[%get3A_21, %get3A_22] : memref<10000x128xf32, #tpu.memory_space<vmem>>, vector<10000x128xf32>
    %add3A_24 = arith.addf %mul3A_20, %get3A_23 : vector<10000x128xf32>
    %reduce_sum3A = arith.constant dense<0.000000e+00> : vector<128xf32>
    %reduce_sum3A_25 = vector.multi_reduction <add>, %add3A_24, %reduce_sum3A [0] : vector<10000x128xf32> to vector<128xf32>
    %broadcast_in_dim3A = vector.shape_cast %reduce_sum3A_25 : vector<128xf32> to vector<1x128xf32>
    %div3A_26 = arith.constant 1.000000e+04 : f32
    %div3A_27 = vector.broadcast %div3A_26 : f32 to vector<1x128xf32>
    %div3A_28 = arith.divf %broadcast_in_dim3A, %div3A_27 : vector<1x128xf32>
    %sub3A = vector.broadcast %div3A_28 : vector<1x128xf32> to vector<10000x128xf32>
    %sub3A_29 = arith.subf %add3A_24, %sub3A : vector<10000x128xf32>
    %mul3A_30 = arith.mulf %sub3A_29, %sub3A_29 : vector<10000x128xf32>
    %reduce_sum3A_31 = arith.constant dense<0.000000e+00> : vector<128xf32>
    %reduce_sum3A_32 = vector.multi_reduction <add>, %mul3A_30, %reduce_sum3A_31 [0] : vector<10000x128xf32> to vector<128xf32>
    %broadcast_in_dim3A_33 = vector.shape_cast %reduce_sum3A_32 : vector<128xf32> to vector<1x128xf32>
    %div3A_34 = arith.constant 1.000000e+04 : f32
    %div3A_35 = vector.broadcast %div3A_34 : f32 to vector<1x128xf32>
    %div3A_36 = arith.divf %broadcast_in_dim3A_33, %div3A_35 : vector<1x128xf32>
    %get3A_37 = arith.constant 0 : index
    %get3A_38 = arith.constant 0 : index
    %get3A_39 = vector.load %arg3[%get3A_37, %get3A_38] : memref<1x128xf32, #tpu.memory_space<vmem>>, vector<1x128xf32>
    %mul3A_40 = vector.broadcast %get3A_39 : vector<1x128xf32> to vector<10000x128xf32>
    %mul3A_41 = arith.mulf %mul3A_40, %sub3A_29 : vector<10000x128xf32>
    %add3A_42 = arith.constant 9.99999974E-6 : f32
    %add3A_43 = vector.broadcast %add3A_42 : f32 to vector<1x128xf32>
    %add3A_44 = arith.addf %div3A_36, %add3A_43 : vector<1x128xf32>
    %rsqrt3A = math.rsqrt %add3A_44 : vector<1x128xf32>
    %mul3A_45 = vector.broadcast %rsqrt3A : vector<1x128xf32> to vector<10000x128xf32>
    %mul3A_46 = arith.mulf %mul3A_41, %mul3A_45 : vector<10000x128xf32>
    %get3A_47 = arith.constant 0 : index
    %get3A_48 = arith.constant 0 : index
    %get3A_49 = vector.load %arg4[%get3A_47, %get3A_48] : memref<1x128xf32, #tpu.memory_space<vmem>>, vector<1x128xf32>
    %add3A_50 = vector.broadcast %get3A_49 : vector<1x128xf32> to vector<10000x128xf32>
    %add3A_51 = arith.addf %mul3A_46, %add3A_50 : vector<10000x128xf32>
    %max3A_52 = arith.constant 0.000000e+00 : f32
    %max3A_53 = vector.broadcast %max3A_52 : f32 to vector<10000x128xf32>
    %max3A_54 = arith.maximumf %add3A_51, %max3A_53 : vector<10000x128xf32>
    %get3A_55 = arith.constant 0 : index
    %get3A_56 = arith.constant 0 : index
    %get3A_57 = vector.load %arg5[%get3A_55, %get3A_56] : memref<128x128xf32, #tpu.memory_space<vmem>>, vector<128x128xf32>
    %dot_general3A = arith.constant dense<0.000000e+00> : vector<10000x128xf32>
    %dot_general3A_58 = tpu.matmul %max3A_54, %get3A_57, %dot_general3A {dimension_numbers = #tpu.dot_dimension_numbers<[1], [0], [0], [1], [0, 0, 1, 1], [], []>, transpose_lhs_hint = false} : vector<10000x128xf32>, vector<128x128xf32>, vector<10000x128xf32> -> vector<10000x128xf32>
    %swap3A = arith.constant 0 : index
    %swap3A_59 = arith.constant 0 : index
    %swap3A_60 = vector.load %arg8[%swap3A, %swap3A_59] : memref<10000x128xf32, #tpu.memory_space<vmem>>, vector<10000x128xf32>
    tpu.vector_store %arg8[%swap3A, %swap3A_59], %dot_general3A_58 {strides = array<i32>} : memref<10000x128xf32, #tpu.memory_space<vmem>>, vector<10000x128xf32>,
    %get3A_61 = arith.constant 0 : index
    %get3A_62 = arith.constant 0 : index
    %get3A_63 = vector.load %arg6[%get3A_61, %get3A_62] : memref<128x64xf32, #tpu.memory_space<vmem>>, vector<128x64xf32>
    %dot_general3A_64 = arith.constant dense<0.000000e+00> : vector<10000x64xf32>
    %dot_general3A_65 = tpu.matmul %max3A_54, %get3A_63, %dot_general3A_64 {dimension_numbers = #tpu.dot_dimension_numbers<[1], [0], [0], [1], [0, 0, 1, 1], [], []>, transpose_lhs_hint = false} : vector<10000x128xf32>, vector<128x64xf32>, vector<10000x64xf32> -> vector<10000x64xf32>
    %get3A_66 = arith.constant 0 : index
    %get3A_67 = arith.constant 0 : index
    %get3A_68 = vector.load %arg7[%get3A_66, %get3A_67] : memref<1x64xf32, #tpu.memory_space<vmem>>, vector<1x64xf32>
    %add3A_69 = vector.broadcast %get3A_68 : vector<1x64xf32> to vector<10000x64xf32>
    %add3A_70 = arith.addf %dot_general3A_65, %add3A_69 : vector<10000x64xf32>
    %swap3A_71 = arith.constant 0 : index
    %swap3A_72 = arith.constant 0 : index
    %swap3A_73 = vector.load %arg9[%swap3A_71, %swap3A_72] : memref<10000x64xf32, #tpu.memory_space<vmem>>, vector<10000x64xf32>
    tpu.vector_store %arg9[%swap3A_71, %swap3A_72], %add3A_70 {strides = array<i32>} : memref<10000x64xf32, #tpu.memory_space<vmem>>, vector<10000x64xf32>,
    return
  }
}

module attributes {stable_mosaic.version = 14 : i64} {
  func.func @_tc_out_body(%arg0: memref<20000x128xf32, #tpu.memory_space<vmem>>, %arg1: memref<2x10240x1xf32, #tpu.memory_space<vmem>>, %arg2: memref<10000x64xf32, #tpu.memory_space<vmem>>, %arg3: memref<10000x64xf32, #tpu.memory_space<vmem>>) attributes {dimension_semantics = [], scalar_prefetch = 0 : i64, scratch_operands = 0 : i64, tpu.core_type = #tpu.core_type<tc>} {
    %get3A = arith.constant 0 : index
    %get3A_0 = arith.constant 0 : index
    %get3A_1 = arith.constant 0 : index
    %get3A_2 = vector.load %arg1[%get3A, %get3A_0, %get3A_1] : memref<2x10240x1xf32, #tpu.memory_space<vmem>>, vector<1x10000x1xf32>
    %get3A_3 = vector.shape_cast %get3A_2 : vector<1x10000x1xf32> to vector<10000x1xf32>
    %get3A_4 = arith.constant 1 : index
    %get3A_5 = arith.constant 0 : index
    %get3A_6 = arith.constant 0 : index
    %get3A_7 = vector.load %arg1[%get3A_4, %get3A_5, %get3A_6] : memref<2x10240x1xf32, #tpu.memory_space<vmem>>, vector<1x10000x1xf32>
    %get3A_8 = vector.shape_cast %get3A_7 : vector<1x10000x1xf32> to vector<10000x1xf32>
    %add3A = arith.addf %get3A_3, %get3A_8 : vector<10000x1xf32>
    %max3A = arith.constant 1.000000e+00 : f32
    %max3A_9 = vector.broadcast %max3A : f32 to vector<10000x1xf32>
    %max3A_10 = arith.maximumf %add3A, %max3A_9 : vector<10000x1xf32>
    %div3A = arith.constant 1.000000e+00 : f32
    %div3A_11 = vector.broadcast %div3A : f32 to vector<10000x1xf32>
    %div3A_12 = arith.divf %div3A_11, %max3A_10 : vector<10000x1xf32>
    %get3A_13 = arith.constant 0 : index
    %get3A_14 = arith.constant 0 : index
    %get3A_15 = vector.load %arg0[%get3A_13, %get3A_14] : memref<20000x128xf32, #tpu.memory_space<vmem>>, vector<10000x64xf32>
    %get3A_16 = arith.constant 10000 : index
    %get3A_17 = arith.constant 0 : index
    %get3A_18 = vector.load %arg0[%get3A_16, %get3A_17] : memref<20000x128xf32, #tpu.memory_space<vmem>>, vector<10000x64xf32>
    %add3A_19 = arith.addf %get3A_15, %get3A_18 : vector<10000x64xf32>
    %mul3A = vector.broadcast %div3A_12 : vector<10000x1xf32> to vector<10000x64xf32>
    %mul3A_20 = arith.mulf %add3A_19, %mul3A : vector<10000x64xf32>
    %get3A_21 = arith.constant 0 : index
    %get3A_22 = arith.constant 0 : index
    %get3A_23 = vector.load %arg2[%get3A_21, %get3A_22] : memref<10000x64xf32, #tpu.memory_space<vmem>>, vector<10000x64xf32>
    %add3A_24 = arith.addf %mul3A_20, %get3A_23 : vector<10000x64xf32>
    %swap3A = arith.constant 0 : index
    %swap3A_25 = arith.constant 0 : index
    %swap3A_26 = vector.load %arg3[%swap3A, %swap3A_25] : memref<10000x64xf32, #tpu.memory_space<vmem>>, vector<10000x64xf32>
    tpu.vector_store %arg3[%swap3A, %swap3A_25], %add3A_24 {strides = array<i32>} : memref<10000x64xf32, #tpu.memory_space<vmem>>, vector<10000x64xf32>,
    return
  }
}

</mosaic_0001>

<sc_bundles>
// kernel: kernel.12.cloned.1.call-start
scs
__scs_entry_jumppad:
0x0: {  	(pc) =	sbr.rel $0x88, $3  }
0x1: {  	(tag) =	ssettag $0x0;
	lr =	simm.s32 $0x1  }
0x2: {  	[smem:$0x3F92] =	sst lr;
	_ =	strace $0xD0000000  }
0x3: {  	_ = 	snop  }
0x4: {  	_ = 	snop  }
0x5: {  	_ = 	snop  }
0x6: {  	_ = 	snop  }
0x7: {  	_ = 	snop  }
__scs_overlays_trampoline_lowered:
0x8: {  	[smem:$0x3FA1] =	sst s0  }
0x9: {  	[smem:$0x3FA2] =	sst s1  }
0xa: {  	[smem:$0x3FA3] =	sst s2  }
0xb: {  	[smem:$0x3FA4] =	sst s3  }
0xc: {  	[smem:$0x3FA5] =	sst s4  }
0xd: {  	[smem:$0x3FA6] =	sst s5  }
0xe: {  	[smem:$0x3FA7] =	sst s6  }
0xf: {  	[smem:$0x3FA8] =	sst s7  }
0x10: {  	[smem:$0x3FA9] =	sst s8  }
0x11: {  	[smem:$0x3FAA] =	sst s9;
	s0 =	simm.s32 @!p0 $0x0  }
0x12: {  	s1 =	sld [smem:$0x3F90];
	s0 =	simm.s32 @p0 $0x1  }
0x13: {  	[smem:$0x3FAB] =	sst s0;
	s0 =	simm.s32 @!p1 $0x0  }
0x14: {  	s2 =	sld [smem:$0x3F8F];
	s0 =	simm.s32 @p1 $0x1  }
0x15: {  	[smem:$0x3FAC] =	sst s0;
	s0 =	simm.s32 @!p2 $0x0  }
0x16: {  	s3 =	sld [smem:$0x3FDB];
	s0 =	simm.s32 @p2 $0x1  }
0x17: {  	s4 =	simm.s32 $0x1BF5;
	[smem:$0x3FAE] =	sst s0  }
0x18: {  	s0 =	sld [smem:$0x3F91];
	_ =	swait.ge [sflag:s4], $0x0  }
0x19: {  	s7 =	sld [smem:$0x3F92]  }
0x1a: {  	s8 =	sadd.s32 $0xFFFFE003, lr  }
0x1b: {  	s9 =	sadd.s32 $0xFFFFFEF7, lr;
	s5 =	simm.s32 $0xFFFFFFFF;
	p2 =	slt.u32 s8, $0xFFFFF086  }
0x1c: {  	p1 =	slt.u32 s9, $0xF7A;
	s5 =	simm.s32 @!p2 $0x0  }
0x1d: {  	s5 =	simm.s32 @p1 $0x1;
	p0 =	seq.s32 s7, s2  }
0x1e: {  	s7 =	smul.u32 @!p0 $0xF7A, s2;
	p2 =	seq.s32 @!p0 s5, $0x0  }
0x1f: {  	s9 =	smul.u32 $0xF7A, s1;
	s8 =	simm.s32 @!p0 $0x1BF5;
	p2 =	por !p2, p0  }
0x20: {  	[sflag:s8] =	ssyncset.s32 @!p0 $0xFFFFF086;
	s6 =	sadd.s32 @!p0 s3, s7;
	s7 =	simm.s32 @!p0 $0x108  }
0x21: {  	s3 =	sadd.s32 s3, s9;
	s6 =	sadd.s32 @!p0 $0x88, s6;
	s7 =	simm.s32 @p2 $0x1082  }
0x22: {  	[simem:s7], [sflag:s8] =	dma.local @!p0 [hbm:s6], $0xF7A  }
0x23: {  	s9 =	sor.u32 $0xD0000000, s2;
	s6 =	simm.s32 $0x108;
	_ =	swait.ge @!p0 [sflag:s8], $0x0  }
0x24: {  	s3 =	sadd.s32 $0x88, s3;
	s6 =	simm.s32 @!p1 $0x1082;
	[sflag:s4] =	ssyncset.s32 $0xFFFFF086  }
0x25: {  	[simem:s6], [sflag:s4] =	dma.local [hbm:s3], $0xF7A  }
0x26: {  	[smem:$0x3F92] =	sst s1;
	(tag) =	ssettag s2;
	_ =	strace s9  }
0x27: {  	s1 =	sld [smem:$0x3FA2]  }
0x28: {  	s2 =	sld [smem:$0x3FA3]  }
0x29: {  	s4 =	sld [smem:$0x3FA5]  }
0x2a: {  	p0 =	seq.s32 s5, $0x0;
	s5 =	sld [smem:$0x3FA6]  }
0x2b: {  	s6 =	sld [smem:$0x3FA7]  }
0x2c: {  	s7 =	sld [smem:$0x3FA8]  }
0x2d: {  	s3 =	simm.s32 $0x108;
	s8 =	sld [smem:$0x3FA9]  }
0x2e: {  	s3 =	simm.s32 @!p0 $0x1082;
	s9 =	sld [smem:$0x3FAA]  }
0x2f: {  	lr =	sadd.s32 s0, s3;
	s0 =	sld [smem:$0x3FA1]  }
0x30: {  	s3 =	sld [smem:$0x3FA4]  }
0x31: {  	[smem:$0x3FAD] =	sst s10  }
0x32: {  	s10 =	sld [smem:$0x3FAB];
	_ =	sdelay $0x3  }
0x33: {  	p0 =	seq.s32 s10, $0x1;
	s10 =	sld [smem:$0x3FAD];
	_ =	sdelay $0x3  }
0x34: {  	[smem:$0x3FAD] =	sst s10  }
0x35: {  	s10 =	sld [smem:$0x3FAC];
	_ =	sdelay $0x3  }
0x36: {  	p1 =	seq.s32 s10, $0x1;
	s10 =	sld [smem:$0x3FAD];
	_ =	sdelay $0x3  }
0x37: {  	[smem:$0x3FAD] =	sst s10  }
0x38: {  	s10 =	sld [smem:$0x3FAE]  }
0x39: {  	_ = 	snop;
	(pc) =	sbr.ind lr, $3  }
0x3a: {  	_ = 	snop  }
0x3b: {  	_ = 	snop  }
0x3c: {  	p2 =	seq.s32 s10, $0x1;
	s10 =	sld [smem:$0x3FAD]  }
0x3d: {  	_ =	shalt  }
0x3e: {  	_ =	shalt  }
0x3f: {  	_ =	shalt  }
0x40: {  	_ =	shalt  }
0x41: {  	_ =	shalt  }
0x42: {  	_ =	shalt  }
0x43: {  	_ =	shalt  }
0x44: {  	_ =	shalt  }
0x45: {  	_ =	shalt  }
0x46: {  	_ =	shalt  }
0x47: {  	_ =	shalt  }
0x48: {  	_ =	shalt  }
0x49: {  	_ =	shalt  }
0x4a: {  	_ =	shalt  }
0x4b: {  	_ =	shalt  }
0x4c: {  	_ =	shalt  }
0x4d: {  	_ =	shalt  }
0x4e: {  	_ =	shalt  }
0x4f: {  	_ =	shalt  }
0x50: {  	_ =	shalt  }
0x51: {  	_ =	shalt  }
0x52: {  	_ =	shalt  }
0x53: {  	_ =	shalt  }
0x54: {  	_ =	shalt  }
0x55: {  	_ =	shalt  }
0x56: {  	_ =	shalt  }
0x57: {  	_ =	shalt  }
0x58: {  	_ =	shalt  }
0x59: {  	_ =	shalt  }
0x5a: {  	_ =	shalt  }
0x5b: {  	_ =	shalt  }
0x5c: {  	_ =	shalt  }
0x5d: {  	_ =	shalt  }
0x5e: {  	_ =	shalt  }
0x5f: {  	_ =	shalt  }
0x60: {  	_ =	shalt  }
0x61: {  	_ =	shalt  }
0x62: {  	_ =	shalt  }
0x63: {  	_ =	shalt  }
0x64: {  	_ =	shalt  }
0x65: {  	_ =	shalt  }
0x66: {  	_ =	shalt  }
0x67: {  	_ =	shalt  }
0x68: {  	_ =	shalt  }
0x69: {  	_ =	shalt  }
0x6a: {  	_ =	shalt  }
0x6b: {  	_ =	shalt  }
0x6c: {  	_ =	shalt  }
0x6d: {  	_ =	shalt  }
0x6e: {  	_ =	shalt  }
0x6f: {  	_ =	shalt  }
0x70: {  	_ =	shalt  }
0x71: {  	_ =	shalt  }
0x72: {  	_ =	shalt  }
0x73: {  	_ =	shalt  }
0x74: {  	_ =	shalt  }
0x75: {  	_ =	shalt  }
0x76: {  	_ =	shalt  }
0x77: {  	_ =	shalt  }
0x78: {  	_ =	shalt  }
0x79: {  	_ =	shalt  }
0x7a: {  	_ =	shalt  }
0x7b: {  	_ =	shalt  }
0x7c: {  	_ =	shalt  }
0x7d: {  	_ =	shalt  }
0x7e: {  	_ =	shalt  }
0x7f: {  	_ =	shalt  }
0x80: {  	_ =	shalt  }
0x81: {  	_ =	shalt  }
0x82: {  	_ =	shalt  }
0x83: {  	_ =	shalt  }
0x84: {  	_ =	shalt  }
0x85: {  	_ =	shalt  }
0x86: {  	_ =	shalt  }
0x87: {  	_ =	shalt  }
.Lfunc_end0:
.L_simem_size_0:
called_computation.1_lowered:
.L_overlay_start_0:
0x88: {  	s2 =	sld [smem:$0x3FD9]  }
0x89: {  	s3 =	sld [smem:$0x3FFE];
	_ =	sdelay $0x1  }
0x8a: {  	s1 =	srdreg.scid  }
0x8b: {  	s0 =	sand.u32 $0x1, s1  }
0x8c: {  	s17 =	sshll.u32 s0, $0xA;
	s2 =	sadd.s32 s3, s2  }
0x8d: {  	s2 =	sadd.s32 s2, s17  }
0x8e: {  	[smem:$0x3FB9] =	sst s2  }
0x8f: {  	_ = 	snop  }
0x90: {  	s2 =	sld [smem:$0x3FD0];
	(tm) =	ssettm $0x1  }
0x91: {  	s18 =	sld [smem:$0x3FFB];
	_ =	sdelay $0x3  }
0x92: {  	_ =	strace s18  }
0x93: {  	s3 =	sld [smem:$0x3FFC];
	_ =	sdelay $0x3  }
0x94: {  	_ =	strace s3  }
0x95: {  	s3 =	sld [smem:$0x3FFD];
	_ =	sdelay $0x3  }
0x96: {  	_ =	strace s3  }
0x97: {  	_ =	strace $0x8FFFFFFF  }
0x98: {  	s19 =	sld [smem:$0x3FDB];
	_ =	sdelay $0x1  }
0x99: {  	s4 =	simm.s32 $_scs_section_size  }
0x9a: {  	s5 =	simm.s32 $_size__tile_overlayer_lowered;
	s6 =	simm.s32 $_tile_overlayer_lowered  }
0x9b: {  	s22 =	simm.s32 $0x1BFF;
	s21 =	sshll.u32 s6, $0x1;
	s3 =	sadd.s32 s4, s19  }
0x9c: {  	s7 =	simm.s32 $0x0;
	s20 =	sshll.u32 s5, $0x1;
	s5 =	sadd.s32 s21, s3  }
0x9d: {  	[timem:s7], [sflag:s22] =	dma.local [hbm:s5], s20  }
0x9e: {  	_ =	swait.ge [sflag:s22], s20  }
0x9f: {  	s4 =	ssub.s32 $0x0, s20;
	[sflag:s22] =	ssyncset.done $0x0  }
0xa0: {  	[sflag:s22] =	ssyncadd.s32 s4;
	_ =	sdelay $0x1  }
0xa1: {  	s23 =	simm.s32 $0x1B8B  }
0xa2: {  	_ =	swait.ge [sflag:s23], $0x1  }
0xa3: {  	[sflag:s23] =	ssyncset.done $0x0  }
0xa4: {  	s25 =	simm.s32 $0x1B8E;
	s24 =	sld [smem:$0x3FFE];
	[sflag:s23] =	ssyncadd.s32 $0xFFFFFFFF  }
0xa5: {  	s26 =	simm.s32 $execute0_lowered;
	[smem:$0x3FD2] =	sst s25  }
0xa6: {  	s5 =	sshll.u32 s26, $0x1;
	_ =	strace $0x80000049;
	[dreg:$0x1] =	wrdreg $0xFFFFFFFF  }
0xa7: {  	s28 =	simm.s32 $_size_execute0_lowered;
	s3 =	sadd.s32 s3, s5;
	[dreg:$0x0] =	wrdreg $0x0  }
0xa8: {  	s5 =	sshll.u32 s28, $0x1;
	[dreg:$0x2] =	wrdreg s3  }
0xa9: {  	[dreg:$0x3] =	wrdreg s5  }
0xaa: {  	[dreg:$0x4] =	wrdreg $0xC0  }
0xab: {  	_ =	task [dreg:s7], $0x5FFFF  }
0xac: {  	[dreg:$0x1] =	wrdreg $0xFFFFFFFF  }
0xad: {  	[dreg:$0x0] =	wrdreg $0x60  }
0xae: {  	[dreg:$0x2] =	wrdreg s24  }
0xaf: {  	[dreg:$0x3] =	wrdreg s2  }
0xb0: {  	[dreg:$0x4] =	wrdreg $0xA9000  }
0xb1: {  	[dreg:$0x5] =	wrdreg $0x9  }
0xb2: {  	_ =	task.clear_ibuf [dreg:s7], $0x6FFFF;
	_ =	strace $0x90000049  }
0xb3: {  	s29 =	simm.s32 $0x9;
	_ =	strace $0x8000004B  }
0xb4: {  	_ =	swait.ge [sflag:s29], $0x1  }
0xb5: {  	[sflag:s29] =	ssyncadd.s32 $0xFFFFFFFF  }
0xb6: {  	_ =	strace $0x9000004B  }
0xb7: {  	_ =	sfence  }
0xb8: {  	s30 =	sld [smem:$0x0];
	_ =	sdelay $0x2  }
0xb9: {  	s31 =	sshll.u32 s1, $0xD;
	s1 =	sshrl.u32 s1, $0x2  }
0xba: {  	s3 =	sand.u32 $0x4000, s31;
	s1 =	sadd.s32 s1, s30  }
0xbb: {  	s0 =	sor.u32 s3, s0;
	s1 =	sshll.u32 s1, $0x11  }
0xbc: {  	s0 =	sor.u32 s1, s0  }
0xbd: {  	s0 =	sadd.s32 $0x8F2B, s0  }
0xbe: {  	[sflag:s0] =	ssyncadd.remote.s32 $0x1  }
0xbf: {  	_ =	sfence.sel $0xFFFF  }
0xc0: {  	[dreg:$0x0] =	wrdreg $0xFFFFFFFF;
	(pc) =	sbr.abs _section_cstart, $3  }
0xc1: {  	[dreg:$0x1] =	wrdreg $0xFFFFFFFF  }
0xc2: {  	_ =	task.clear_ibuf [dreg:s7], $0x2FFFF;
	_ =	strace $0x9FFFFFFF  }
0xc3: {  	(tm) =	ssettm $0x7FFFFFFF  }
tec
execute0_lowered:
.L_overlay_start_1:
0x0: {  	(tag) =	ssettag $0x1  }
0x1: {  	s6 =	rddreg [dreg:$0x0]  }
0x2: {  	s2 =	rddreg [dreg:$0x1];
	s0 =	srdreg.scid  }
0x3: {  	s3 =	rddreg [dreg:$0x2];
	s1 =	stileid.u32;
	s4 =	simm.s32 $0x0  }
0x4: {  	s18 =	simm.s32 $0x80;
	s19 =	simm.s32 $0x2900;
	s20 =	simm.s32 $0x2  }
0x5: {  	s21 =	simm.s32 $0x6900;
	s7 =	sand.u32 $0x1, s0;
	s0 =	rddreg [dreg:$0x3]  }
0x6: {  	s22 =	simm.s32 $0x0;
	s8 =	smul.u32 $0x278, s1;
	[smem:$0x7FF] =	sst s4  }
0x7: {  	s30 =	sshll.u32 s1, $0x6;
	s17 =	smul.u32 $0x2800, s1;
	s5 =	sshll.u32 s7, $0x4  }
0x8: {  	s10 =	smul.u32 $0x2710, s7;
	_ =	strace $0x8000004A;
	s28 =	ssub.s32 $0x2, s7  }
0x9: {  	s16 =	smul.u32 $0x28000, s7;
	s7 =	sor.u32 $0x1C03, s30;
	s9 =	sor.u32 s1, s5  }
0xa: {  	s8 =	smin.u32 s8, $0x2498;
	s5 =	sadd.s32 $0x3600, s6;
	s29 =	sshrl.u32 s28, $0x1  }
0xb: {  	s11 =	smul.u32 $0x500, s9;
	s10 =	sadd.s32 s10, s8;
	s12 =	sshll.u32 s8, $0x4  }
0xc: {  	s8 =	sshll.u32 s8, $0x7;
	s9 =	smul.u32 $0x2800, s9;
	s14 =	ssub.s32 s28, s29  }
0xd: {  	s16 =	sadd.s32 s17, s16;
	s17 =	simm.s32 $0x1;
	s10 =	sshll.u32 s10, $0x4  }
0xe: {  	s12 =	sadd.s32 s12, s6;
	s15 =	sadd.s32 s8, s3;
	s11 =	sadd.s32 s11, s6  }
0xf: {  	s13 =	sadd.s32 s10, s6;
	s31 =	sshrl.u32 s9, $0x3;
	s6 =	sadd.s32 $0x3E400, s12  }
0x10: {  	s12 =	smax.u32 s14, $0x1;
	s14 =	sshrl.u32 s15, $0x3;
	s15 =	simm.s32 $0x3  }
0x11: {  	s8 =	sadd.s32 s2, s31;
	s9 =	sadd.s32 $0xB4200, s11;
	s11 =	sadd.s32 $0x65600, s13  }
0x12: {  	s13 =	sor.u32 $0x180, s16;
	s16 =	simm.s32 $0x100;
	s10 =	sadd.s32 $0x10, s8  }
.LBB2_1:
0x13: {  	[spmem:s14], [sflag:s7] =	dma.local [hbm:s6], $0x2780  }
0x14: {  	_ =	swait.ge [sflag:s15], $0x2780  }
0x15: {  	[sflag:s15] =	ssyncset.done $0x0  }
0x16: {  	[sflag:s15] =	ssyncadd.s32 $0xFFFFD880  }
0x17: {  	[tilespmem:s16], [sflag:$0x3] =	stream.linear.gather [hbm4b:s9+s4], $0x2800, $0x38;
	[tilespmem:$0x1E1C0] =	vst v63  }
0x18: {  	_ =	swait.ge [sflag:s15], $0x2800  }
0x19: {  	[sflag:s15] =	ssyncset.done $0x0  }
0x1a: {  	[sflag:s15] =	ssyncadd.s32 $0xFFFFD800  }
0x1b: {  	[bflag:$0x0] =	sbarrier.arrive $0xFFFF  }
0x1c: {  	[tilespmem:s4], [sflag:$0x1] =	stream.linear.gather [hbm4b:s8+s4], $0x80, $0x38;
	[tilespmem:$0x1E1C0] =	vst v63  }
0x1d: {  	_ =	swait.ge [sflag:s17], $0x80  }
0x1e: {  	[sflag:s17] =	ssyncset.done $0x0  }
0x1f: {  	[sflag:s17] =	ssyncadd.s32 $0xFFFFFF80  }
0x20: {  	[tilespmem:s19], [sflag:$0x2] =	stream.indirect.gather [hbm4b:s5+s18], $0x80, s4, s18, $0xb8;
	[tilespmem:$0x1E1C0] =	vst v63  }
0x21: {  	_ = 	snop  }
0x22: {  	[tilespmem:s18], [sflag:$0x1] =	stream.linear.gather [hbm4b:s10+s4], $0x80, $0x38;
	[tilespmem:$0x1E1C0] =	vst v63  }
0x23: {  	_ =	swait.ge [sflag:s20], $0x4000  }
0x24: {  	[sflag:s20] =	ssyncset.done $0x0  }
0x25: {  	[sflag:s20] =	ssyncadd.s32 $0xFFFFC000  }
0x26: {  	_ =	swait.ge [sflag:s17], $0x80  }
0x27: {  	[sflag:s17] =	ssyncset.done $0x0  }
0x28: {  	s24 =	sadd.s32 $0xFFFFFF80, s13;
	[sflag:s17] =	ssyncadd.s32 $0xFFFFFF80  }
0x29: {  	[tilespmem:s21], [sflag:$0x2] =	stream.indirect.gather [hbm4b:s5+s18], $0x80, s18, s18, $0xb8;
	[tilespmem:$0x1E1C0] =	vst v63  }
0x2a: {  	s23 =	simm.s32 $0x100;
	p0 =	slt.s32 s24, $0x4FF80  }
0x2b: {  	[spmem:s3] =	stream.indirect.scatter.add.f32 [tilespmem:s19], [sflag:$0x3], $0x80, s23, s18, $0xb8;
	[tilespmem:$0x1E1C0] =	vst v63  }
0x2c: {  	s24 =	simm.s32 @!p0 $0x4FF80;
	_ =	swait.ge [sflag:s15], $0x4000  }
0x2d: {  	s30 =	sshrl.u32 s24, $0x3;
	[sflag:s15] =	ssyncset.done $0x0  }
0x2e: {  	s23 =	sadd.s32 s2, s30;
	[sflag:s15] =	ssyncadd.s32 $0xFFFFC000  }
0x2f: {  	[tilespmem:s4], [sflag:$0x1] =	stream.linear.gather [hbm4b:s23+s4], $0x80, $0x38;
	[tilespmem:$0x1E1C0] =	vst v63  }
0x30: {  	_ =	swait.ge [sflag:s20], $0x4000  }
0x31: {  	[sflag:s20] =	ssyncset.done $0x0  }
0x32: {  	[sflag:s20] =	ssyncadd.s32 $0xFFFFC000  }
0x33: {  	_ =	swait.ge [sflag:s17], $0x80  }
0x34: {  	[sflag:s17] =	ssyncset.done $0x0  }
0x35: {  	p0 =	slt.s32 s13, $0x4FF80;
	s24 =	smov.u32 s13;
	[sflag:s17] =	ssyncadd.s32 $0xFFFFFF80  }
0x36: {  	[tilespmem:s19], [sflag:$0x2] =	stream.indirect.gather [hbm4b:s5+s18], $0x80, s4, s18, $0xb8;
	[tilespmem:$0x1E1C0] =	vst v63  }
0x37: {  	s31 =	simm.s32 $0x180;
	s24 =	simm.s32 @!p0 $0x4FF80  }
0x38: {  	[spmem:s3] =	stream.indirect.scatter.add.f32 [tilespmem:s21], [sflag:$0x3], $0x80, s31, s18, $0xb8;
	[tilespmem:$0x1E1C0] =	vst v63  }
0x39: {  	s25 =	sshrl.u32 s24, $0x3;
	_ =	swait.ge [sflag:s15], $0x4000  }
0x3a: {  	s24 =	smov.u32 s13;
	s23 =	simm.s32 $0x400;
	[sflag:s15] =	ssyncset.done $0x0  }
.LBB2_2:
0x3b: {  	[sflag:s15] =	ssyncadd.s32 $0xFFFFC000  }
0x3c: {  	s25 =	sadd.s32 s2, s25;
	s24 =	sadd.s32 $0x100, s24;
	s26 =	smov.u32 s23  }
0x3d: {  	[tilespmem:s18], [sflag:$0x1] =	stream.linear.gather [hbm4b:s25+s4], $0x80, $0x38;
	[tilespmem:$0x1E1C0] =	vst v63  }
0x3e: {  	p0 =	sne.s32 s23, $0x9C00;
	s23 =	sadd.s32 $0x400, s23;
	_ =	swait.ge [sflag:s20], $0x4000  }
0x3f: {  	[sflag:s20] =	ssyncset.done $0x0  }
0x40: {  	[sflag:s20] =	ssyncadd.s32 $0xFFFFC000  }
0x41: {  	_ =	swait.ge [sflag:s17], $0x80  }
0x42: {  	[sflag:s17] =	ssyncset.done $0x0  }
0x43: {  	s25 =	sshra.s32 s26, $0x2;
	[sflag:s17] =	ssyncadd.s32 $0xFFFFFF80  }
0x44: {  	[tilespmem:s21], [sflag:$0x2] =	stream.indirect.gather [hbm4b:s5+s18], $0x80, s18, s18, $0xb8;
	[tilespmem:$0x1E1C0] =	vst v63  }
0x45: {  	s28 =	sadd.s32 $0xFFFFFF80, s24;
	s26 =	sadd.s32 $0x100, s25  }
0x46: {  	[spmem:s3] =	stream.indirect.scatter.add.f32 [tilespmem:s19], [sflag:$0x3], $0x80, s26, s18, $0xb8;
	[tilespmem:$0x1E1C0] =	vst v63  }
0x47: {  	p1 =	slt.s32 s28, $0x4FF80;
	_ =	swait.ge [sflag:s15], $0x4000  }
0x48: {  	s28 =	simm.s32 @!p1 $0x4FF80;
	[sflag:s15] =	ssyncset.done $0x0  }
0x49: {  	s26 =	sshrl.u32 s28, $0x3;
	[sflag:s15] =	ssyncadd.s32 $0xFFFFC000  }
0x4a: {  	s26 =	sadd.s32 s2, s26  }
0x4b: {  	[tilespmem:s4], [sflag:$0x1] =	stream.linear.gather [hbm4b:s26+s4], $0x80, $0x38;
	[tilespmem:$0x1E1C0] =	vst v63  }
0x4c: {  	_ =	swait.ge [sflag:s20], $0x4000  }
0x4d: {  	[sflag:s20] =	ssyncset.done $0x0  }
0x4e: {  	[sflag:s20] =	ssyncadd.s32 $0xFFFFC000  }
0x4f: {  	_ =	swait.ge [sflag:s17], $0x80  }
0x50: {  	[sflag:s17] =	ssyncset.done $0x0  }
0x51: {  	s25 =	sadd.s32 $0x180, s25;
	[sflag:s17] =	ssyncadd.s32 $0xFFFFFF80  }
0x52: {  	[tilespmem:s19], [sflag:$0x2] =	stream.indirect.gather [hbm4b:s5+s18], $0x80, s4, s18, $0xb8;
	[tilespmem:$0x1E1C0] =	vst v63  }
.Ltmp0:
0x53: {  	p1 =	slt.s32 s24, $0x4FF80;
	(pc) =	sbr.rel @p0 .LBB2_2-.Ltmp0, $4  }
0x54: {  	[spmem:s3] =	stream.indirect.scatter.add.f32 [tilespmem:s21], [sflag:$0x3], $0x80, s25, s18, $0xb8;
	[tilespmem:$0x1E1C0] =	vst v63  }
0x55: {  	s25 =	smov.u32 s24  }
0x56: {  	_ =	swait.ge [sflag:s15], $0x4000;
	s25 =	simm.s32 @!p1 $0x4FF80  }
0x57: {  	[sflag:s15] =	ssyncset.done $0x0;
	s25 =	sshrl.u32 s25, $0x3  }
0x58: {  	[sflag:s15] =	ssyncadd.s32 $0xFFFFC000;
	s23 =	sadd.s32 s2, s25  }
0x59: {  	[tilespmem:s18], [sflag:$0x1] =	stream.linear.gather [hbm4b:s23+s4], $0x80, $0x38;
	[tilespmem:$0x1E1C0] =	vst v63  }
0x5a: {  	_ =	swait.ge [sflag:s20], $0x4000  }
0x5b: {  	[sflag:s20] =	ssyncset.done $0x0  }
0x5c: {  	[sflag:s20] =	ssyncadd.s32 $0xFFFFC000  }
0x5d: {  	_ =	swait.ge [sflag:s17], $0x80  }
0x5e: {  	s22 =	sadd.s32 $0x1, s22;
	[sflag:s17] =	ssyncset.done $0x0  }
0x5f: {  	p0 =	sne.s32 s22, s12;
	[sflag:s17] =	ssyncadd.s32 $0xFFFFFF80  }
.Ltmp1:
0x60: {  	[bflag:$0x0] =	sbarrier.arrive $0xFFFF;
	(pc) =	sbr.rel @p0 .LBB2_1-.Ltmp1, $4  }
0x61: {  	[hbm:s11], [sflag:s7] =	dma.local [spmem:s14], $0x2780  }
0x62: {  	_ =	swait.ge [sflag:s15], $0x2780  }
0x63: {  	[sflag:s15] =	ssyncset.done $0x0  }
0x64: {  	[sflag:s15] =	ssyncadd.s32 $0xFFFFD880  }
0x65: {  	_ =	sfence.sel $0x180000  }
0x66: {  	[bflag:$0x0] =	sbarrier.arrive $0xFFFF  }
0x67: {  	p0 =	sne.s32 s1, $0x0;
	_ =	strace $0x9000004A  }
0x68: {  	s0 =	sadd.s32 @!p0 $0x100000, s0;
	[bflag:$0x2] =	sbarrier.arrive $0xFFFF  }
0x69: {  	[sflag:s0] =	ssyncadd.tile.s32 @!p0 $0x1;
	_ =	shalt  }
.Lfunc_end2:
_tile_overlayer_lowered:
.L_overlay_start_2:
0x6a: {  	(tag) =	ssettag $0x2  }
0x6b: {  	s0 =	rddreg [dreg:$0x0];
	s2 =	stileid.u32  }
0x6c: {  	s1 =	rddreg [dreg:$0x1];
	p0 =	sne.s32 s2, $0x0  }
0x6d: {  	s3 =	rddreg [dreg:$0x2];
	[bflag:$0x3] =	sbarrier.arrive $0xFFFF;
	s2 =	simm.s32 @!p0 $0x1C03  }
0x6e: {  	[timem:s3], [sflag:s2] =	dma.local @!p0 [hbm:s0], s1  }
0x6f: {  	s0 =	simm.s32 @!p0 $0x3  }
0x70: {  	_ =	swait.ge @!p0 [sflag:s0], s1  }
0x71: {  	s1 =	ssub.s32 @!p0 $0x0, s1;
	[sflag:s0] =	ssyncset.done @!p0 $0x0  }
0x72: {  	[sflag:s0] =	ssyncadd.s32 @!p0 s1  }
0x73: {  	[bflag:$0x3] =	sbarrier.arrive $0xFFFF  }
0x74: {  	_ =	shalt  }

// kernel: kernel.15.cloned.1.call-start
scs
__scs_entry_jumppad:
0x0: {  	(pc) =	sbr.rel $0x88, $3  }
0x1: {  	(tag) =	ssettag $0x0;
	lr =	simm.s32 $0x1  }
0x2: {  	[smem:$0x3F92] =	sst lr;
	_ =	strace $0xD0000000  }
0x3: {  	_ = 	snop  }
0x4: {  	_ = 	snop  }
0x5: {  	_ = 	snop  }
0x6: {  	_ = 	snop  }
0x7: {  	_ = 	snop  }
__scs_overlays_trampoline_lowered:
0x8: {  	[smem:$0x3FA1] =	sst s0  }
0x9: {  	[smem:$0x3FA2] =	sst s1  }
0xa: {  	[smem:$0x3FA3] =	sst s2  }
0xb: {  	[smem:$0x3FA4] =	sst s3  }
0xc: {  	[smem:$0x3FA5] =	sst s4  }
0xd: {  	[smem:$0x3FA6] =	sst s5  }
0xe: {  	[smem:$0x3FA7] =	sst s6  }
0xf: {  	[smem:$0x3FA8] =	sst s7  }
0x10: {  	[smem:$0x3FA9] =	sst s8  }
0x11: {  	[smem:$0x3FAA] =	sst s9;
	s0 =	simm.s32 @!p0 $0x0  }
0x12: {  	s1 =	sld [smem:$0x3F90];
	s0 =	simm.s32 @p0 $0x1  }
0x13: {  	[smem:$0x3FAB] =	sst s0;
	s0 =	simm.s32 @!p1 $0x0  }
0x14: {  	s2 =	sld [smem:$0x3F8F];
	s0 =	simm.s32 @p1 $0x1  }
0x15: {  	[smem:$0x3FAC] =	sst s0;
	s0 =	simm.s32 @!p2 $0x0  }
0x16: {  	s3 =	sld [smem:$0x3FDB];
	s0 =	simm.s32 @p2 $0x1  }
0x17: {  	s4 =	simm.s32 $0x1BF5;
	[smem:$0x3FAE] =	sst s0  }
0x18: {  	s0 =	sld [smem:$0x3F91];
	_ =	swait.ge [sflag:s4], $0x0  }
0x19: {  	s7 =	sld [smem:$0x3F92]  }
0x1a: {  	s8 =	sadd.s32 $0xFFFFE003, lr  }
0x1b: {  	s9 =	sadd.s32 $0xFFFFFEF7, lr;
	s5 =	simm.s32 $0xFFFFFFFF;
	p2 =	slt.u32 s8, $0xFFFFF086  }
0x1c: {  	p1 =	slt.u32 s9, $0xF7A;
	s5 =	simm.s32 @!p2 $0x0  }
0x1d: {  	s5 =	simm.s32 @p1 $0x1;
	p0 =	seq.s32 s7, s2  }
0x1e: {  	s7 =	smul.u32 @!p0 $0xF7A, s2;
	p2 =	seq.s32 @!p0 s5, $0x0  }
0x1f: {  	s9 =	smul.u32 $0xF7A, s1;
	s8 =	simm.s32 @!p0 $0x1BF5;
	p2 =	por !p2, p0  }
0x20: {  	[sflag:s8] =	ssyncset.s32 @!p0 $0xFFFFF086;
	s6 =	sadd.s32 @!p0 s3, s7;
	s7 =	simm.s32 @!p0 $0x108  }
0x21: {  	s3 =	sadd.s32 s3, s9;
	s6 =	sadd.s32 @!p0 $0x88, s6;
	s7 =	simm.s32 @p2 $0x1082  }
0x22: {  	[simem:s7], [sflag:s8] =	dma.local @!p0 [hbm:s6], $0xF7A  }
0x23: {  	s9 =	sor.u32 $0xD0000000, s2;
	s6 =	simm.s32 $0x108;
	_ =	swait.ge @!p0 [sflag:s8], $0x0  }
0x24: {  	s3 =	sadd.s32 $0x88, s3;
	s6 =	simm.s32 @!p1 $0x1082;
	[sflag:s4] =	ssyncset.s32 $0xFFFFF086  }
0x25: {  	[simem:s6], [sflag:s4] =	dma.local [hbm:s3], $0xF7A  }
0x26: {  	[smem:$0x3F92] =	sst s1;
	(tag) =	ssettag s2;
	_ =	strace s9  }
0x27: {  	s1 =	sld [smem:$0x3FA2]  }
0x28: {  	s2 =	sld [smem:$0x3FA3]  }
0x29: {  	s4 =	sld [smem:$0x3FA5]  }
0x2a: {  	p0 =	seq.s32 s5, $0x0;
	s5 =	sld [smem:$0x3FA6]  }
0x2b: {  	s6 =	sld [smem:$0x3FA7]  }
0x2c: {  	s7 =	sld [smem:$0x3FA8]  }
0x2d: {  	s3 =	simm.s32 $0x108;
	s8 =	sld [smem:$0x3FA9]  }
0x2e: {  	s3 =	simm.s32 @!p0 $0x1082;
	s9 =	sld [smem:$0x3FAA]  }
0x2f: {  	lr =	sadd.s32 s0, s3;
	s0 =	sld [smem:$0x3FA1]  }
0x30: {  	s3 =	sld [smem:$0x3FA4]  }
0x31: {  	[smem:$0x3FAD] =	sst s10  }
0x32: {  	s10 =	sld [smem:$0x3FAB];
	_ =	sdelay $0x3  }
0x33: {  	p0 =	seq.s32 s10, $0x1;
	s10 =	sld [smem:$0x3FAD];
	_ =	sdelay $0x3  }
0x34: {  	[smem:$0x3FAD] =	sst s10  }
0x35: {  	s10 =	sld [smem:$0x3FAC];
	_ =	sdelay $0x3  }
0x36: {  	p1 =	seq.s32 s10, $0x1;
	s10 =	sld [smem:$0x3FAD];
	_ =	sdelay $0x3  }
0x37: {  	[smem:$0x3FAD] =	sst s10  }
0x38: {  	s10 =	sld [smem:$0x3FAE]  }
0x39: {  	_ = 	snop;
	(pc) =	sbr.ind lr, $3  }
0x3a: {  	_ = 	snop  }
0x3b: {  	_ = 	snop  }
0x3c: {  	p2 =	seq.s32 s10, $0x1;
	s10 =	sld [smem:$0x3FAD]  }
0x3d: {  	_ =	shalt  }
0x3e: {  	_ =	shalt  }
0x3f: {  	_ =	shalt  }
0x40: {  	_ =	shalt  }
0x41: {  	_ =	shalt  }
0x42: {  	_ =	shalt  }
0x43: {  	_ =	shalt  }
0x44: {  	_ =	shalt  }
0x45: {  	_ =	shalt  }
0x46: {  	_ =	shalt  }
0x47: {  	_ =	shalt  }
0x48: {  	_ =	shalt  }
0x49: {  	_ =	shalt  }
0x4a: {  	_ =	shalt  }
0x4b: {  	_ =	shalt  }
0x4c: {  	_ =	shalt  }
0x4d: {  	_ =	shalt  }
0x4e: {  	_ =	shalt  }
0x4f: {  	_ =	shalt  }
0x50: {  	_ =	shalt  }
0x51: {  	_ =	shalt  }
0x52: {  	_ =	shalt  }
0x53: {  	_ =	shalt  }
0x54: {  	_ =	shalt  }
0x55: {  	_ =	shalt  }
0x56: {  	_ =	shalt  }
0x57: {  	_ =	shalt  }
0x58: {  	_ =	shalt  }
0x59: {  	_ =	shalt  }
0x5a: {  	_ =	shalt  }
0x5b: {  	_ =	shalt  }
0x5c: {  	_ =	shalt  }
0x5d: {  	_ =	shalt  }
0x5e: {  	_ =	shalt  }
0x5f: {  	_ =	shalt  }
0x60: {  	_ =	shalt  }
0x61: {  	_ =	shalt  }
0x62: {  	_ =	shalt  }
0x63: {  	_ =	shalt  }
0x64: {  	_ =	shalt  }
0x65: {  	_ =	shalt  }
0x66: {  	_ =	shalt  }
0x67: {  	_ =	shalt  }
0x68: {  	_ =	shalt  }
0x69: {  	_ =	shalt  }
0x6a: {  	_ =	shalt  }
0x6b: {  	_ =	shalt  }
0x6c: {  	_ =	shalt  }
0x6d: {  	_ =	shalt  }
0x6e: {  	_ =	shalt  }
0x6f: {  	_ =	shalt  }
0x70: {  	_ =	shalt  }
0x71: {  	_ =	shalt  }
0x72: {  	_ =	shalt  }
0x73: {  	_ =	shalt  }
0x74: {  	_ =	shalt  }
0x75: {  	_ =	shalt  }
0x76: {  	_ =	shalt  }
0x77: {  	_ =	shalt  }
0x78: {  	_ =	shalt  }
0x79: {  	_ =	shalt  }
0x7a: {  	_ =	shalt  }
0x7b: {  	_ =	shalt  }
0x7c: {  	_ =	shalt  }
0x7d: {  	_ =	shalt  }
0x7e: {  	_ =	shalt  }
0x7f: {  	_ =	shalt  }
0x80: {  	_ =	shalt  }
0x81: {  	_ =	shalt  }
0x82: {  	_ =	shalt  }
0x83: {  	_ =	shalt  }
0x84: {  	_ =	shalt  }
0x85: {  	_ =	shalt  }
0x86: {  	_ =	shalt  }
0x87: {  	_ =	shalt  }
.Lfunc_end0:
.L_simem_size_0:
called_computation.2_lowered:
.L_overlay_start_0:
0x88: {  	s2 =	sld [smem:$0x3FD9]  }
0x89: {  	s3 =	sld [smem:$0x3FFE];
	_ =	sdelay $0x1  }
0x8a: {  	s1 =	srdreg.scid  }
0x8b: {  	s0 =	sand.u32 $0x1, s1  }
0x8c: {  	s17 =	sshll.u32 s0, $0xA;
	s2 =	sadd.s32 s3, s2  }
0x8d: {  	s2 =	sadd.s32 s2, s17  }
0x8e: {  	[smem:$0x3FB9] =	sst s2  }
0x8f: {  	_ = 	snop  }
0x90: {  	s2 =	sld [smem:$0x3FD0];
	(tm) =	ssettm $0x1  }
0x91: {  	s18 =	sld [smem:$0x3FFB];
	_ =	sdelay $0x3  }
0x92: {  	_ =	strace s18  }
0x93: {  	s3 =	sld [smem:$0x3FFC];
	_ =	sdelay $0x3  }
0x94: {  	_ =	strace s3  }
0x95: {  	s3 =	sld [smem:$0x3FFD];
	_ =	sdelay $0x3  }
0x96: {  	_ =	strace s3  }
0x97: {  	_ =	strace $0x8FFFFFFF  }
0x98: {  	s19 =	sld [smem:$0x3FDB];
	_ =	sdelay $0x1  }
0x99: {  	s4 =	simm.s32 $_scs_section_size  }
0x9a: {  	s5 =	simm.s32 $_size__tile_overlayer_lowered;
	s6 =	simm.s32 $_tile_overlayer_lowered  }
0x9b: {  	s22 =	simm.s32 $0x1BFF;
	s21 =	sshll.u32 s6, $0x1;
	s3 =	sadd.s32 s4, s19  }
0x9c: {  	s7 =	simm.s32 $0x0;
	s20 =	sshll.u32 s5, $0x1;
	s5 =	sadd.s32 s21, s3  }
0x9d: {  	[timem:s7], [sflag:s22] =	dma.local [hbm:s5], s20  }
0x9e: {  	_ =	swait.ge [sflag:s22], s20  }
0x9f: {  	s4 =	ssub.s32 $0x0, s20;
	[sflag:s22] =	ssyncset.done $0x0  }
0xa0: {  	[sflag:s22] =	ssyncadd.s32 s4;
	_ =	sdelay $0x1  }
0xa1: {  	s23 =	simm.s32 $0x1B8B  }
0xa2: {  	_ =	swait.ge [sflag:s23], $0x1  }
0xa3: {  	[sflag:s23] =	ssyncset.done $0x0  }
0xa4: {  	s25 =	simm.s32 $0x1B8E;
	s24 =	sld [smem:$0x3FFE];
	[sflag:s23] =	ssyncadd.s32 $0xFFFFFFFF  }
0xa5: {  	s26 =	simm.s32 $execute0_lowered;
	[smem:$0x3FD2] =	sst s25  }
0xa6: {  	s5 =	sshll.u32 s26, $0x1;
	_ =	strace $0x8000004C;
	[dreg:$0x1] =	wrdreg $0xFFFFFFFF  }
0xa7: {  	s28 =	simm.s32 $_size_execute0_lowered;
	s3 =	sadd.s32 s3, s5;
	[dreg:$0x0] =	wrdreg $0x0  }
0xa8: {  	s5 =	sshll.u32 s28, $0x1;
	[dreg:$0x2] =	wrdreg s3  }
0xa9: {  	[dreg:$0x3] =	wrdreg s5  }
0xaa: {  	[dreg:$0x4] =	wrdreg $0xC0  }
0xab: {  	_ =	task [dreg:s7], $0x5FFFF  }
0xac: {  	[dreg:$0x1] =	wrdreg $0xFFFFFFFF  }
0xad: {  	[dreg:$0x0] =	wrdreg $0x60  }
0xae: {  	[dreg:$0x2] =	wrdreg s24  }
0xaf: {  	[dreg:$0x3] =	wrdreg s2  }
0xb0: {  	[dreg:$0x4] =	wrdreg $0xA9000  }
0xb1: {  	[dreg:$0x5] =	wrdreg $0x9  }
0xb2: {  	_ =	task.clear_ibuf [dreg:s7], $0x6FFFF;
	_ =	strace $0x9000004C  }
0xb3: {  	s29 =	simm.s32 $0x9;
	_ =	strace $0x8000004E  }
0xb4: {  	_ =	swait.ge [sflag:s29], $0x1  }
0xb5: {  	[sflag:s29] =	ssyncadd.s32 $0xFFFFFFFF  }
0xb6: {  	_ =	strace $0x9000004E  }
0xb7: {  	_ =	sfence  }
0xb8: {  	s30 =	sld [smem:$0x0];
	_ =	sdelay $0x2  }
0xb9: {  	s31 =	sshll.u32 s1, $0xD;
	s1 =	sshrl.u32 s1, $0x2  }
0xba: {  	s3 =	sand.u32 $0x4000, s31;
	s1 =	sadd.s32 s1, s30  }
0xbb: {  	s0 =	sor.u32 s3, s0;
	s1 =	sshll.u32 s1, $0x11  }
0xbc: {  	s0 =	sor.u32 s1, s0  }
0xbd: {  	s0 =	sadd.s32 $0x8F2B, s0  }
0xbe: {  	[sflag:s0] =	ssyncadd.remote.s32 $0x1  }
0xbf: {  	_ =	sfence.sel $0xFFFF  }
0xc0: {  	[dreg:$0x0] =	wrdreg $0xFFFFFFFF;
	(pc) =	sbr.abs _section_cstart, $3  }
0xc1: {  	[dreg:$0x1] =	wrdreg $0xFFFFFFFF  }
0xc2: {  	_ =	task.clear_ibuf [dreg:s7], $0x2FFFF;
	_ =	strace $0x9FFFFFFF  }
0xc3: {  	(tm) =	ssettm $0x7FFFFFFF  }
tec
execute0_lowered:
.L_overlay_start_1:
0x0: {  	(tag) =	ssettag $0x1  }
0x1: {  	s6 =	rddreg [dreg:$0x0]  }
0x2: {  	s2 =	rddreg [dreg:$0x1];
	s0 =	srdreg.scid  }
0x3: {  	s3 =	rddreg [dreg:$0x2];
	s1 =	stileid.u32;
	s4 =	simm.s32 $0x0  }
0x4: {  	s18 =	simm.s32 $0x80;
	s19 =	simm.s32 $0x2900;
	s20 =	simm.s32 $0x2  }
0x5: {  	s21 =	simm.s32 $0x6900;
	s7 =	sand.u32 $0x1, s0;
	s0 =	rddreg [dreg:$0x3]  }
0x6: {  	s22 =	simm.s32 $0x0;
	s8 =	smul.u32 $0x278, s1;
	[smem:$0x7FF] =	sst s4  }
0x7: {  	s30 =	sshll.u32 s1, $0x6;
	s17 =	smul.u32 $0x2800, s1;
	s5 =	sshll.u32 s7, $0x4  }
0x8: {  	s10 =	smul.u32 $0x2710, s7;
	_ =	strace $0x8000004D;
	s28 =	ssub.s32 $0x2, s7  }
0x9: {  	s16 =	smul.u32 $0x28000, s7;
	s7 =	sor.u32 $0x1C03, s30;
	s9 =	sor.u32 s1, s5  }
0xa: {  	s8 =	smin.u32 s8, $0x2498;
	s5 =	sadd.s32 $0x3600, s6;
	s29 =	sshrl.u32 s28, $0x1  }
0xb: {  	s11 =	smul.u32 $0x500, s9;
	s10 =	sadd.s32 s10, s8;
	s12 =	sshll.u32 s8, $0x4  }
0xc: {  	s8 =	sshll.u32 s8, $0x7;
	s9 =	smul.u32 $0x2800, s9;
	s14 =	ssub.s32 s28, s29  }
0xd: {  	s16 =	sadd.s32 s17, s16;
	s17 =	simm.s32 $0x1;
	s10 =	sshll.u32 s10, $0x4  }
0xe: {  	s12 =	sadd.s32 s12, s6;
	s15 =	sadd.s32 s8, s3;
	s11 =	sadd.s32 s11, s6  }
0xf: {  	s13 =	sadd.s32 s10, s6;
	s31 =	sshrl.u32 s9, $0x3;
	s6 =	sadd.s32 $0x3E400, s12  }
0x10: {  	s12 =	smax.u32 s14, $0x1;
	s14 =	sshrl.u32 s15, $0x3;
	s15 =	simm.s32 $0x3  }
0x11: {  	s8 =	sadd.s32 s2, s31;
	s9 =	sadd.s32 $0xB4200, s11;
	s11 =	sadd.s32 $0x65600, s13  }
0x12: {  	s13 =	sor.u32 $0x180, s16;
	s16 =	simm.s32 $0x100;
	s10 =	sadd.s32 $0x10, s8  }
.LBB2_1:
0x13: {  	[spmem:s14], [sflag:s7] =	dma.local [hbm:s6], $0x2780  }
0x14: {  	_ =	swait.ge [sflag:s15], $0x2780  }
0x15: {  	[sflag:s15] =	ssyncset.done $0x0  }
0x16: {  	[sflag:s15] =	ssyncadd.s32 $0xFFFFD880  }
0x17: {  	[tilespmem:s16], [sflag:$0x3] =	stream.linear.gather [hbm4b:s9+s4], $0x2800, $0x38;
	[tilespmem:$0x1E1C0] =	vst v63  }
0x18: {  	_ =	swait.ge [sflag:s15], $0x2800  }
0x19: {  	[sflag:s15] =	ssyncset.done $0x0  }
0x1a: {  	[sflag:s15] =	ssyncadd.s32 $0xFFFFD800  }
0x1b: {  	[bflag:$0x0] =	sbarrier.arrive $0xFFFF  }
0x1c: {  	[tilespmem:s4], [sflag:$0x1] =	stream.linear.gather [hbm4b:s8+s4], $0x80, $0x38;
	[tilespmem:$0x1E1C0] =	vst v63  }
0x1d: {  	_ =	swait.ge [sflag:s17], $0x80  }
0x1e: {  	[sflag:s17] =	ssyncset.done $0x0  }
0x1f: {  	[sflag:s17] =	ssyncadd.s32 $0xFFFFFF80  }
0x20: {  	[tilespmem:s19], [sflag:$0x2] =	stream.indirect.gather [hbm4b:s5+s18], $0x80, s4, s18, $0xb8;
	[tilespmem:$0x1E1C0] =	vst v63  }
0x21: {  	_ = 	snop  }
0x22: {  	[tilespmem:s18], [sflag:$0x1] =	stream.linear.gather [hbm4b:s10+s4], $0x80, $0x38;
	[tilespmem:$0x1E1C0] =	vst v63  }
0x23: {  	_ =	swait.ge [sflag:s20], $0x4000  }
0x24: {  	[sflag:s20] =	ssyncset.done $0x0  }
0x25: {  	[sflag:s20] =	ssyncadd.s32 $0xFFFFC000  }
0x26: {  	_ =	swait.ge [sflag:s17], $0x80  }
0x27: {  	[sflag:s17] =	ssyncset.done $0x0  }
0x28: {  	s24 =	sadd.s32 $0xFFFFFF80, s13;
	[sflag:s17] =	ssyncadd.s32 $0xFFFFFF80  }
0x29: {  	[tilespmem:s21], [sflag:$0x2] =	stream.indirect.gather [hbm4b:s5+s18], $0x80, s18, s18, $0xb8;
	[tilespmem:$0x1E1C0] =	vst v63  }
0x2a: {  	s23 =	simm.s32 $0x100;
	p0 =	slt.s32 s24, $0x4FF80  }
0x2b: {  	[spmem:s3] =	stream.indirect.scatter.add.f32 [tilespmem:s19], [sflag:$0x3], $0x80, s23, s18, $0xb8;
	[tilespmem:$0x1E1C0] =	vst v63  }
0x2c: {  	s24 =	simm.s32 @!p0 $0x4FF80;
	_ =	swait.ge [sflag:s15], $0x4000  }
0x2d: {  	s30 =	sshrl.u32 s24, $0x3;
	[sflag:s15] =	ssyncset.done $0x0  }
0x2e: {  	s23 =	sadd.s32 s2, s30;
	[sflag:s15] =	ssyncadd.s32 $0xFFFFC000  }
0x2f: {  	[tilespmem:s4], [sflag:$0x1] =	stream.linear.gather [hbm4b:s23+s4], $0x80, $0x38;
	[tilespmem:$0x1E1C0] =	vst v63  }
0x30: {  	_ =	swait.ge [sflag:s20], $0x4000  }
0x31: {  	[sflag:s20] =	ssyncset.done $0x0  }
0x32: {  	[sflag:s20] =	ssyncadd.s32 $0xFFFFC000  }
0x33: {  	_ =	swait.ge [sflag:s17], $0x80  }
0x34: {  	[sflag:s17] =	ssyncset.done $0x0  }
0x35: {  	p0 =	slt.s32 s13, $0x4FF80;
	s24 =	smov.u32 s13;
	[sflag:s17] =	ssyncadd.s32 $0xFFFFFF80  }
0x36: {  	[tilespmem:s19], [sflag:$0x2] =	stream.indirect.gather [hbm4b:s5+s18], $0x80, s4, s18, $0xb8;
	[tilespmem:$0x1E1C0] =	vst v63  }
0x37: {  	s31 =	simm.s32 $0x180;
	s24 =	simm.s32 @!p0 $0x4FF80  }
0x38: {  	[spmem:s3] =	stream.indirect.scatter.add.f32 [tilespmem:s21], [sflag:$0x3], $0x80, s31, s18, $0xb8;
	[tilespmem:$0x1E1C0] =	vst v63  }
0x39: {  	s25 =	sshrl.u32 s24, $0x3;
	_ =	swait.ge [sflag:s15], $0x4000  }
0x3a: {  	s24 =	smov.u32 s13;
	s23 =	simm.s32 $0x400;
	[sflag:s15] =	ssyncset.done $0x0  }
.LBB2_2:
0x3b: {  	[sflag:s15] =	ssyncadd.s32 $0xFFFFC000  }
0x3c: {  	s25 =	sadd.s32 s2, s25;
	s24 =	sadd.s32 $0x100, s24;
	s26 =	smov.u32 s23  }
0x3d: {  	[tilespmem:s18], [sflag:$0x1] =	stream.linear.gather [hbm4b:s25+s4], $0x80, $0x38;
	[tilespmem:$0x1E1C0] =	vst v63  }
0x3e: {  	p0 =	sne.s32 s23, $0x9C00;
	s23 =	sadd.s32 $0x400, s23;
	_ =	swait.ge [sflag:s20], $0x4000  }
0x3f: {  	[sflag:s20] =	ssyncset.done $0x0  }
0x40: {  	[sflag:s20] =	ssyncadd.s32 $0xFFFFC000  }
0x41: {  	_ =	swait.ge [sflag:s17], $0x80  }
0x42: {  	[sflag:s17] =	ssyncset.done $0x0  }
0x43: {  	s25 =	sshra.s32 s26, $0x2;
	[sflag:s17] =	ssyncadd.s32 $0xFFFFFF80  }
0x44: {  	[tilespmem:s21], [sflag:$0x2] =	stream.indirect.gather [hbm4b:s5+s18], $0x80, s18, s18, $0xb8;
	[tilespmem:$0x1E1C0] =	vst v63  }
0x45: {  	s28 =	sadd.s32 $0xFFFFFF80, s24;
	s26 =	sadd.s32 $0x100, s25  }
0x46: {  	[spmem:s3] =	stream.indirect.scatter.add.f32 [tilespmem:s19], [sflag:$0x3], $0x80, s26, s18, $0xb8;
	[tilespmem:$0x1E1C0] =	vst v63  }
0x47: {  	p1 =	slt.s32 s28, $0x4FF80;
	_ =	swait.ge [sflag:s15], $0x4000  }
0x48: {  	s28 =	simm.s32 @!p1 $0x4FF80;
	[sflag:s15] =	ssyncset.done $0x0  }
0x49: {  	s26 =	sshrl.u32 s28, $0x3;
	[sflag:s15] =	ssyncadd.s32 $0xFFFFC000  }
0x4a: {  	s26 =	sadd.s32 s2, s26  }
0x4b: {  	[tilespmem:s4], [sflag:$0x1] =	stream.linear.gather [hbm4b:s26+s4], $0x80, $0x38;
	[tilespmem:$0x1E1C0] =	vst v63  }
0x4c: {  	_ =	swait.ge [sflag:s20], $0x4000  }
0x4d: {  	[sflag:s20] =	ssyncset.done $0x0  }
0x4e: {  	[sflag:s20] =	ssyncadd.s32 $0xFFFFC000  }
0x4f: {  	_ =	swait.ge [sflag:s17], $0x80  }
0x50: {  	[sflag:s17] =	ssyncset.done $0x0  }
0x51: {  	s25 =	sadd.s32 $0x180, s25;
	[sflag:s17] =	ssyncadd.s32 $0xFFFFFF80  }
0x52: {  	[tilespmem:s19], [sflag:$0x2] =	stream.indirect.gather [hbm4b:s5+s18], $0x80, s4, s18, $0xb8;
	[tilespmem:$0x1E1C0] =	vst v63  }
.Ltmp0:
0x53: {  	p1 =	slt.s32 s24, $0x4FF80;
	(pc) =	sbr.rel @p0 .LBB2_2-.Ltmp0, $4  }
0x54: {  	[spmem:s3] =	stream.indirect.scatter.add.f32 [tilespmem:s21], [sflag:$0x3], $0x80, s25, s18, $0xb8;
	[tilespmem:$0x1E1C0] =	vst v63  }
0x55: {  	s25 =	smov.u32 s24  }
0x56: {  	_ =	swait.ge [sflag:s15], $0x4000;
	s25 =	simm.s32 @!p1 $0x4FF80  }
0x57: {  	[sflag:s15] =	ssyncset.done $0x0;
	s25 =	sshrl.u32 s25, $0x3  }
0x58: {  	[sflag:s15] =	ssyncadd.s32 $0xFFFFC000;
	s23 =	sadd.s32 s2, s25  }
0x59: {  	[tilespmem:s18], [sflag:$0x1] =	stream.linear.gather [hbm4b:s23+s4], $0x80, $0x38;
	[tilespmem:$0x1E1C0] =	vst v63  }
0x5a: {  	_ =	swait.ge [sflag:s20], $0x4000  }
0x5b: {  	[sflag:s20] =	ssyncset.done $0x0  }
0x5c: {  	[sflag:s20] =	ssyncadd.s32 $0xFFFFC000  }
0x5d: {  	_ =	swait.ge [sflag:s17], $0x80  }
0x5e: {  	s22 =	sadd.s32 $0x1, s22;
	[sflag:s17] =	ssyncset.done $0x0  }
0x5f: {  	p0 =	sne.s32 s22, s12;
	[sflag:s17] =	ssyncadd.s32 $0xFFFFFF80  }
.Ltmp1:
0x60: {  	[bflag:$0x0] =	sbarrier.arrive $0xFFFF;
	(pc) =	sbr.rel @p0 .LBB2_1-.Ltmp1, $4  }
0x61: {  	[hbm:s11], [sflag:s7] =	dma.local [spmem:s14], $0x2780  }
0x62: {  	_ =	swait.ge [sflag:s15], $0x2780  }
0x63: {  	[sflag:s15] =	ssyncset.done $0x0  }
0x64: {  	[sflag:s15] =	ssyncadd.s32 $0xFFFFD880  }
0x65: {  	_ =	sfence.sel $0x180000  }
0x66: {  	[bflag:$0x0] =	sbarrier.arrive $0xFFFF  }
0x67: {  	p0 =	sne.s32 s1, $0x0;
	_ =	strace $0x9000004D  }
0x68: {  	s0 =	sadd.s32 @!p0 $0x100000, s0;
	[bflag:$0x2] =	sbarrier.arrive $0xFFFF  }
0x69: {  	[sflag:s0] =	ssyncadd.tile.s32 @!p0 $0x1;
	_ =	shalt  }
.Lfunc_end2:
_tile_overlayer_lowered:
.L_overlay_start_2:
0x6a: {  	(tag) =	ssettag $0x2  }
0x6b: {  	s0 =	rddreg [dreg:$0x0];
	s2 =	stileid.u32  }
0x6c: {  	s1 =	rddreg [dreg:$0x1];
	p0 =	sne.s32 s2, $0x0  }
0x6d: {  	s3 =	rddreg [dreg:$0x2];
	[bflag:$0x3] =	sbarrier.arrive $0xFFFF;
	s2 =	simm.s32 @!p0 $0x1C03  }
0x6e: {  	[timem:s3], [sflag:s2] =	dma.local @!p0 [hbm:s0], s1  }
0x6f: {  	s0 =	simm.s32 @!p0 $0x3  }
0x70: {  	_ =	swait.ge @!p0 [sflag:s0], s1  }
0x71: {  	s1 =	ssub.s32 @!p0 $0x0, s1;
	[sflag:s0] =	ssyncset.done @!p0 $0x0  }
0x72: {  	[sflag:s0] =	ssyncadd.s32 @!p0 s1  }
0x73: {  	[bflag:$0x3] =	sbarrier.arrive $0xFFFF  }
0x74: {  	_ =	shalt  }

// kernel: kernel.9.cloned.1.call-start
scs
__scs_entry_jumppad:
0x0: {  	(pc) =	sbr.rel $0x88, $3  }
0x1: {  	(tag) =	ssettag $0x0;
	lr =	simm.s32 $0x1  }
0x2: {  	[smem:$0x3F92] =	sst lr;
	_ =	strace $0xD0000000  }
0x3: {  	_ = 	snop  }
0x4: {  	_ = 	snop  }
0x5: {  	_ = 	snop  }
0x6: {  	_ = 	snop  }
0x7: {  	_ = 	snop  }
__scs_overlays_trampoline_lowered:
0x8: {  	[smem:$0x3FA1] =	sst s0  }
0x9: {  	[smem:$0x3FA2] =	sst s1  }
0xa: {  	[smem:$0x3FA3] =	sst s2  }
0xb: {  	[smem:$0x3FA4] =	sst s3  }
0xc: {  	[smem:$0x3FA5] =	sst s4  }
0xd: {  	[smem:$0x3FA6] =	sst s5  }
0xe: {  	[smem:$0x3FA7] =	sst s6  }
0xf: {  	[smem:$0x3FA8] =	sst s7  }
0x10: {  	[smem:$0x3FA9] =	sst s8  }
0x11: {  	[smem:$0x3FAA] =	sst s9;
	s0 =	simm.s32 @!p0 $0x0  }
0x12: {  	s1 =	sld [smem:$0x3F90];
	s0 =	simm.s32 @p0 $0x1  }
0x13: {  	[smem:$0x3FAB] =	sst s0;
	s0 =	simm.s32 @!p1 $0x0  }
0x14: {  	s2 =	sld [smem:$0x3F8F];
	s0 =	simm.s32 @p1 $0x1  }
0x15: {  	[smem:$0x3FAC] =	sst s0;
	s0 =	simm.s32 @!p2 $0x0  }
0x16: {  	s3 =	sld [smem:$0x3FDB];
	s0 =	simm.s32 @p2 $0x1  }
0x17: {  	s4 =	simm.s32 $0x1BF5;
	[smem:$0x3FAE] =	sst s0  }
0x18: {  	s0 =	sld [smem:$0x3F91];
	_ =	swait.ge [sflag:s4], $0x0  }
0x19: {  	s7 =	sld [smem:$0x3F92]  }
0x1a: {  	s8 =	sadd.s32 $0xFFFFE003, lr  }
0x1b: {  	s9 =	sadd.s32 $0xFFFFFEF7, lr;
	s5 =	simm.s32 $0xFFFFFFFF;
	p2 =	slt.u32 s8, $0xFFFFF086  }
0x1c: {  	p1 =	slt.u32 s9, $0xF7A;
	s5 =	simm.s32 @!p2 $0x0  }
0x1d: {  	s5 =	simm.s32 @p1 $0x1;
	p0 =	seq.s32 s7, s2  }
0x1e: {  	s7 =	smul.u32 @!p0 $0xF7A, s2;
	p2 =	seq.s32 @!p0 s5, $0x0  }
0x1f: {  	s9 =	smul.u32 $0xF7A, s1;
	s8 =	simm.s32 @!p0 $0x1BF5;
	p2 =	por !p2, p0  }
0x20: {  	[sflag:s8] =	ssyncset.s32 @!p0 $0xFFFFF086;
	s6 =	sadd.s32 @!p0 s3, s7;
	s7 =	simm.s32 @!p0 $0x108  }
0x21: {  	s3 =	sadd.s32 s3, s9;
	s6 =	sadd.s32 @!p0 $0x88, s6;
	s7 =	simm.s32 @p2 $0x1082  }
0x22: {  	[simem:s7], [sflag:s8] =	dma.local @!p0 [hbm:s6], $0xF7A  }
0x23: {  	s9 =	sor.u32 $0xD0000000, s2;
	s6 =	simm.s32 $0x108;
	_ =	swait.ge @!p0 [sflag:s8], $0x0  }
0x24: {  	s3 =	sadd.s32 $0x88, s3;
	s6 =	simm.s32 @!p1 $0x1082;
	[sflag:s4] =	ssyncset.s32 $0xFFFFF086  }
0x25: {  	[simem:s6], [sflag:s4] =	dma.local [hbm:s3], $0xF7A  }
0x26: {  	[smem:$0x3F92] =	sst s1;
	(tag) =	ssettag s2;
	_ =	strace s9  }
0x27: {  	s1 =	sld [smem:$0x3FA2]  }
0x28: {  	s2 =	sld [smem:$0x3FA3]  }
0x29: {  	s4 =	sld [smem:$0x3FA5]  }
0x2a: {  	p0 =	seq.s32 s5, $0x0;
	s5 =	sld [smem:$0x3FA6]  }
0x2b: {  	s6 =	sld [smem:$0x3FA7]  }
0x2c: {  	s7 =	sld [smem:$0x3FA8]  }
0x2d: {  	s3 =	simm.s32 $0x108;
	s8 =	sld [smem:$0x3FA9]  }
0x2e: {  	s3 =	simm.s32 @!p0 $0x1082;
	s9 =	sld [smem:$0x3FAA]  }
0x2f: {  	lr =	sadd.s32 s0, s3;
	s0 =	sld [smem:$0x3FA1]  }
0x30: {  	s3 =	sld [smem:$0x3FA4]  }
0x31: {  	[smem:$0x3FAD] =	sst s10  }
0x32: {  	s10 =	sld [smem:$0x3FAB];
	_ =	sdelay $0x3  }
0x33: {  	p0 =	seq.s32 s10, $0x1;
	s10 =	sld [smem:$0x3FAD];
	_ =	sdelay $0x3  }
0x34: {  	[smem:$0x3FAD] =	sst s10  }
0x35: {  	s10 =	sld [smem:$0x3FAC];
	_ =	sdelay $0x3  }
0x36: {  	p1 =	seq.s32 s10, $0x1;
	s10 =	sld [smem:$0x3FAD];
	_ =	sdelay $0x3  }
0x37: {  	[smem:$0x3FAD] =	sst s10  }
0x38: {  	s10 =	sld [smem:$0x3FAE]  }
0x39: {  	_ = 	snop;
	(pc) =	sbr.ind lr, $3  }
0x3a: {  	_ = 	snop  }
0x3b: {  	_ = 	snop  }
0x3c: {  	p2 =	seq.s32 s10, $0x1;
	s10 =	sld [smem:$0x3FAD]  }
0x3d: {  	_ =	shalt  }
0x3e: {  	_ =	shalt  }
0x3f: {  	_ =	shalt  }
0x40: {  	_ =	shalt  }
0x41: {  	_ =	shalt  }
0x42: {  	_ =	shalt  }
0x43: {  	_ =	shalt  }
0x44: {  	_ =	shalt  }
0x45: {  	_ =	shalt  }
0x46: {  	_ =	shalt  }
0x47: {  	_ =	shalt  }
0x48: {  	_ =	shalt  }
0x49: {  	_ =	shalt  }
0x4a: {  	_ =	shalt  }
0x4b: {  	_ =	shalt  }
0x4c: {  	_ =	shalt  }
0x4d: {  	_ =	shalt  }
0x4e: {  	_ =	shalt  }
0x4f: {  	_ =	shalt  }
0x50: {  	_ =	shalt  }
0x51: {  	_ =	shalt  }
0x52: {  	_ =	shalt  }
0x53: {  	_ =	shalt  }
0x54: {  	_ =	shalt  }
0x55: {  	_ =	shalt  }
0x56: {  	_ =	shalt  }
0x57: {  	_ =	shalt  }
0x58: {  	_ =	shalt  }
0x59: {  	_ =	shalt  }
0x5a: {  	_ =	shalt  }
0x5b: {  	_ =	shalt  }
0x5c: {  	_ =	shalt  }
0x5d: {  	_ =	shalt  }
0x5e: {  	_ =	shalt  }
0x5f: {  	_ =	shalt  }
0x60: {  	_ =	shalt  }
0x61: {  	_ =	shalt  }
0x62: {  	_ =	shalt  }
0x63: {  	_ =	shalt  }
0x64: {  	_ =	shalt  }
0x65: {  	_ =	shalt  }
0x66: {  	_ =	shalt  }
0x67: {  	_ =	shalt  }
0x68: {  	_ =	shalt  }
0x69: {  	_ =	shalt  }
0x6a: {  	_ =	shalt  }
0x6b: {  	_ =	shalt  }
0x6c: {  	_ =	shalt  }
0x6d: {  	_ =	shalt  }
0x6e: {  	_ =	shalt  }
0x6f: {  	_ =	shalt  }
0x70: {  	_ =	shalt  }
0x71: {  	_ =	shalt  }
0x72: {  	_ =	shalt  }
0x73: {  	_ =	shalt  }
0x74: {  	_ =	shalt  }
0x75: {  	_ =	shalt  }
0x76: {  	_ =	shalt  }
0x77: {  	_ =	shalt  }
0x78: {  	_ =	shalt  }
0x79: {  	_ =	shalt  }
0x7a: {  	_ =	shalt  }
0x7b: {  	_ =	shalt  }
0x7c: {  	_ =	shalt  }
0x7d: {  	_ =	shalt  }
0x7e: {  	_ =	shalt  }
0x7f: {  	_ =	shalt  }
0x80: {  	_ =	shalt  }
0x81: {  	_ =	shalt  }
0x82: {  	_ =	shalt  }
0x83: {  	_ =	shalt  }
0x84: {  	_ =	shalt  }
0x85: {  	_ =	shalt  }
0x86: {  	_ =	shalt  }
0x87: {  	_ =	shalt  }
.Lfunc_end0:
.L_simem_size_0:
called_computation_lowered:
.L_overlay_start_0:
0x88: {  	s2 =	sld [smem:$0x3FD9]  }
0x89: {  	s3 =	sld [smem:$0x3FFE];
	_ =	sdelay $0x1  }
0x8a: {  	s1 =	srdreg.scid  }
0x8b: {  	s0 =	sand.u32 $0x1, s1  }
0x8c: {  	s16 =	sshll.u32 s0, $0xA;
	s2 =	sadd.s32 s3, s2  }
0x8d: {  	s2 =	sadd.s32 s2, s16  }
0x8e: {  	[smem:$0x3FB9] =	sst s2  }
0x8f: {  	_ = 	snop  }
0x90: {  	(tm) =	ssettm $0x1  }
0x91: {  	s17 =	sld [smem:$0x3FFB];
	_ =	sdelay $0x3  }
0x92: {  	_ =	strace s17  }
0x93: {  	s2 =	sld [smem:$0x3FFC];
	_ =	sdelay $0x3  }
0x94: {  	_ =	strace s2  }
0x95: {  	s2 =	sld [smem:$0x3FFD];
	_ =	sdelay $0x3  }
0x96: {  	_ =	strace s2  }
0x97: {  	_ =	strace $0x8FFFFFFF  }
0x98: {  	s18 =	sld [smem:$0x3FDB];
	_ =	sdelay $0x1  }
0x99: {  	s19 =	simm.s32 $_scs_section_size  }
0x9a: {  	s4 =	simm.s32 $_size__tile_overlayer_lowered;
	s5 =	simm.s32 $_tile_overlayer_lowered  }
0x9b: {  	s22 =	simm.s32 $0x1BFF;
	s21 =	sshll.u32 s5, $0x1;
	s2 =	sadd.s32 s19, s18  }
0x9c: {  	s6 =	simm.s32 $0x0;
	s20 =	sshll.u32 s4, $0x1;
	s4 =	sadd.s32 s21, s2  }
0x9d: {  	[timem:s6], [sflag:s22] =	dma.local [hbm:s4], s20  }
0x9e: {  	_ =	swait.ge [sflag:s22], s20  }
0x9f: {  	s3 =	ssub.s32 $0x0, s20;
	[sflag:s22] =	ssyncset.done $0x0  }
0xa0: {  	[sflag:s22] =	ssyncadd.s32 s3;
	_ =	sdelay $0x1  }
0xa1: {  	s23 =	simm.s32 $0x1B8B  }
0xa2: {  	_ =	swait.ge [sflag:s23], $0x1  }
0xa3: {  	[sflag:s23] =	ssyncset.done $0x0  }
0xa4: {  	s25 =	simm.s32 $0x1B8E;
	s24 =	sld [smem:$0x3FFE];
	[sflag:s23] =	ssyncadd.s32 $0xFFFFFFFF  }
0xa5: {  	s26 =	simm.s32 $execute0_lowered;
	[smem:$0x3FD2] =	sst s25  }
0xa6: {  	s4 =	sshll.u32 s26, $0x1;
	_ =	strace $0x80000046;
	[dreg:$0x1] =	wrdreg $0xFFFFFFFF  }
0xa7: {  	s28 =	simm.s32 $_size_execute0_lowered;
	s2 =	sadd.s32 s2, s4;
	[dreg:$0x0] =	wrdreg $0x0  }
0xa8: {  	s4 =	sshll.u32 s28, $0x1;
	[dreg:$0x2] =	wrdreg s2  }
0xa9: {  	[dreg:$0x3] =	wrdreg s4  }
0xaa: {  	[dreg:$0x4] =	wrdreg $0xC0  }
0xab: {  	_ =	task [dreg:s6], $0x5FFFF  }
0xac: {  	[dreg:$0x1] =	wrdreg $0xFFFFFFFF  }
0xad: {  	[dreg:$0x0] =	wrdreg $0x60  }
0xae: {  	[dreg:$0x2] =	wrdreg s24  }
0xaf: {  	[dreg:$0x3] =	wrdreg $0x53000  }
0xb0: {  	[dreg:$0x4] =	wrdreg $0x1B8800  }
0xb1: {  	[dreg:$0x5] =	wrdreg $0x9  }
0xb2: {  	_ =	task.clear_ibuf [dreg:s6], $0x6FFFF;
	_ =	strace $0x90000046  }
0xb3: {  	s29 =	simm.s32 $0x9;
	_ =	strace $0x80000048  }
0xb4: {  	_ =	swait.ge [sflag:s29], $0x1  }
0xb5: {  	[sflag:s29] =	ssyncadd.s32 $0xFFFFFFFF  }
0xb6: {  	_ =	strace $0x90000048  }
0xb7: {  	_ =	sfence  }
0xb8: {  	s30 =	sld [smem:$0x0];
	_ =	sdelay $0x2  }
0xb9: {  	s31 =	sshll.u32 s1, $0xD;
	s1 =	sshrl.u32 s1, $0x2  }
0xba: {  	s3 =	sand.u32 $0x4000, s31;
	s1 =	sadd.s32 s1, s30  }
0xbb: {  	s0 =	sor.u32 s3, s0;
	s1 =	sshll.u32 s1, $0x11  }
0xbc: {  	s0 =	sor.u32 s1, s0  }
0xbd: {  	s0 =	sadd.s32 $0x8F2B, s0  }
0xbe: {  	[sflag:s0] =	ssyncadd.remote.s32 $0x1  }
0xbf: {  	_ =	sfence.sel $0xFFFF  }
0xc0: {  	[dreg:$0x0] =	wrdreg $0xFFFFFFFF;
	(pc) =	sbr.abs _section_cstart, $3  }
0xc1: {  	[dreg:$0x1] =	wrdreg $0xFFFFFFFF  }
0xc2: {  	_ =	task.clear_ibuf [dreg:s6], $0x2FFFF;
	_ =	strace $0x9FFFFFFF  }
0xc3: {  	(tm) =	ssettm $0x7FFFFFFF  }
tec
execute0_lowered:
.L_overlay_start_1:
0x0: {  	(tag) =	ssettag $0x1  }
0x1: {  	s0 =	rddreg [dreg:$0x0]  }
0x2: {  	s2 =	rddreg [dreg:$0x1]  }
0x3: {  	s1 =	rddreg [dreg:$0x2]  }
0x4: {  	s3 =	simm.s32 $0x0;
	s15 =	stileid.u32;
	s4 =	srdreg.scid  }
0x5: {  	s28 =	simm.s32 $0x1B600;
	s29 =	simm.s32 $0x1B380;
	s6 =	smul.u32 $0x278, s15  }
0x6: {  	s30 =	simm.s32 $0x0;
	[smem:$0x7FF] =	sst s3;
	s10 =	smul.u32 $0x280, s15  }
0x7: {  	s7 =	sand.u32 $0x1, s4;
	s4 =	sadd.s32 $0x17200, s0;
	s24 =	smul.u32 $0x5000, s15  }
0x8: {  	s5 =	sadd.s32 $0xD400, s0;
	s20 =	sshrl.u32 s15, $0x3;
	s8 =	smul.u32 $0x2710, s7  }
0x9: {  	_ =	strace $0x80000047;
	s12 =	smul.u32 $0x2800, s7;
	s13 =	sshll.u32 s7, $0x4  }
0xa: {  	s31 =	ssub.s32 $0x2, s7;
	s9 =	smin.u32 s6, $0x2498;
	s6 =	sadd.s32 $0x3600, s0  }
0xb: {  	s13 =	sor.u32 s15, s13;
	s8 =	sadd.s32 s8, s9;
	s11 =	sshll.u32 s9, $0x4  }
0xc: {  	s10 =	sadd.s32 s10, s12;
	s13 =	smul.u32 $0x2710, s13;
	s9 =	sshll.u32 s9, $0x7  }
0xd: {  	s8 =	sshll.u32 s8, $0x4;
	s11 =	sadd.s32 s11, s0;
	s9 =	sadd.s32 s9, s2  }
0xe: {  	[dreg:$0x4] =	wrdreg s9;
	s16 =	sshrl.u32 s13, $0x3;
	s11 =	sadd.s32 $0x3E400, s11  }
0xf: {  	s10 =	sshrl.u32 s10, $0x3;
	[dreg:$0x5] =	wrdreg s11;
	s17 =	sadd.s32 s5, s16  }
0x10: {  	s8 =	sadd.s32 s8, s0;
	s18 =	sadd.s32 s6, s16;
	[dreg:$0x6] =	wrdreg s17  }
0x11: {  	s0 =	sadd.s32 s10, s0;
	s8 =	sadd.s32 $0x66000, s8;
	[dreg:$0x7] =	wrdreg s18  }
0x12: {  	s19 =	sadd.s32 $0xA, s16;
	s0 =	sadd.s32 $0x65600, s0;
	[dreg:$0xd] =	wrdreg s8  }
0x13: {  	s14 =	sshrl.u32 s31, $0x1;
	s21 =	sadd.s32 s5, s19;
	[dreg:$0x12] =	wrdreg s0  }
0x14: {  	s12 =	sadd.s32 $0x4D8, s16;
	s11 =	sadd.s32 s6, s19;
	[dreg:$0x8] =	wrdreg s21  }
0x15: {  	s26 =	sshrl.u32 s24, $0x2;
	s16 =	sadd.s32 s5, s12;
	[dreg:$0x9] =	wrdreg s11  }
0x16: {  	s10 =	ssub.s32 s31, s14;
	s12 =	sadd.s32 s6, s12;
	[dreg:$0xa] =	wrdreg s16  }
0x17: {  	s17 =	smax.u32 s10, $0x1;
	[dreg:$0xb] =	wrdreg s12;
	s16 =	sadd.s32 s26, s1  }
0x18: {  	s23 =	sshll.u32 s15, $0x7;
	[dreg:$0x13] =	wrdreg s17;
	s12 =	sadd.s32 $0x80, s16  }
0x19: {  	s14 =	sshll.u32 s15, $0x6;
	s13 =	sadd.s32 $0x100, s16;
	[dreg:$0xe] =	wrdreg s12  }
0x1a: {  	s9 =	sor.u32 $0x1C03, s14;
	s14 =	sadd.s32 $0x180, s16;
	[dreg:$0xf] =	wrdreg s13  }
0x1b: {  	s31 =	smul.u32 $0x2710, s15;
	s15 =	sadd.s32 $0x200, s16;
	[dreg:$0x10] =	wrdreg s14  }
0x1c: {  	s22 =	smul.u32 $0x50000, s20;
	s18 =	sadd.s32 $0x280, s16;
	[dreg:$0x11] =	wrdreg s15  }
0x1d: {  	s25 =	sand.u32 $0x380, s23;
	s19 =	sadd.s32 $0x300, s16;
	[dreg:$0x14] =	wrdreg s18  }
0x1e: {  	s7 =	smul.u32 $0x27100, s7;
	s20 =	sadd.s32 $0x380, s16;
	[dreg:$0x15] =	wrdreg s19  }
0x1f: {  	s11 =	sshrl.u32 s22, $0x2;
	s21 =	sadd.s32 $0x14000, s16;
	[dreg:$0x16] =	wrdreg s20  }
0x20: {  	s22 =	sadd.s32 s31, s7;
	s23 =	sadd.s32 $0x14080, s16;
	[dreg:$0x17] =	wrdreg s21  }
0x21: {  	s17 =	simm.s32 $0x200;
	s24 =	sadd.s32 $0x14100, s16;
	[dreg:$0x18] =	wrdreg s23  }
0x22: {  	s11 =	sadd.s32 s11, s1;
	s26 =	sadd.s32 $0x14200, s16;
	[dreg:$0x19] =	wrdreg s24  }
0x23: {  	s31 =	sadd.s32 $0x14280, s16;
	s10 =	sadd.s32 $0x14300, s16;
	[dreg:$0x1b] =	wrdreg s26  }
0x24: {  	s11 =	sadd.s32 s25, s11;
	s25 =	sadd.s32 $0x14180, s16;
	[dreg:$0x1c] =	wrdreg s31  }
0x25: {  	s12 =	simm.s32 $0x3;
	s13 =	simm.s32 $0x100;
	s14 =	simm.s32 $0x1  }
0x26: {  	s15 =	simm.s32 $0x50;
	s18 =	simm.s32 $0x80;
	s19 =	simm.s32 $0x180  }
0x27: {  	s20 =	simm.s32 $0x2;
	s21 =	simm.s32 $0x2A00;
	s23 =	simm.s32 $0x18B80  }
0x28: {  	s24 =	simm.s32 $0x5200;
	s26 =	simm.s32 $0x400;
	[dreg:$0xc] =	wrdreg s11  }
0x29: {  	v0 =	vimm.f32 $0.0e+00;
	v1 =	vimm.f32 $1.000000000e+00;
	[dreg:$0x1a] =	wrdreg s25;
	s11 =	sadd.s32 $0x14380, s16;
	s25 =	simm.s32 $0x5280  }
.LBB2_1:
0x2a: {  	s0 =	rddreg [dreg:$0x4]  }
0x2b: {  	s8 =	rddreg [dreg:$0x5];
	s31 =	sshrl.u32 s0, $0x3  }
0x2c: {  	[spmem:s31], [sflag:s9] =	dma.local [hbm:s8], $0x2780  }
0x2d: {  	_ =	swait.ge [sflag:s12], $0x2780  }
0x2e: {  	[sflag:s12] =	ssyncset.done $0x0  }
0x2f: {  	s1 =	simm.s32 $0x0;
	s0 =	simm.s32 $0x40;
	[sflag:s12] =	ssyncadd.s32 $0xFFFFD880  }
.LBB2_2:
0x30: {  	p0 =	sne.s32 s0, $0x9FC0;
	[tilespmem:s1+$0x18B80] =	vst v0;
	s1 =	smov.u32 s0;
	s0 =	sadd.s32 $0x40, s0  }
.Ltmp0:
0x31: {  	(pc) =	sbr.rel @p0 .LBB2_2-.Ltmp0, $2  }
0x32: {  	_ =	sdelay $0x2  }
0x33: {  	s1 =	sshra.s32 s1, $0x2  }
0x34: {  	[tilespmem:s1+$0x18B80] =	vst v0  }
0x35: {  	[bflag:$0x0] =	sbarrier.arrive $0xFFFF  }
0x36: {  	s0 =	rddreg [dreg:$0x6]  }
0x37: {  	[tilespmem:s3], [sflag:$0x1] =	stream.linear.gather [hbm4b:s0+s3], $0x50, $0x38;
	[tilespmem:$0x1E080] =	vst v63  }
0x38: {  	s1 =	rddreg [dreg:$0x7]  }
0x39: {  	[tilespmem:s13], [sflag:$0x1] =	stream.linear.gather [hbm4b:s1+s3], $0x50, $0x38;
	[tilespmem:$0x1E080] =	vst v63  }
0x3a: {  	_ =	swait.ge [sflag:s14], $0x50  }
0x3b: {  	[sflag:s14] =	ssyncset.done $0x0  }
0x3c: {  	[sflag:s14] =	ssyncadd.s32 $0xFFFFFFB0  }
0x3d: {  	_ =	swait.ge [sflag:s14], $0x50  }
0x3e: {  	[sflag:s14] =	ssyncset.done $0x0  }
0x3f: {  	[sflag:s14] =	ssyncadd.s32 $0xFFFFFFB0  }
0x40: {  	[tilespmem:s17], [sflag:$0x2] =	stream.indirect.gather [hbm4b:s4+s15], $0x80, s3, s15, $0xb8;
	[tilespmem:$0x1E080] =	vst v63  }
0x41: {  	s7 =	rddreg [dreg:$0x8]  }
0x42: {  	[tilespmem:s18], [sflag:$0x1] =	stream.linear.gather [hbm4b:s7+s3], $0x50, $0x38;
	[tilespmem:$0x1E080] =	vst v63  }
0x43: {  	s0 =	simm.s32 $0xFFFFD940;
	s8 =	rddreg [dreg:$0x9]  }
0x44: {  	[tilespmem:s19], [sflag:$0x1] =	stream.linear.gather [hbm4b:s8+s3], $0x50, $0x38;
	[tilespmem:$0x1E080] =	vst v63  }
.LBB2_4:
0x45: {  	_ =	swait.ge [sflag:s20], $0x2800  }
0x46: {  	[sflag:s20] =	ssyncset.done $0x0  }
0x47: {  	[sflag:s20] =	ssyncadd.s32 $0xFFFFD800  }
0x48: {  	_ =	swait.ge [sflag:s14], $0x50  }
0x49: {  	[sflag:s14] =	ssyncset.done $0x0  }
0x4a: {  	[sflag:s14] =	ssyncadd.s32 $0xFFFFFFB0  }
0x4b: {  	_ =	swait.ge [sflag:s14], $0x50  }
0x4c: {  	[sflag:s14] =	ssyncset.done $0x0  }
0x4d: {  	[sflag:s14] =	ssyncadd.s32 $0xFFFFFFB0  }
0x4e: {  	[tilespmem:s21], [sflag:$0x2] =	stream.indirect.gather [hbm4b:s4+s15], $0x80, s18, s15, $0xb8;
	[tilespmem:$0x1E080] =	vst v63  }
0x4f: {  	_ = 	snop  }
0x50: {  	[spmem:s2] =	stream.indirect.scatter.add.f32 [tilespmem:s17], [sflag:$0x3], $0x80, s13, s15, $0xb8;
	[tilespmem:$0x1E080] =	vst v63  }
0x51: {  	_ =	swait.ge [sflag:s12], $0x2800  }
0x52: {  	[sflag:s12] =	ssyncset.done $0x0  }
0x53: {  	[sflag:s12] =	ssyncadd.s32 $0xFFFFD800  }
0x54: {  	v2 =	vld [tilespmem:$0x100];
	_ =	sdelay $0x7  }
0x55: {  	[tilespmem:v2+s23+$0x0] =	vst.idx.add.f32.msk $0xffff, v1  }
0x56: {  	v2 =	vld [tilespmem:$0x110];
	_ =	sdelay $0x7  }
0x57: {  	[tilespmem:v2+s23+$0x0] =	vst.idx.add.f32.msk $0xffff, v1  }
0x58: {  	v2 =	vld [tilespmem:$0x120];
	_ =	sdelay $0x7  }
0x59: {  	[tilespmem:v2+s23+$0x0] =	vst.idx.add.f32.msk $0xffff, v1  }
0x5a: {  	v2 =	vld [tilespmem:$0x130];
	_ =	sdelay $0x7  }
0x5b: {  	[tilespmem:v2+s23+$0x0] =	vst.idx.add.f32.msk $0xffff, v1  }
0x5c: {  	v2 =	vld [tilespmem:$0x140];
	_ =	sdelay $0x4  }
0x5d: {  	s1 =	sadd.s32 s0, s22  }
0x5e: {  	s7 =	sadd.s32 $0x2760, s1  }
0x5f: {  	s7 =	sshrl.u32 s7, $0x3  }
0x60: {  	s8 =	sadd.s32 s5, s7;
	[tilespmem:v2+s23+$0x0] =	vst.idx.add.f32.msk $0xffff, v1  }
0x61: {  	[tilespmem:s3], [sflag:$0x1] =	stream.linear.gather [hbm4b:s8+s3], $0x50, $0x38;
	[tilespmem:$0x1E080] =	vst v63  }
0x62: {  	s7 =	sadd.s32 s6, s7  }
0x63: {  	[tilespmem:s13], [sflag:$0x1] =	stream.linear.gather [hbm4b:s7+s3], $0x50, $0x38;
	[tilespmem:$0x1E080] =	vst v63  }
0x64: {  	_ =	swait.ge [sflag:s20], $0x2800  }
0x65: {  	[sflag:s20] =	ssyncset.done $0x0  }
0x66: {  	[sflag:s20] =	ssyncadd.s32 $0xFFFFD800  }
0x67: {  	_ =	swait.ge [sflag:s14], $0x50  }
0x68: {  	[sflag:s14] =	ssyncset.done $0x0  }
0x69: {  	[sflag:s14] =	ssyncadd.s32 $0xFFFFFFB0  }
0x6a: {  	_ =	swait.ge [sflag:s14], $0x50  }
0x6b: {  	[sflag:s14] =	ssyncset.done $0x0  }
0x6c: {  	[sflag:s14] =	ssyncadd.s32 $0xFFFFFFB0  }
0x6d: {  	[tilespmem:s17], [sflag:$0x2] =	stream.indirect.gather [hbm4b:s4+s15], $0x80, s3, s15, $0xb8;
	[tilespmem:$0x1E080] =	vst v63  }
0x6e: {  	_ = 	snop  }
0x6f: {  	[spmem:s2] =	stream.indirect.scatter.add.f32 [tilespmem:s21], [sflag:$0x3], $0x80, s19, s15, $0xb8;
	[tilespmem:$0x1E080] =	vst v63  }
0x70: {  	_ =	swait.ge [sflag:s12], $0x2800  }
0x71: {  	[sflag:s12] =	ssyncset.done $0x0  }
0x72: {  	[sflag:s12] =	ssyncadd.s32 $0xFFFFD800  }
0x73: {  	v2 =	vld [tilespmem:$0x180];
	_ =	sdelay $0x7  }
0x74: {  	[tilespmem:v2+s23+$0x0] =	vst.idx.add.f32.msk $0xffff, v1  }
0x75: {  	v2 =	vld [tilespmem:$0x190];
	_ =	sdelay $0x7  }
0x76: {  	[tilespmem:v2+s23+$0x0] =	vst.idx.add.f32.msk $0xffff, v1  }
0x77: {  	v2 =	vld [tilespmem:$0x1A0];
	_ =	sdelay $0x7  }
0x78: {  	[tilespmem:v2+s23+$0x0] =	vst.idx.add.f32.msk $0xffff, v1  }
0x79: {  	v2 =	vld [tilespmem:$0x1B0];
	_ =	sdelay $0x7  }
0x7a: {  	[tilespmem:v2+s23+$0x0] =	vst.idx.add.f32.msk $0xffff, v1  }
0x7b: {  	v2 =	vld [tilespmem:$0x1C0];
	_ =	sdelay $0x3  }
0x7c: {  	s1 =	sadd.s32 $0x27B0, s1  }
0x7d: {  	p0 =	slt.s32 s1, $0x4E1B0  }
0x7e: {  	s1 =	simm.s32 @!p0 $0x4E1B0;
	p0 =	sne.s32 s0, $0xFFFFFF60  }
.Ltmp1:
0x7f: {  	s1 =	sshrl.u32 s1, $0x3;
	(pc) =	sbr.rel @p0 .LBB2_4-.Ltmp1, $4  }
0x80: {  	s8 =	sadd.s32 s5, s1;
	[tilespmem:v2+s23+$0x0] =	vst.idx.add.f32.msk $0xffff, v1  }
0x81: {  	[tilespmem:s18], [sflag:$0x1] =	stream.linear.gather [hbm4b:s8+s3], $0x50, $0x38;
	[tilespmem:$0x1E080] =	vst v63  }
0x82: {  	s0 =	sadd.s32 $0xA0, s0;
	s1 =	sadd.s32 s6, s1  }
0x83: {  	[tilespmem:s19], [sflag:$0x1] =	stream.linear.gather [hbm4b:s1+s3], $0x50, $0x38;
	[tilespmem:$0x1E080] =	vst v63  }
0x84: {  	_ =	swait.ge [sflag:s20], $0x2800  }
0x85: {  	[sflag:s20] =	ssyncset.done $0x0  }
0x86: {  	[sflag:s20] =	ssyncadd.s32 $0xFFFFD800  }
0x87: {  	_ =	swait.ge [sflag:s14], $0x50  }
0x88: {  	[sflag:s14] =	ssyncset.done $0x0  }
0x89: {  	[sflag:s14] =	ssyncadd.s32 $0xFFFFFFB0  }
0x8a: {  	_ =	swait.ge [sflag:s14], $0x50  }
0x8b: {  	[sflag:s14] =	ssyncset.done $0x0  }
0x8c: {  	s0 =	simm.s32 $0x0;
	s1 =	rddreg [dreg:$0xa];
	[sflag:s14] =	ssyncadd.s32 $0xFFFFFFB0  }
0x8d: {  	[tilespmem:s24], [sflag:$0x3] =	stream.linear.gather [hbm4b:s1+s0], $0x50, $0x38;
	[tilespmem:$0x1E080] =	vst v63  }
0x8e: {  	_ =	swait.ge [sflag:s12], $0x50  }
0x8f: {  	[sflag:s12] =	ssyncset.done $0x0  }
0x90: {  	s8 =	rddreg [dreg:$0xb];
	[sflag:s12] =	ssyncadd.s32 $0xFFFFFFB0  }
0x91: {  	[tilespmem:s25], [sflag:$0x3] =	stream.linear.gather [hbm4b:s8+s0], $0x50, $0x38;
	[tilespmem:$0x1E080] =	vst v63  }
0x92: {  	_ =	swait.ge [sflag:s12], $0x50  }
0x93: {  	[sflag:s12] =	ssyncset.done $0x0  }
0x94: {  	[sflag:s12] =	ssyncadd.s32 $0xFFFFFFB0  }
0x95: {  	[tilespmem:s17], [sflag:$0x2] =	stream.indirect.gather [hbm4b:s4+s15], $0x80, s24, s15, $0xb8;
	[tilespmem:$0x1E080] =	vst v63  }
0x96: {  	_ =	swait.ge [sflag:s20], $0x2800  }
0x97: {  	[sflag:s20] =	ssyncset.done $0x0  }
0x98: {  	[sflag:s20] =	ssyncadd.s32 $0xFFFFD800  }
0x99: {  	[spmem:s2] =	stream.indirect.scatter.add.f32 [tilespmem:s17], [sflag:$0x3], $0x80, s25, s15, $0xb8;
	[tilespmem:$0x1E080] =	vst v63  }
0x9a: {  	_ =	swait.ge [sflag:s12], $0x2800  }
0x9b: {  	[sflag:s12] =	ssyncset.done $0x0  }
0x9c: {  	[sflag:s12] =	ssyncadd.s32 $0xFFFFD800  }
0x9d: {  	v2 =	vld [tilespmem:$0x5280];
	_ =	sdelay $0x7  }
0x9e: {  	[tilespmem:v2+s23+$0x0] =	vst.idx.add.f32.msk $0xffff, v1  }
0x9f: {  	v2 =	vld [tilespmem:$0x5290];
	_ =	sdelay $0x7  }
0xa0: {  	[tilespmem:v2+s23+$0x0] =	vst.idx.add.f32.msk $0xffff, v1  }
0xa1: {  	v2 =	vld [tilespmem:$0x52A0];
	_ =	sdelay $0x7  }
0xa2: {  	[tilespmem:v2+s23+$0x0] =	vst.idx.add.f32.msk $0xffff, v1  }
0xa3: {  	v2 =	vld [tilespmem:$0x52B0];
	_ =	sdelay $0x7  }
0xa4: {  	[tilespmem:v2+s23+$0x0] =	vst.idx.add.f32.msk $0xffff, v1  }
0xa5: {  	v2 =	vld [tilespmem:$0x52C0];
	_ =	sdelay $0x7  }
0xa6: {  	s1 =	rddreg [dreg:$0xc];
	[tilespmem:v2+s23+$0x0] =	vst.idx.add.f32.msk $0xffff, v1  }
0xa7: {  	[spmem:s1] =	stream.strided.scatter [tilespmem:s23], [sflag:$0x3], $0x2800, s26, s18, $0x38;
	[tilespmem:$0x1E080] =	vst v63  }
0xa8: {  	_ =	swait.ge [sflag:s12], $0x2800  }
0xa9: {  	[sflag:s12] =	ssyncset.done $0x0  }
0xaa: {  	[sflag:s12] =	ssyncadd.s32 $0xFFFFD800  }
0xab: {  	[bflag:$0x0] =	sbarrier.arrive $0xFFFF  }
0xac: {  	s7 =	rddreg [dreg:$0xd]  }
0xad: {  	[hbm:s7], [sflag:s9] =	dma.local [spmem:s31], $0x2780  }
0xae: {  	_ =	swait.ge [sflag:s12], $0x2780  }
0xaf: {  	[sflag:s12] =	ssyncset.done $0x0  }
0xb0: {  	[sflag:s12] =	ssyncadd.s32 $0xFFFFD880  }
0xb1: {  	[tilespmem:s28], [sflag:$0x3] =	stream.strided.gather [spmem:s16], $0x280, s26, s18, $0x38;
	[tilespmem:$0x1E080] =	vst v63  }
0xb2: {  	_ =	swait.ge [sflag:s12], $0x280  }
0xb3: {  	[sflag:s12] =	ssyncset.done $0x0  }
0xb4: {  	s8 =	rddreg [dreg:$0xe];
	[sflag:s12] =	ssyncadd.s32 $0xFFFFFD80  }
0xb5: {  	[tilespmem:s29], [sflag:$0x3] =	stream.strided.gather [spmem:s8], $0x280, s26, s18, $0x38;
	[tilespmem:$0x1E080] =	vst v63  }
0xb6: {  	_ =	swait.ge [sflag:s12], $0x280  }
0xb7: {  	[sflag:s12] =	ssyncset.done $0x0  }
0xb8: {  	s0 =	simm.s32 $0x0;
	[sflag:s12] =	ssyncadd.s32 $0xFFFFFD80  }
0xb9: {  	s31 =	simm.s32 $0x40;
	v2 =	vld [tilespmem:s0+$0x1B380]  }
.LBB2_6:
0xba: {  	p0 =	sne.s32 s31, $0x9C0;
	v3 =	vld [tilespmem:s0+$0x1B600];
	_ =	sdelay $0x2  }
.Ltmp2:
0xbb: {  	(pc) =	sbr.rel @p0 .LBB2_6-.Ltmp2, $4  }
0xbc: {  	_ = 	snop  }
0xbd: {  	v3 =	vadd.f32 v2, v3  }
0xbe: {  	s1 =	sshra.s32 s31, $0x2  }
0xbf: {  	s31 =	sadd.s32 $0x40, s31;
	v2 =	vld [tilespmem:s1+$0x1B380];
	[tilespmem:s0+$0x1B600] =	vst v3;
	s0 =	smov.u32 s1  }
0xc0: {  	v3 =	vld [tilespmem:s0+$0x1B600];
	_ =	sdelay $0x4  }
0xc1: {  	v2 =	vadd.f32 v2, v3;
	_ =	sdelay $0x1  }
0xc2: {  	s8 =	rddreg [dreg:$0xf];
	[tilespmem:s0+$0x1B600] =	vst v2  }
0xc3: {  	[tilespmem:s29], [sflag:$0x3] =	stream.strided.gather [spmem:s8], $0x280, s26, s18, $0x38;
	[tilespmem:$0x1E080] =	vst v63  }
0xc4: {  	_ =	swait.ge [sflag:s12], $0x280  }
0xc5: {  	[sflag:s12] =	ssyncset.done $0x0  }
0xc6: {  	s0 =	simm.s32 $0x0;
	[sflag:s12] =	ssyncadd.s32 $0xFFFFFD80  }
0xc7: {  	s31 =	simm.s32 $0x40;
	v2 =	vld [tilespmem:s0+$0x1B380]  }
.LBB2_8:
0xc8: {  	p0 =	sne.s32 s31, $0x9C0;
	v3 =	vld [tilespmem:s0+$0x1B600];
	_ =	sdelay $0x2  }
.Ltmp3:
0xc9: {  	(pc) =	sbr.rel @p0 .LBB2_8-.Ltmp3, $4  }
0xca: {  	_ = 	snop  }
0xcb: {  	v3 =	vadd.f32 v2, v3  }
0xcc: {  	s1 =	sshra.s32 s31, $0x2  }
0xcd: {  	s31 =	sadd.s32 $0x40, s31;
	v2 =	vld [tilespmem:s1+$0x1B380];
	[tilespmem:s0+$0x1B600] =	vst v3;
	s0 =	smov.u32 s1  }
0xce: {  	v3 =	vld [tilespmem:s0+$0x1B600];
	_ =	sdelay $0x4  }
0xcf: {  	v2 =	vadd.f32 v2, v3;
	_ =	sdelay $0x1  }
0xd0: {  	s8 =	rddreg [dreg:$0x10];
	[tilespmem:s0+$0x1B600] =	vst v2  }
0xd1: {  	[tilespmem:s29], [sflag:$0x3] =	stream.strided.gather [spmem:s8], $0x280, s26, s18, $0x38;
	[tilespmem:$0x1E080] =	vst v63  }
0xd2: {  	_ =	swait.ge [sflag:s12], $0x280  }
0xd3: {  	[sflag:s12] =	ssyncset.done $0x0  }
0xd4: {  	s0 =	simm.s32 $0x0;
	[sflag:s12] =	ssyncadd.s32 $0xFFFFFD80  }
0xd5: {  	s31 =	simm.s32 $0x40;
	v2 =	vld [tilespmem:s0+$0x1B380]  }
.LBB2_10:
0xd6: {  	p0 =	sne.s32 s31, $0x9C0;
	v3 =	vld [tilespmem:s0+$0x1B600];
	_ =	sdelay $0x2  }
.Ltmp4:
0xd7: {  	(pc) =	sbr.rel @p0 .LBB2_10-.Ltmp4, $4  }
0xd8: {  	_ = 	snop  }
0xd9: {  	v3 =	vadd.f32 v2, v3  }
0xda: {  	s1 =	sshra.s32 s31, $0x2  }
0xdb: {  	s31 =	sadd.s32 $0x40, s31;
	v2 =	vld [tilespmem:s1+$0x1B380];
	[tilespmem:s0+$0x1B600] =	vst v3;
	s0 =	smov.u32 s1  }
0xdc: {  	v3 =	vld [tilespmem:s0+$0x1B600];
	_ =	sdelay $0x4  }
0xdd: {  	v2 =	vadd.f32 v2, v3;
	_ =	sdelay $0x1  }
0xde: {  	s8 =	rddreg [dreg:$0x11];
	[tilespmem:s0+$0x1B600] =	vst v2  }
0xdf: {  	[tilespmem:s29], [sflag:$0x3] =	stream.strided.gather [spmem:s8], $0x280, s26, s18, $0x38;
	[tilespmem:$0x1E080] =	vst v63  }
0xe0: {  	_ =	swait.ge [sflag:s12], $0x280  }
0xe1: {  	[sflag:s12] =	ssyncset.done $0x0  }
0xe2: {  	s0 =	simm.s32 $0x0;
	[sflag:s12] =	ssyncadd.s32 $0xFFFFFD80  }
0xe3: {  	s31 =	simm.s32 $0x40;
	v2 =	vld [tilespmem:s0+$0x1B380]  }
.LBB2_12:
0xe4: {  	p0 =	sne.s32 s31, $0x9C0;
	v3 =	vld [tilespmem:s0+$0x1B600];
	_ =	sdelay $0x2  }
.Ltmp5:
0xe5: {  	(pc) =	sbr.rel @p0 .LBB2_12-.Ltmp5, $4  }
0xe6: {  	_ = 	snop  }
0xe7: {  	v3 =	vadd.f32 v2, v3  }
0xe8: {  	s1 =	sshra.s32 s31, $0x2  }
0xe9: {  	s31 =	sadd.s32 $0x40, s31;
	v2 =	vld [tilespmem:s1+$0x1B380];
	[tilespmem:s0+$0x1B600] =	vst v3;
	s0 =	smov.u32 s1  }
0xea: {  	v3 =	vld [tilespmem:s0+$0x1B600];
	_ =	sdelay $0x4  }
0xeb: {  	v2 =	vadd.f32 v2, v3;
	_ =	sdelay $0x1  }
0xec: {  	s8 =	rddreg [dreg:$0x14];
	[tilespmem:s0+$0x1B600] =	vst v2  }
0xed: {  	[tilespmem:s29], [sflag:$0x3] =	stream.strided.gather [spmem:s8], $0x280, s26, s18, $0x38;
	[tilespmem:$0x1E080] =	vst v63  }
0xee: {  	_ =	swait.ge [sflag:s12], $0x280  }
0xef: {  	[sflag:s12] =	ssyncset.done $0x0  }
0xf0: {  	s0 =	simm.s32 $0x0;
	[sflag:s12] =	ssyncadd.s32 $0xFFFFFD80  }
0xf1: {  	s31 =	simm.s32 $0x40;
	v2 =	vld [tilespmem:s0+$0x1B380]  }
.LBB2_14:
0xf2: {  	p0 =	sne.s32 s31, $0x9C0;
	v3 =	vld [tilespmem:s0+$0x1B600];
	_ =	sdelay $0x2  }
.Ltmp6:
0xf3: {  	(pc) =	sbr.rel @p0 .LBB2_14-.Ltmp6, $4  }
0xf4: {  	_ = 	snop  }
0xf5: {  	v3 =	vadd.f32 v2, v3  }
0xf6: {  	s1 =	sshra.s32 s31, $0x2  }
0xf7: {  	s31 =	sadd.s32 $0x40, s31;
	v2 =	vld [tilespmem:s1+$0x1B380];
	[tilespmem:s0+$0x1B600] =	vst v3;
	s0 =	smov.u32 s1  }
0xf8: {  	v3 =	vld [tilespmem:s0+$0x1B600];
	_ =	sdelay $0x4  }
0xf9: {  	v2 =	vadd.f32 v2, v3;
	_ =	sdelay $0x1  }
0xfa: {  	s8 =	rddreg [dreg:$0x15];
	[tilespmem:s0+$0x1B600] =	vst v2  }
0xfb: {  	[tilespmem:s29], [sflag:$0x3] =	stream.strided.gather [spmem:s8], $0x280, s26, s18, $0x38;
	[tilespmem:$0x1E080] =	vst v63  }
0xfc: {  	_ =	swait.ge [sflag:s12], $0x280  }
0xfd: {  	[sflag:s12] =	ssyncset.done $0x0  }
0xfe: {  	s0 =	simm.s32 $0x0;
	[sflag:s12] =	ssyncadd.s32 $0xFFFFFD80  }
0xff: {  	s31 =	simm.s32 $0x40;
	v2 =	vld [tilespmem:s0+$0x1B380]  }
.LBB2_16:
0x100: {  	p0 =	sne.s32 s31, $0x9C0;
	v3 =	vld [tilespmem:s0+$0x1B600];
	_ =	sdelay $0x2  }
.Ltmp7:
0x101: {  	(pc) =	sbr.rel @p0 .LBB2_16-.Ltmp7, $4  }
0x102: {  	_ = 	snop  }
0x103: {  	v3 =	vadd.f32 v2, v3  }
0x104: {  	s1 =	sshra.s32 s31, $0x2  }
0x105: {  	s31 =	sadd.s32 $0x40, s31;
	v2 =	vld [tilespmem:s1+$0x1B380];
	[tilespmem:s0+$0x1B600] =	vst v3;
	s0 =	smov.u32 s1  }
0x106: {  	v3 =	vld [tilespmem:s0+$0x1B600];
	_ =	sdelay $0x4  }
0x107: {  	v2 =	vadd.f32 v2, v3;
	_ =	sdelay $0x1  }
0x108: {  	s8 =	rddreg [dreg:$0x16];
	[tilespmem:s0+$0x1B600] =	vst v2  }
0x109: {  	[tilespmem:s29], [sflag:$0x3] =	stream.strided.gather [spmem:s8], $0x280, s26, s18, $0x38;
	[tilespmem:$0x1E080] =	vst v63  }
0x10a: {  	_ =	swait.ge [sflag:s12], $0x280  }
0x10b: {  	[sflag:s12] =	ssyncset.done $0x0  }
0x10c: {  	s0 =	simm.s32 $0x0;
	[sflag:s12] =	ssyncadd.s32 $0xFFFFFD80  }
0x10d: {  	s31 =	simm.s32 $0x40;
	v2 =	vld [tilespmem:s0+$0x1B380]  }
.LBB2_18:
0x10e: {  	p0 =	sne.s32 s31, $0x9C0;
	v3 =	vld [tilespmem:s0+$0x1B600];
	_ =	sdelay $0x2  }
.Ltmp8:
0x10f: {  	(pc) =	sbr.rel @p0 .LBB2_18-.Ltmp8, $4  }
0x110: {  	_ = 	snop  }
0x111: {  	v3 =	vadd.f32 v2, v3  }
0x112: {  	s1 =	sshra.s32 s31, $0x2  }
0x113: {  	s31 =	sadd.s32 $0x40, s31;
	v2 =	vld [tilespmem:s1+$0x1B380];
	[tilespmem:s0+$0x1B600] =	vst v3;
	s0 =	smov.u32 s1  }
0x114: {  	v3 =	vld [tilespmem:s0+$0x1B600];
	_ =	sdelay $0x4  }
0x115: {  	v2 =	vadd.f32 v2, v3;
	_ =	sdelay $0x1  }
0x116: {  	s8 =	rddreg [dreg:$0x17];
	[tilespmem:s0+$0x1B600] =	vst v2  }
0x117: {  	[tilespmem:s29], [sflag:$0x3] =	stream.strided.gather [spmem:s8], $0x280, s26, s18, $0x38;
	[tilespmem:$0x1E080] =	vst v63  }
0x118: {  	_ =	swait.ge [sflag:s12], $0x280  }
0x119: {  	[sflag:s12] =	ssyncset.done $0x0  }
0x11a: {  	s0 =	simm.s32 $0x0;
	[sflag:s12] =	ssyncadd.s32 $0xFFFFFD80  }
0x11b: {  	s31 =	simm.s32 $0x40;
	v2 =	vld [tilespmem:s0+$0x1B380]  }
.LBB2_20:
0x11c: {  	p0 =	sne.s32 s31, $0x9C0;
	v3 =	vld [tilespmem:s0+$0x1B600];
	_ =	sdelay $0x2  }
.Ltmp9:
0x11d: {  	(pc) =	sbr.rel @p0 .LBB2_20-.Ltmp9, $4  }
0x11e: {  	_ = 	snop  }
0x11f: {  	v3 =	vadd.f32 v2, v3  }
0x120: {  	s1 =	sshra.s32 s31, $0x2  }
0x121: {  	s31 =	sadd.s32 $0x40, s31;
	v2 =	vld [tilespmem:s1+$0x1B380];
	[tilespmem:s0+$0x1B600] =	vst v3;
	s0 =	smov.u32 s1  }
0x122: {  	v3 =	vld [tilespmem:s0+$0x1B600];
	_ =	sdelay $0x4  }
0x123: {  	v2 =	vadd.f32 v2, v3;
	_ =	sdelay $0x1  }
0x124: {  	s8 =	rddreg [dreg:$0x18];
	[tilespmem:s0+$0x1B600] =	vst v2  }
0x125: {  	[tilespmem:s29], [sflag:$0x3] =	stream.strided.gather [spmem:s8], $0x280, s26, s18, $0x38;
	[tilespmem:$0x1E080] =	vst v63  }
0x126: {  	_ =	swait.ge [sflag:s12], $0x280  }
0x127: {  	[sflag:s12] =	ssyncset.done $0x0  }
0x128: {  	s0 =	simm.s32 $0x0;
	[sflag:s12] =	ssyncadd.s32 $0xFFFFFD80  }
0x129: {  	s31 =	simm.s32 $0x40;
	v2 =	vld [tilespmem:s0+$0x1B380]  }
.LBB2_22:
0x12a: {  	p0 =	sne.s32 s31, $0x9C0;
	v3 =	vld [tilespmem:s0+$0x1B600];
	_ =	sdelay $0x2  }
.Ltmp10:
0x12b: {  	(pc) =	sbr.rel @p0 .LBB2_22-.Ltmp10, $4  }
0x12c: {  	_ = 	snop  }
0x12d: {  	v3 =	vadd.f32 v2, v3  }
0x12e: {  	s1 =	sshra.s32 s31, $0x2  }
0x12f: {  	s31 =	sadd.s32 $0x40, s31;
	v2 =	vld [tilespmem:s1+$0x1B380];
	[tilespmem:s0+$0x1B600] =	vst v3;
	s0 =	smov.u32 s1  }
0x130: {  	v3 =	vld [tilespmem:s0+$0x1B600];
	_ =	sdelay $0x4  }
0x131: {  	v2 =	vadd.f32 v2, v3;
	_ =	sdelay $0x1  }
0x132: {  	s8 =	rddreg [dreg:$0x19];
	[tilespmem:s0+$0x1B600] =	vst v2  }
0x133: {  	[tilespmem:s29], [sflag:$0x3] =	stream.strided.gather [spmem:s8], $0x280, s26, s18, $0x38;
	[tilespmem:$0x1E080] =	vst v63  }
0x134: {  	_ =	swait.ge [sflag:s12], $0x280  }
0x135: {  	[sflag:s12] =	ssyncset.done $0x0  }
0x136: {  	s0 =	simm.s32 $0x0;
	[sflag:s12] =	ssyncadd.s32 $0xFFFFFD80  }
0x137: {  	s31 =	simm.s32 $0x40;
	v2 =	vld [tilespmem:s0+$0x1B380]  }
.LBB2_24:
0x138: {  	p0 =	sne.s32 s31, $0x9C0;
	v3 =	vld [tilespmem:s0+$0x1B600];
	_ =	sdelay $0x2  }
.Ltmp11:
0x139: {  	(pc) =	sbr.rel @p0 .LBB2_24-.Ltmp11, $4  }
0x13a: {  	_ = 	snop  }
0x13b: {  	v3 =	vadd.f32 v2, v3  }
0x13c: {  	s1 =	sshra.s32 s31, $0x2  }
0x13d: {  	s31 =	sadd.s32 $0x40, s31;
	v2 =	vld [tilespmem:s1+$0x1B380];
	[tilespmem:s0+$0x1B600] =	vst v3;
	s0 =	smov.u32 s1  }
0x13e: {  	v3 =	vld [tilespmem:s0+$0x1B600];
	_ =	sdelay $0x4  }
0x13f: {  	v2 =	vadd.f32 v2, v3;
	_ =	sdelay $0x1  }
0x140: {  	s8 =	rddreg [dreg:$0x1a];
	[tilespmem:s0+$0x1B600] =	vst v2  }
0x141: {  	[tilespmem:s29], [sflag:$0x3] =	stream.strided.gather [spmem:s8], $0x280, s26, s18, $0x38;
	[tilespmem:$0x1E080] =	vst v63  }
0x142: {  	_ =	swait.ge [sflag:s12], $0x280  }
0x143: {  	[sflag:s12] =	ssyncset.done $0x0  }
0x144: {  	s0 =	simm.s32 $0x0;
	[sflag:s12] =	ssyncadd.s32 $0xFFFFFD80  }
0x145: {  	s31 =	simm.s32 $0x40;
	v2 =	vld [tilespmem:s0+$0x1B380]  }
.LBB2_26:
0x146: {  	p0 =	sne.s32 s31, $0x9C0;
	v3 =	vld [tilespmem:s0+$0x1B600];
	_ =	sdelay $0x2  }
.Ltmp12:
0x147: {  	(pc) =	sbr.rel @p0 .LBB2_26-.Ltmp12, $4  }
0x148: {  	_ = 	snop  }
0x149: {  	v3 =	vadd.f32 v2, v3  }
0x14a: {  	s1 =	sshra.s32 s31, $0x2  }
0x14b: {  	s31 =	sadd.s32 $0x40, s31;
	v2 =	vld [tilespmem:s1+$0x1B380];
	[tilespmem:s0+$0x1B600] =	vst v3;
	s0 =	smov.u32 s1  }
0x14c: {  	v3 =	vld [tilespmem:s0+$0x1B600];
	_ =	sdelay $0x4  }
0x14d: {  	v2 =	vadd.f32 v2, v3;
	_ =	sdelay $0x1  }
0x14e: {  	s8 =	rddreg [dreg:$0x1b];
	[tilespmem:s0+$0x1B600] =	vst v2  }
0x14f: {  	[tilespmem:s29], [sflag:$0x3] =	stream.strided.gather [spmem:s8], $0x280, s26, s18, $0x38;
	[tilespmem:$0x1E080] =	vst v63  }
0x150: {  	_ =	swait.ge [sflag:s12], $0x280  }
0x151: {  	[sflag:s12] =	ssyncset.done $0x0  }
0x152: {  	s0 =	simm.s32 $0x0;
	[sflag:s12] =	ssyncadd.s32 $0xFFFFFD80  }
0x153: {  	s31 =	simm.s32 $0x40;
	v2 =	vld [tilespmem:s0+$0x1B380]  }
.LBB2_28:
0x154: {  	p0 =	sne.s32 s31, $0x9C0;
	v3 =	vld [tilespmem:s0+$0x1B600];
	_ =	sdelay $0x2  }
.Ltmp13:
0x155: {  	(pc) =	sbr.rel @p0 .LBB2_28-.Ltmp13, $4  }
0x156: {  	_ = 	snop  }
0x157: {  	v3 =	vadd.f32 v2, v3  }
0x158: {  	s1 =	sshra.s32 s31, $0x2  }
0x159: {  	s31 =	sadd.s32 $0x40, s31;
	v2 =	vld [tilespmem:s1+$0x1B380];
	[tilespmem:s0+$0x1B600] =	vst v3;
	s0 =	smov.u32 s1  }
0x15a: {  	v3 =	vld [tilespmem:s0+$0x1B600];
	_ =	sdelay $0x4  }
0x15b: {  	v2 =	vadd.f32 v2, v3;
	_ =	sdelay $0x1  }
0x15c: {  	s8 =	rddreg [dreg:$0x1c];
	[tilespmem:s0+$0x1B600] =	vst v2  }
0x15d: {  	[tilespmem:s29], [sflag:$0x3] =	stream.strided.gather [spmem:s8], $0x280, s26, s18, $0x38;
	[tilespmem:$0x1E080] =	vst v63  }
0x15e: {  	_ =	swait.ge [sflag:s12], $0x280  }
0x15f: {  	[sflag:s12] =	ssyncset.done $0x0  }
0x160: {  	s0 =	simm.s32 $0x0;
	[sflag:s12] =	ssyncadd.s32 $0xFFFFFD80  }
0x161: {  	s31 =	simm.s32 $0x40;
	v2 =	vld [tilespmem:s0+$0x1B380]  }
.LBB2_30:
0x162: {  	p0 =	sne.s32 s31, $0x9C0;
	v3 =	vld [tilespmem:s0+$0x1B600];
	_ =	sdelay $0x2  }
.Ltmp14:
0x163: {  	(pc) =	sbr.rel @p0 .LBB2_30-.Ltmp14, $4  }
0x164: {  	_ = 	snop  }
0x165: {  	v3 =	vadd.f32 v2, v3  }
0x166: {  	s1 =	sshra.s32 s31, $0x2  }
0x167: {  	s31 =	sadd.s32 $0x40, s31;
	v2 =	vld [tilespmem:s1+$0x1B380];
	[tilespmem:s0+$0x1B600] =	vst v3;
	s0 =	smov.u32 s1  }
0x168: {  	v3 =	vld [tilespmem:s0+$0x1B600];
	_ =	sdelay $0x4  }
0x169: {  	v2 =	vadd.f32 v2, v3;
	_ =	sdelay $0x1  }
0x16a: {  	[tilespmem:s0+$0x1B600] =	vst v2  }
0x16b: {  	[tilespmem:s29], [sflag:$0x3] =	stream.strided.gather [spmem:s10], $0x280, s26, s18, $0x38;
	[tilespmem:$0x1E080] =	vst v63  }
0x16c: {  	_ =	swait.ge [sflag:s12], $0x280  }
0x16d: {  	[sflag:s12] =	ssyncset.done $0x0  }
0x16e: {  	s0 =	simm.s32 $0x0;
	[sflag:s12] =	ssyncadd.s32 $0xFFFFFD80  }
0x16f: {  	s31 =	simm.s32 $0x40;
	v2 =	vld [tilespmem:s0+$0x1B380]  }
.LBB2_32:
0x170: {  	p0 =	sne.s32 s31, $0x9C0;
	v3 =	vld [tilespmem:s0+$0x1B600];
	_ =	sdelay $0x2  }
.Ltmp15:
0x171: {  	(pc) =	sbr.rel @p0 .LBB2_32-.Ltmp15, $4  }
0x172: {  	_ = 	snop  }
0x173: {  	v3 =	vadd.f32 v2, v3  }
0x174: {  	s1 =	sshra.s32 s31, $0x2  }
0x175: {  	s31 =	sadd.s32 $0x40, s31;
	v2 =	vld [tilespmem:s1+$0x1B380];
	[tilespmem:s0+$0x1B600] =	vst v3;
	s0 =	smov.u32 s1  }
0x176: {  	v3 =	vld [tilespmem:s0+$0x1B600];
	_ =	sdelay $0x4  }
0x177: {  	v2 =	vadd.f32 v2, v3;
	_ =	sdelay $0x1  }
0x178: {  	[tilespmem:s0+$0x1B600] =	vst v2  }
0x179: {  	[tilespmem:s29], [sflag:$0x3] =	stream.strided.gather [spmem:s11], $0x280, s26, s18, $0x38;
	[tilespmem:$0x1E080] =	vst v63  }
0x17a: {  	_ =	swait.ge [sflag:s12], $0x280  }
0x17b: {  	[sflag:s12] =	ssyncset.done $0x0  }
0x17c: {  	s0 =	simm.s32 $0x0;
	[sflag:s12] =	ssyncadd.s32 $0xFFFFFD80  }
0x17d: {  	s31 =	simm.s32 $0x40;
	v2 =	vld [tilespmem:s0+$0x1B380]  }
.LBB2_34:
0x17e: {  	p0 =	sne.s32 s31, $0x9C0;
	v3 =	vld [tilespmem:s0+$0x1B600];
	_ =	sdelay $0x2  }
.Ltmp16:
0x17f: {  	(pc) =	sbr.rel @p0 .LBB2_34-.Ltmp16, $4  }
0x180: {  	_ = 	snop  }
0x181: {  	v3 =	vadd.f32 v2, v3  }
0x182: {  	s1 =	sshra.s32 s31, $0x2  }
0x183: {  	s31 =	sadd.s32 $0x40, s31;
	v2 =	vld [tilespmem:s1+$0x1B380];
	[tilespmem:s0+$0x1B600] =	vst v3;
	s0 =	smov.u32 s1  }
0x184: {  	v3 =	vld [tilespmem:s0+$0x1B600];
	_ =	sdelay $0x4  }
0x185: {  	v2 =	vadd.f32 v2, v3;
	_ =	sdelay $0x1  }
0x186: {  	s8 =	rddreg [dreg:$0x12];
	[tilespmem:s0+$0x1B600] =	vst v2  }
0x187: {  	[hbm4b:s8+s3] =	stream.linear.scatter [tilespmem:s28], [sflag:$0x3], $0x280, $0x38;
	[tilespmem:$0x1E080] =	vst v63  }
0x188: {  	_ =	swait.ge [sflag:s12], $0x280  }
0x189: {  	s30 =	sadd.s32 $0x1, s30;
	s31 =	rddreg [dreg:$0x13]  }
0x18a: {  	p0 =	sne.s32 s30, s31  }
.Ltmp17:
0x18b: {  	_ = 	snop;
	(pc) =	sbr.rel @p0 .LBB2_1-.Ltmp17, $3  }
0x18c: {  	_ =	sdelay $0x1  }
0x18d: {  	[sflag:s12] =	ssyncset.done $0x0  }
0x18e: {  	[sflag:s12] =	ssyncadd.s32 $0xFFFFFD80  }
0x18f: {  	_ =	sfence.sel $0x180000  }
0x190: {  	[bflag:$0x0] =	sbarrier.arrive $0xFFFF  }
0x191: {  	_ =	strace $0x90000047  }
0x192: {  	s0 =	stileid.u32;
	[bflag:$0x2] =	sbarrier.arrive $0xFFFF  }
0x193: {  	p0 =	sne.s32 s0, $0x0;
	s0 =	rddreg [dreg:$0x3]  }
0x194: {  	s0 =	sadd.s32 @!p0 $0x100000, s0  }
0x195: {  	[sflag:s0] =	ssyncadd.tile.s32 @!p0 $0x1;
	_ =	shalt  }
.Lfunc_end2:
_tile_overlayer_lowered:
.L_overlay_start_2:
0x196: {  	(tag) =	ssettag $0x2  }
0x197: {  	s0 =	rddreg [dreg:$0x0];
	s2 =	stileid.u32  }
0x198: {  	s1 =	rddreg [dreg:$0x1];
	p0 =	sne.s32 s2, $0x0  }
0x199: {  	s3 =	rddreg [dreg:$0x2];
	[bflag:$0x3] =	sbarrier.arrive $0xFFFF;
	s2 =	simm.s32 @!p0 $0x1C03  }
0x19a: {  	[timem:s3], [sflag:s2] =	dma.local @!p0 [hbm:s0], s1  }
0x19b: {  	s0 =	simm.s32 @!p0 $0x3  }
0x19c: {  	_ =	swait.ge @!p0 [sflag:s0], s1  }
0x19d: {  	s1 =	ssub.s32 @!p0 $0x0, s1;
	[sflag:s0] =	ssyncset.done @!p0 $0x0  }
0x19e: {  	[sflag:s0] =	ssyncadd.s32 @!p0 s1  }
0x19f: {  	[bflag:$0x3] =	sbarrier.arrive $0xFFFF  }
0x1a0: {  	_ =	shalt  }

</sc_bundles>
